<compile_context>
chip_gen: v7x
topology: tpu7x:2x2x1
jax: 0.10.2.dev20260603
libtpu: 0.0.44.dev20260713+nightly
codegen_flags: <defaults>
</compile_context>

<pallas_src>
import functools

import jax
import jax.numpy as jnp
from jax import lax
from jax.experimental import pallas as pl
from jax.experimental.pallas import tpu as pltpu
from jax.experimental.pallas import tpu_sc as plsc

_NS = 16
_NC = 2
_K = 128


def _round_up(x, m):
    return (x + m - 1) // m * m


def _make_deg_kernel(NPAD, EW):
    rows_per_sub = EW // _NS
    M = NPAD // _NS
    mesh = plsc.VectorSubcoreMesh(core_axis_name="c", subcore_axis_name="s")

    @functools.partial(
        pl.kernel,
        out_type=jax.ShapeDtypeStruct((2, NPAD), jnp.float32),
        mesh=mesh,
        scratch_types=[
            pltpu.VMEM_SHARED((_NS, NPAD), jnp.float32),
            pltpu.VMEM((rows_per_sub, _K), jnp.int32),
            pltpu.VMEM((NPAD,), jnp.float32),
            pltpu.VMEM((M,), jnp.float32),
            pltpu.VMEM((M,), jnp.float32),
        ],
        compiler_params=pltpu.CompilerParams(needs_layout_passes=False),
    )
    def deg_kernel(edges_hbm, out_hbm, stage_sh, idx_v, hist_v, red_v, tmp_v):
        c = lax.axis_index("c")
        s = lax.axis_index("s")

        def fill_zero(i, carry):
            hist_v[pl.ds(i * 16, 16)] = jnp.zeros((16,), jnp.float32)
            return carry

        lax.fori_loop(0, NPAD // 16, fill_zero, 0)
        pltpu.sync_copy(edges_hbm.at[c, pl.ds(s * rows_per_sub, rows_per_sub)],
                        idx_v)

        ones = jnp.full((16,), 1.0, jnp.float32)
        ng = _K // 16

        def body(i, carry):
            idx = idx_v[i // ng, pl.ds((i % ng) * 16, 16)]
            plsc.addupdate_scatter(hist_v, [idx], ones)
            return carry

        lax.fori_loop(0, rows_per_sub * ng, body, 0)
        pltpu.sync_copy(hist_v, stage_sh.at[s])
        plsc.subcore_barrier()

        def rz(i, carry):
            red_v[pl.ds(i * 16, 16)] = jnp.zeros((16,), jnp.float32)
            return carry

        lax.fori_loop(0, M // 16, rz, 0)
        for t in range(_NS):
            pltpu.sync_copy(stage_sh.at[t, pl.ds(s * M, M)], tmp_v)

            def racc(i, carry):
                sl = pl.ds(i * 16, 16)
                red_v[sl] = red_v[sl] + tmp_v[sl]
                return carry

            lax.fori_loop(0, M // 16, racc, 0)
        pltpu.sync_copy(red_v, out_hbm.at[c, pl.ds(s * M, M)])

    return deg_kernel


def _make_agg_kernel(NPAD, EW, D):
    NW = _NS * _NC
    cpw = EW // NW
    zrows = NPAD // _NS
    zc = zrows // _K
    assert zrows % _K == 0
    mesh = plsc.VectorSubcoreMesh(core_axis_name="c", subcore_axis_name="s")

    @functools.partial(
        pl.kernel,
        out_type=jax.ShapeDtypeStruct((_NC, NPAD, D), jnp.float32),
        mesh=mesh,
        scratch_types=[
            pltpu.VMEM_SHARED((NPAD, D), jnp.float32),
            pltpu.VMEM((cpw // 2, _K), jnp.int32),
            pltpu.VMEM((cpw // 2, _K), jnp.int32),
            pltpu.VMEM((_K, D), jnp.float32),
            pltpu.VMEM((_K, D), jnp.float32),
            pltpu.SemaphoreType.DMA,
            pltpu.SemaphoreType.DMA,
        ],
    )
    def agg_kernel(h_hbm, edges_hbm, out_hbm, agg_sh, sidx_v, didx_v,
                   ga_v, gb_v, sema, semb):
        c = lax.axis_index("c")
        s = lax.axis_index("s")
        w = s * _NC + c

        nk = D // 16

        def fill_zero(i, carry):
            ga_v[i // nk, pl.ds((i % nk) * 16, 16)] = jnp.zeros((16,), jnp.float32)
            return carry

        lax.fori_loop(0, _K * nk, fill_zero, 0)
        for t in range(zc):
            pltpu.sync_copy(ga_v, agg_sh.at[pl.ds(s * zrows + t * _K, _K)])
        plsc.subcore_barrier()

        hc = cpw // 2
        nt = hc // 2
        for p in range(2):
            pltpu.sync_copy(edges_hbm.at[0, pl.ds(w * cpw + p * hc, hc)], sidx_v)
            pltpu.sync_copy(edges_hbm.at[1, pl.ds(w * cpw + p * hc, hc)], didx_v)
            pltpu.async_copy(h_hbm.at[sidx_v.at[0]], ga_v, sema)

            def body(t, carry):
                j0 = 2 * t
                pltpu.async_copy(h_hbm.at[sidx_v.at[j0 + 1]], gb_v, semb)
                pltpu.make_async_copy(h_hbm.at[sidx_v.at[j0]], ga_v, sema).wait()
                pltpu.sync_copy(ga_v, agg_sh.at[didx_v.at[j0]], add=True)

                @pl.when(t + 1 < nt)
                def _():
                    pltpu.async_copy(h_hbm.at[sidx_v.at[j0 + 2]], ga_v, sema)

                pltpu.make_async_copy(h_hbm.at[sidx_v.at[j0 + 1]], gb_v, semb).wait()
                pltpu.sync_copy(gb_v, agg_sh.at[didx_v.at[j0 + 1]], add=True)
                return carry

            lax.fori_loop(0, nt, body, 0)
        plsc.subcore_barrier()
        pltpu.sync_copy(agg_sh.at[pl.ds(s * zrows, zrows)],
                        out_hbm.at[c, pl.ds(s * zrows, zrows)])

    return agg_kernel


_BM = 512


def _tc1(features_p, W1, degtab):
    NPAD, DIN = features_p.shape
    DH = W1.shape[1]

    def body(f_ref, w_ref, d_ref, o_ref):
        h = jnp.dot(f_ref[...], w_ref[...], preferred_element_type=jnp.float32)
        norm = lax.rsqrt(jnp.maximum(d_ref[0], 1.0))[:, None]
        o_ref[...] = h * norm

    return pl.pallas_call(
        body,
        grid=(NPAD // _BM,),
        in_specs=[
            pl.BlockSpec((_BM, DIN), lambda m: (m, 0)),
            pl.BlockSpec((DIN, DH), lambda m: (0, 0)),
            pl.BlockSpec((2, _BM), lambda m: (0, m)),
        ],
        out_specs=pl.BlockSpec((_BM, DH), lambda m: (m, 0)),
        out_shape=jax.ShapeDtypeStruct((NPAD, DH), jnp.float32),
    )(features_p, W1, degtab)


def _tc2(partials, degtab, b1, W2):
    _, NPAD, DH = partials.shape
    DO = W2.shape[1]

    def body(p_ref, d_ref, b_ref, w_ref, o_ref):
        x = p_ref[0] + p_ref[1]
        norm_in = lax.rsqrt(jnp.maximum(d_ref[1], 1.0))[:, None]
        norm_out = lax.rsqrt(jnp.maximum(d_ref[0], 1.0))[:, None]
        h = jnp.maximum(x * norm_in + b_ref[...], 0.0)
        h = jnp.dot(h, w_ref[...], preferred_element_type=jnp.float32)
        o_ref[...] = jnp.pad(h * norm_out, ((0, 0), (0, DH - DO)))

    return pl.pallas_call(
        body,
        grid=(NPAD // _BM,),
        in_specs=[
            pl.BlockSpec((2, _BM, DH), lambda m: (0, m, 0)),
            pl.BlockSpec((2, _BM), lambda m: (0, m)),
            pl.BlockSpec((1, DH), lambda m: (0, 0)),
            pl.BlockSpec((DH, DO), lambda m: (0, 0)),
        ],
        out_specs=pl.BlockSpec((_BM, DH), lambda m: (m, 0)),
        out_shape=jax.ShapeDtypeStruct((NPAD, DH), jnp.float32),
    )(partials, degtab, b1, W2)


def _tc3(partials, degtab, b2, DO):
    _, NPAD, DH = partials.shape

    def body(p_ref, d_ref, b_ref, o_ref):
        x = (p_ref[0] + p_ref[1])[:, :DO]
        norm_in = lax.rsqrt(jnp.maximum(d_ref[1], 1.0))[:, None]
        o_ref[...] = x * norm_in + b_ref[...]

    return pl.pallas_call(
        body,
        grid=(NPAD // _BM,),
        in_specs=[
            pl.BlockSpec((2, _BM, DH), lambda m: (0, m, 0)),
            pl.BlockSpec((2, _BM), lambda m: (0, m)),
            pl.BlockSpec((1, DO), lambda m: (0, 0)),
        ],
        out_specs=pl.BlockSpec((_BM, DO), lambda m: (m, 0)),
        out_shape=jax.ShapeDtypeStruct((NPAD, DO), jnp.float32),
    )(partials, degtab, b2)


def kernel(features, edge_index, W1, b1, W2, b2):
    N, DIN = features.shape
    E = edge_index.shape[1]
    NPAD = _round_up(N + 1, 2560)
    EPAD = _round_up(E, _NS * _NC * _K * 8)
    EW = EPAD // _K

    edges = edge_index.astype(jnp.int32)
    pad = jnp.full((2, EPAD - E), N, dtype=jnp.int32)
    edges = jnp.concatenate([edges, pad], axis=1).reshape(2, EW, _K)

    features_p = jnp.zeros((NPAD, DIN), jnp.float32).at[:N].set(features)

    degtab = _make_deg_kernel(NPAD, EW)(edges)
    h1 = _tc1(features_p, W1, degtab)
    p1 = _make_agg_kernel(NPAD, EW, W1.shape[1])(h1, edges)
    h2 = _tc2(p1, degtab, b1.reshape(1, -1), W2)
    p2 = _make_agg_kernel(NPAD, EW, h2.shape[1])(h2, edges)
    out = _tc3(p2, degtab, b2.reshape(1, -1), W2.shape[1])
    return out[:N]

# --- scband reference (transcript-rebuilt; emitter-appended) ---
"""Pipeline reference for scband-gcn-28200755265594 (READ-ONLY COPY).

The authoritative reference and input builder live on the scoring server;
editing this copy changes nothing except your own understanding.
"""

import jax, jax.numpy as jnp
import numpy as np

N_NODES = 10000
N_EDGES = 320000
D_IN = 128
D_HID = 128
D_OUT = 64


def setup_inputs(seed: int = 0) -> dict:
    key = jax.random.key(seed)
    k1, k2, k3, k4, k5, k6 = jax.random.split(key, 6)
    features = jax.random.normal(k1, (N_NODES, D_IN), dtype=jnp.float32)
    edge_index = jax.random.randint(k2, (2, N_EDGES), 0, N_NODES, dtype=jnp.int64)
    # Glorot-initialized weights, zero biases (matches dgl GraphConv defaults)
    W1 = jax.random.normal(k3, (D_IN, D_HID), dtype=jnp.float32) * (2.0 / (D_IN + D_HID)) ** 0.5
    b1 = jnp.zeros((D_HID,), dtype=jnp.float32)
    W2 = jax.random.normal(k4, (D_HID, D_OUT), dtype=jnp.float32) * (2.0 / (D_HID + D_OUT)) ** 0.5
    b2 = jnp.zeros((D_OUT,), dtype=jnp.float32)
    return {"features": features, "edge_index": edge_index, "W1": W1, "b1": b1, "W2": W2, "b2": b2}


def _graph_conv(x, src, dst, W, b, activation):
    # dgl GraphConv with norm='both':
    #   h = x * out_deg^{-1/2}; aggregate sum over edges; h = h * in_deg^{-1/2}
    # Weight applied first since in_feats >= out_feats (dgl optimization, same math).
    n = x.shape[0]
    ones = jnp.ones((src.shape[0],), dtype=jnp.float32)
    deg_out = jnp.zeros((n,), dtype=jnp.float32).at[src].add(ones)
    deg_in = jnp.zeros((n,), dtype=jnp.float32).at[dst].add(ones)
    norm_src = jnp.power(jnp.maximum(deg_out, 1.0), -0.5)
    norm_dst = jnp.power(jnp.maximum(deg_in, 1.0), -0.5)
    h = x @ W
    h = h * norm_src[:, None]
    msg = jnp.take(h, src, axis=0)
    agg = jnp.zeros((n, h.shape[1]), dtype=h.dtype).at[dst].add(msg)
    agg = agg * norm_dst[:, None]
    out = agg + b
    if activation:
        out = jax.nn.relu(out)
    return out


def reference(features, edge_index, W1, b1, W2, b2):
    src = edge_index[0]
    dst = edge_index[1]
    h = _graph_conv(features, src, dst, W1, b1, activation=True)
    # dropout is identity in inference/reference mode
    h = _graph_conv(h, src, dst, W2, b2, activation=False)
    return h

if __name__ == "__main__":
    import jax
    _d = setup_inputs()
    print(jax.jit(kernel)(*tuple(_d.values())))

</pallas_src>

<mosaic_0001>
#map = affine_map<(d0, d1) -> (0, 0)>
#map1 = affine_map<(d0, d1) -> (0, 0, 0)>
module attributes {stable_mosaic.version = 14 : i64} {
  func.func @agg_kernel(%arg0: i32, %arg1: i32, %arg2: memref<10240x128xf32, #tpu.memory_space<hbm>>, %arg3: memref<2x2560x128xi32, #tpu.memory_space<hbm>>, %arg4: memref<2x10240x128xf32, #tpu.memory_space<hbm>>, %arg5: memref<10240x128xf32, #tpu.memory_space<vmem_shared>>, %arg6: memref<40x128xi32, #tpu.memory_space<vmem>>, %arg7: memref<40x128xi32, #tpu.memory_space<vmem>>, %arg8: memref<128x128xf32, #tpu.memory_space<vmem>>, %arg9: memref<128x128xf32, #tpu.memory_space<vmem>>, %arg10: memref<!tpu.dma_semaphore, #tpu.memory_space<semaphore_mem>>, %arg11: memref<!tpu.dma_semaphore, #tpu.memory_space<semaphore_mem>>) attributes {dimension_semantics = [#tpu.dimension_semantics<core_parallel>, #tpu.dimension_semantics<subcore_parallel>], iteration_bounds = array<i64: 2, 16>, scalar_prefetch = 0 : i64, scratch_operands = 7 : i64, tpu.core_type = #tpu.core_type<sc_vector_subcore>, window_params = [{transform_indices = #map}, {transform_indices = #map1}, {transform_indices = #map1}]} {
    %mul3A = arith.constant 2 : i32
    %mul3A_0 = arith.muli %arg1, %mul3A : i32
    %add3A = arith.addi %mul3A_0, %arg0 : i32
    %scan3A = arith.constant 0 : i32
    %scan3A_1 = arith.constant 0 : i32
    %scan3A_2 = arith.constant 1024 : i32
    %scan3A_3 = arith.addi %scan3A_1, %scan3A_2 : i32
    %scan3A_4 = arith.constant 1 : i32
    scf.for %scan3A_75 = %scan3A_1 to %scan3A_3 step %scan3A_4  : i32 {
      %broadcast_in_dim3A = arith.constant 0.000000e+00 : f32
      %broadcast_in_dim3A_76 = vector.broadcast %broadcast_in_dim3A : f32 to vector<16xf32>
      %jit3A = arith.constant 8 : i32
      %div3A = arith.divsi %scan3A_75, %jit3A : i32
      %sign3A = arith.constant 0 : i32
      %sign3A_77 = arith.cmpi sgt, %scan3A_75, %sign3A : i32
      %sign3A_78 = arith.extui %sign3A_77 : i1 to i32
      %sign3A_79 = arith.constant 0 : i32
      %sign3A_80 = arith.cmpi slt, %scan3A_75, %sign3A_79 : i32
      %sign3A_81 = arith.extui %sign3A_80 : i1 to i32
      %sign3A_82 = arith.subi %sign3A_78, %sign3A_81 : i32
      %sign3A_83 = arith.constant 0 : i32
      %sign3A_84 = arith.cmpi sgt, %jit3A, %sign3A_83 : i32
      %sign3A_85 = arith.extui %sign3A_84 : i1 to i32
      %sign3A_86 = arith.constant 0 : i32
      %sign3A_87 = arith.cmpi slt, %jit3A, %sign3A_86 : i32
      %sign3A_88 = arith.extui %sign3A_87 : i1 to i32
      %sign3A_89 = arith.subi %sign3A_85, %sign3A_88 : i32
      %ne3A = arith.cmpi ne, %sign3A_82, %sign3A_89 : i32
      %rem3A = arith.remsi %scan3A_75, %jit3A : i32
      %ne3A_90 = arith.constant 0 : i32
      %ne3A_91 = arith.cmpi ne, %rem3A, %ne3A_90 : i32
      %and3A = arith.andi %ne3A, %ne3A_91 : i1
      %sub3A = arith.constant 1 : i32
      %sub3A_92 = arith.subi %div3A, %sub3A : i32
      %select_n3A = arith.select %and3A, %sub3A_92, %div3A : i32
      %jit3A_93 = arith.constant 8 : i32
      %eq3A = arith.constant 0 : i32
      %eq3A_94 = arith.cmpi eq, %jit3A_93, %eq3A : i32
      %jit3A_95 = arith.constant 1 : i32
      %select_n3A_96 = arith.select %eq3A_94, %jit3A_95, %jit3A_93 : i32
      %rem3A_97 = arith.remsi %scan3A_75, %select_n3A_96 : i32
      %ne3A_98 = arith.constant 0 : i32
      %ne3A_99 = arith.cmpi ne, %rem3A_97, %ne3A_98 : i32
      %lt3A = arith.constant 0 : i32
      %lt3A_100 = arith.cmpi slt, %rem3A_97, %lt3A : i32
      %lt3A_101 = arith.constant 0 : i32
      %lt3A_102 = arith.cmpi slt, %select_n3A_96, %lt3A_101 : i32
      %ne3A_103 = arith.xori %lt3A_100, %lt3A_102 : i1
      %and3A_104 = arith.andi %ne3A_103, %ne3A_99 : i1
      %add3A_105 = arith.addi %rem3A_97, %select_n3A_96 : i32
      %select_n3A_106 = arith.select %and3A_104, %add3A_105, %rem3A_97 : i32
      %mul3A_107 = arith.constant 16 : i32
      %mul3A_108 = arith.muli %select_n3A_106, %mul3A_107 : i32
      %swap3A = arith.index_cast %select_n3A : i32 to index
      %swap3A_109 = arith.index_cast %mul3A_108 : i32 to index
      %swap3A_110 = tpu.vector_load %arg8[%swap3A, %swap3A_109] {strides = array<i32>} : memref<128x128xf32, #tpu.memory_space<vmem>>, vector<1x16xf32>,
      %swap3A_111 = vector.shape_cast %swap3A_110 : vector<1x16xf32> to vector<16xf32>
      %swap3A_112 = vector.shape_cast %broadcast_in_dim3A_76 : vector<16xf32> to vector<1x16xf32>
      tpu.vector_store %arg8[%swap3A, %swap3A_109], %swap3A_112 {strides = array<i32>} : memref<128x128xf32, #tpu.memory_space<vmem>>, vector<1x16xf32>,
    }
    %scan3A_5 = arith.constant 1024 : i32
    %mul3A_6 = arith.constant 640 : i32
    %mul3A_7 = arith.muli %arg1, %mul3A_6 : i32
    %add3A_8 = arith.constant 0 : i32
    %add3A_9 = arith.addi %mul3A_7, %add3A_8 : i32
    "tpu.region"() ({
      %run_scoped3A_75 = tpu.sem_alloc : memref<!tpu.dma_semaphore, #tpu.memory_space<semaphore_mem>>
      %dma_start3A_76 = arith.constant 0 : i32
      %dma_start3A_77 = tpu.memref_slice %arg5[%add3A_9, %dma_start3A_76] : memref<10240x128xf32, #tpu.memory_space<vmem_shared>> -> memref<128x128xf32, #tpu.memory_space<vmem_shared>>
      %dma_start3A_78 = arith.constant 0 : i32
      %dma_start3A_79 = tpu.memref_slice %arg5[%add3A_9, %dma_start3A_78] : memref<10240x128xf32, #tpu.memory_space<vmem_shared>> -> memref<128x128xf32, #tpu.memory_space<vmem_shared>>
      tpu.enqueue_dma source(%arg8 : memref<128x128xf32, #tpu.memory_space<vmem>>) target(%dma_start3A_79 : memref<128x128xf32, #tpu.memory_space<vmem_shared>>) target_semaphore(%run_scoped3A_75 : memref<!tpu.dma_semaphore, #tpu.memory_space<semaphore_mem>>)
      %dma_wait3A = arith.constant 0 : i32
      %dma_wait3A_80 = tpu.memref_slice %arg5[%add3A_9, %dma_wait3A] : memref<10240x128xf32, #tpu.memory_space<vmem_shared>> -> memref<128x128xf32, #tpu.memory_space<vmem_shared>>
      %dma_wait3A_81 = arith.constant 0 : i32
      %dma_wait3A_82 = tpu.memref_slice %arg5[%add3A_9, %dma_wait3A_81] : memref<10240x128xf32, #tpu.memory_space<vmem_shared>> -> memref<128x128xf32, #tpu.memory_space<vmem_shared>>
      tpu.wait_dma2 semaphore(%run_scoped3A_75 : memref<!tpu.dma_semaphore, #tpu.memory_space<semaphore_mem>>) src(%arg8 : memref<128x128xf32, #tpu.memory_space<vmem>>) dst(%dma_wait3A_82 : memref<128x128xf32, #tpu.memory_space<vmem_shared>>)
      tpu.yield
    }) : () -> ()
    %mul3A_10 = arith.constant 640 : i32
    %mul3A_11 = arith.muli %arg1, %mul3A_10 : i32
    %add3A_12 = arith.constant 128 : i32
    %add3A_13 = arith.addi %mul3A_11, %add3A_12 : i32
    "tpu.region"() ({
      %run_scoped3A_75 = tpu.sem_alloc : memref<!tpu.dma_semaphore, #tpu.memory_space<semaphore_mem>>
      %dma_start3A_76 = arith.constant 0 : i32
      %dma_start3A_77 = tpu.memref_slice %arg5[%add3A_13, %dma_start3A_76] : memref<10240x128xf32, #tpu.memory_space<vmem_shared>> -> memref<128x128xf32, #tpu.memory_space<vmem_shared>>
      %dma_start3A_78 = arith.constant 0 : i32
      %dma_start3A_79 = tpu.memref_slice %arg5[%add3A_13, %dma_start3A_78] : memref<10240x128xf32, #tpu.memory_space<vmem_shared>> -> memref<128x128xf32, #tpu.memory_space<vmem_shared>>
      tpu.enqueue_dma source(%arg8 : memref<128x128xf32, #tpu.memory_space<vmem>>) target(%dma_start3A_79 : memref<128x128xf32, #tpu.memory_space<vmem_shared>>) target_semaphore(%run_scoped3A_75 : memref<!tpu.dma_semaphore, #tpu.memory_space<semaphore_mem>>)
      %dma_wait3A = arith.constant 0 : i32
      %dma_wait3A_80 = tpu.memref_slice %arg5[%add3A_13, %dma_wait3A] : memref<10240x128xf32, #tpu.memory_space<vmem_shared>> -> memref<128x128xf32, #tpu.memory_space<vmem_shared>>
      %dma_wait3A_81 = arith.constant 0 : i32
      %dma_wait3A_82 = tpu.memref_slice %arg5[%add3A_13, %dma_wait3A_81] : memref<10240x128xf32, #tpu.memory_space<vmem_shared>> -> memref<128x128xf32, #tpu.memory_space<vmem_shared>>
      tpu.wait_dma2 semaphore(%run_scoped3A_75 : memref<!tpu.dma_semaphore, #tpu.memory_space<semaphore_mem>>) src(%arg8 : memref<128x128xf32, #tpu.memory_space<vmem>>) dst(%dma_wait3A_82 : memref<128x128xf32, #tpu.memory_space<vmem_shared>>)
      tpu.yield
    }) : () -> ()
    %mul3A_14 = arith.constant 640 : i32
    %mul3A_15 = arith.muli %arg1, %mul3A_14 : i32
    %add3A_16 = arith.constant 256 : i32
    %add3A_17 = arith.addi %mul3A_15, %add3A_16 : i32
    "tpu.region"() ({
      %run_scoped3A_75 = tpu.sem_alloc : memref<!tpu.dma_semaphore, #tpu.memory_space<semaphore_mem>>
      %dma_start3A_76 = arith.constant 0 : i32
      %dma_start3A_77 = tpu.memref_slice %arg5[%add3A_17, %dma_start3A_76] : memref<10240x128xf32, #tpu.memory_space<vmem_shared>> -> memref<128x128xf32, #tpu.memory_space<vmem_shared>>
      %dma_start3A_78 = arith.constant 0 : i32
      %dma_start3A_79 = tpu.memref_slice %arg5[%add3A_17, %dma_start3A_78] : memref<10240x128xf32, #tpu.memory_space<vmem_shared>> -> memref<128x128xf32, #tpu.memory_space<vmem_shared>>
      tpu.enqueue_dma source(%arg8 : memref<128x128xf32, #tpu.memory_space<vmem>>) target(%dma_start3A_79 : memref<128x128xf32, #tpu.memory_space<vmem_shared>>) target_semaphore(%run_scoped3A_75 : memref<!tpu.dma_semaphore, #tpu.memory_space<semaphore_mem>>)
      %dma_wait3A = arith.constant 0 : i32
      %dma_wait3A_80 = tpu.memref_slice %arg5[%add3A_17, %dma_wait3A] : memref<10240x128xf32, #tpu.memory_space<vmem_shared>> -> memref<128x128xf32, #tpu.memory_space<vmem_shared>>
      %dma_wait3A_81 = arith.constant 0 : i32
      %dma_wait3A_82 = tpu.memref_slice %arg5[%add3A_17, %dma_wait3A_81] : memref<10240x128xf32, #tpu.memory_space<vmem_shared>> -> memref<128x128xf32, #tpu.memory_space<vmem_shared>>
      tpu.wait_dma2 semaphore(%run_scoped3A_75 : memref<!tpu.dma_semaphore, #tpu.memory_space<semaphore_mem>>) src(%arg8 : memref<128x128xf32, #tpu.memory_space<vmem>>) dst(%dma_wait3A_82 : memref<128x128xf32, #tpu.memory_space<vmem_shared>>)
      tpu.yield
    }) : () -> ()
    %mul3A_18 = arith.constant 640 : i32
    %mul3A_19 = arith.muli %arg1, %mul3A_18 : i32
    %add3A_20 = arith.constant 384 : i32
    %add3A_21 = arith.addi %mul3A_19, %add3A_20 : i32
    "tpu.region"() ({
      %run_scoped3A_75 = tpu.sem_alloc : memref<!tpu.dma_semaphore, #tpu.memory_space<semaphore_mem>>
      %dma_start3A_76 = arith.constant 0 : i32
      %dma_start3A_77 = tpu.memref_slice %arg5[%add3A_21, %dma_start3A_76] : memref<10240x128xf32, #tpu.memory_space<vmem_shared>> -> memref<128x128xf32, #tpu.memory_space<vmem_shared>>
      %dma_start3A_78 = arith.constant 0 : i32
      %dma_start3A_79 = tpu.memref_slice %arg5[%add3A_21, %dma_start3A_78] : memref<10240x128xf32, #tpu.memory_space<vmem_shared>> -> memref<128x128xf32, #tpu.memory_space<vmem_shared>>
      tpu.enqueue_dma source(%arg8 : memref<128x128xf32, #tpu.memory_space<vmem>>) target(%dma_start3A_79 : memref<128x128xf32, #tpu.memory_space<vmem_shared>>) target_semaphore(%run_scoped3A_75 : memref<!tpu.dma_semaphore, #tpu.memory_space<semaphore_mem>>)
      %dma_wait3A = arith.constant 0 : i32
      %dma_wait3A_80 = tpu.memref_slice %arg5[%add3A_21, %dma_wait3A] : memref<10240x128xf32, #tpu.memory_space<vmem_shared>> -> memref<128x128xf32, #tpu.memory_space<vmem_shared>>
      %dma_wait3A_81 = arith.constant 0 : i32
      %dma_wait3A_82 = tpu.memref_slice %arg5[%add3A_21, %dma_wait3A_81] : memref<10240x128xf32, #tpu.memory_space<vmem_shared>> -> memref<128x128xf32, #tpu.memory_space<vmem_shared>>
      tpu.wait_dma2 semaphore(%run_scoped3A_75 : memref<!tpu.dma_semaphore, #tpu.memory_space<semaphore_mem>>) src(%arg8 : memref<128x128xf32, #tpu.memory_space<vmem>>) dst(%dma_wait3A_82 : memref<128x128xf32, #tpu.memory_space<vmem_shared>>)
      tpu.yield
    }) : () -> ()
    %mul3A_22 = arith.constant 640 : i32
    %mul3A_23 = arith.muli %arg1, %mul3A_22 : i32
    %add3A_24 = arith.constant 512 : i32
    %add3A_25 = arith.addi %mul3A_23, %add3A_24 : i32
    "tpu.region"() ({
      %run_scoped3A_75 = tpu.sem_alloc : memref<!tpu.dma_semaphore, #tpu.memory_space<semaphore_mem>>
      %dma_start3A_76 = arith.constant 0 : i32
      %dma_start3A_77 = tpu.memref_slice %arg5[%add3A_25, %dma_start3A_76] : memref<10240x128xf32, #tpu.memory_space<vmem_shared>> -> memref<128x128xf32, #tpu.memory_space<vmem_shared>>
      %dma_start3A_78 = arith.constant 0 : i32
      %dma_start3A_79 = tpu.memref_slice %arg5[%add3A_25, %dma_start3A_78] : memref<10240x128xf32, #tpu.memory_space<vmem_shared>> -> memref<128x128xf32, #tpu.memory_space<vmem_shared>>
      tpu.enqueue_dma source(%arg8 : memref<128x128xf32, #tpu.memory_space<vmem>>) target(%dma_start3A_79 : memref<128x128xf32, #tpu.memory_space<vmem_shared>>) target_semaphore(%run_scoped3A_75 : memref<!tpu.dma_semaphore, #tpu.memory_space<semaphore_mem>>)
      %dma_wait3A = arith.constant 0 : i32
      %dma_wait3A_80 = tpu.memref_slice %arg5[%add3A_25, %dma_wait3A] : memref<10240x128xf32, #tpu.memory_space<vmem_shared>> -> memref<128x128xf32, #tpu.memory_space<vmem_shared>>
      %dma_wait3A_81 = arith.constant 0 : i32
      %dma_wait3A_82 = tpu.memref_slice %arg5[%add3A_25, %dma_wait3A_81] : memref<10240x128xf32, #tpu.memory_space<vmem_shared>> -> memref<128x128xf32, #tpu.memory_space<vmem_shared>>
      tpu.wait_dma2 semaphore(%run_scoped3A_75 : memref<!tpu.dma_semaphore, #tpu.memory_space<semaphore_mem>>) src(%arg8 : memref<128x128xf32, #tpu.memory_space<vmem>>) dst(%dma_wait3A_82 : memref<128x128xf32, #tpu.memory_space<vmem_shared>>)
      tpu.yield
    }) : () -> ()
    %barrier3A = arith.constant 0 : index
    tpu.barrier barrier_id(%barrier3A)
    %mul3A_26 = arith.constant 80 : i32
    %mul3A_27 = arith.muli %add3A, %mul3A_26 : i32
    %add3A_28 = arith.constant 0 : i32
    %add3A_29 = arith.addi %mul3A_27, %add3A_28 : i32
    %run_scoped3A = arith.constant 0 : i32
    "tpu.region"() ({
      %run_scoped3A_75 = tpu.sem_alloc : memref<!tpu.dma_semaphore, #tpu.memory_space<semaphore_mem>>
      %dma_start3A_76 = arith.constant 0 : i32
      %dma_start3A_77 = tpu.memref_slice %arg3[%run_scoped3A, %add3A_29, %dma_start3A_76] : memref<2x2560x128xi32, #tpu.memory_space<hbm>> -> memref<1x40x128xi32, #tpu.memory_space<hbm>>
      %dma_start3A_78 = tpu.memref_squeeze %dma_start3A_77 : memref<1x40x128xi32, #tpu.memory_space<hbm>> -> memref<40x128xi32, #tpu.memory_space<hbm>>
      %dma_start3A_79 = arith.constant 0 : i32
      %dma_start3A_80 = tpu.memref_slice %arg3[%run_scoped3A, %add3A_29, %dma_start3A_79] : memref<2x2560x128xi32, #tpu.memory_space<hbm>> -> memref<1x40x128xi32, #tpu.memory_space<hbm>>
      %dma_start3A_81 = tpu.memref_squeeze %dma_start3A_80 : memref<1x40x128xi32, #tpu.memory_space<hbm>> -> memref<40x128xi32, #tpu.memory_space<hbm>>
      tpu.enqueue_dma source(%dma_start3A_81 : memref<40x128xi32, #tpu.memory_space<hbm>>) target(%arg6 : memref<40x128xi32, #tpu.memory_space<vmem>>) target_semaphore(%run_scoped3A_75 : memref<!tpu.dma_semaphore, #tpu.memory_space<semaphore_mem>>)
      %dma_wait3A = arith.constant 0 : i32
      %dma_wait3A_82 = tpu.memref_slice %arg3[%run_scoped3A, %add3A_29, %dma_wait3A] : memref<2x2560x128xi32, #tpu.memory_space<hbm>> -> memref<1x40x128xi32, #tpu.memory_space<hbm>>
      %dma_wait3A_83 = tpu.memref_squeeze %dma_wait3A_82 : memref<1x40x128xi32, #tpu.memory_space<hbm>> -> memref<40x128xi32, #tpu.memory_space<hbm>>
      %dma_wait3A_84 = arith.constant 0 : i32
      %dma_wait3A_85 = tpu.memref_slice %arg3[%run_scoped3A, %add3A_29, %dma_wait3A_84] : memref<2x2560x128xi32, #tpu.memory_space<hbm>> -> memref<1x40x128xi32, #tpu.memory_space<hbm>>
      %dma_wait3A_86 = tpu.memref_squeeze %dma_wait3A_85 : memref<1x40x128xi32, #tpu.memory_space<hbm>> -> memref<40x128xi32, #tpu.memory_space<hbm>>
      tpu.wait_dma2 semaphore(%run_scoped3A_75 : memref<!tpu.dma_semaphore, #tpu.memory_space<semaphore_mem>>) src(%dma_wait3A_86 : memref<40x128xi32, #tpu.memory_space<hbm>>) dst(%arg6 : memref<40x128xi32, #tpu.memory_space<vmem>>)
      tpu.yield
    }) : () -> ()
    %mul3A_30 = arith.constant 80 : i32
    %mul3A_31 = arith.muli %add3A, %mul3A_30 : i32
    %add3A_32 = arith.constant 0 : i32
    %add3A_33 = arith.addi %mul3A_31, %add3A_32 : i32
    %run_scoped3A_34 = arith.constant 1 : i32
    "tpu.region"() ({
      %run_scoped3A_75 = tpu.sem_alloc : memref<!tpu.dma_semaphore, #tpu.memory_space<semaphore_mem>>
      %dma_start3A_76 = arith.constant 0 : i32
      %dma_start3A_77 = tpu.memref_slice %arg3[%run_scoped3A_34, %add3A_33, %dma_start3A_76] : memref<2x2560x128xi32, #tpu.memory_space<hbm>> -> memref<1x40x128xi32, #tpu.memory_space<hbm>>
      %dma_start3A_78 = tpu.memref_squeeze %dma_start3A_77 : memref<1x40x128xi32, #tpu.memory_space<hbm>> -> memref<40x128xi32, #tpu.memory_space<hbm>>
      %dma_start3A_79 = arith.constant 0 : i32
      %dma_start3A_80 = tpu.memref_slice %arg3[%run_scoped3A_34, %add3A_33, %dma_start3A_79] : memref<2x2560x128xi32, #tpu.memory_space<hbm>> -> memref<1x40x128xi32, #tpu.memory_space<hbm>>
      %dma_start3A_81 = tpu.memref_squeeze %dma_start3A_80 : memref<1x40x128xi32, #tpu.memory_space<hbm>> -> memref<40x128xi32, #tpu.memory_space<hbm>>
      tpu.enqueue_dma source(%dma_start3A_81 : memref<40x128xi32, #tpu.memory_space<hbm>>) target(%arg7 : memref<40x128xi32, #tpu.memory_space<vmem>>) target_semaphore(%run_scoped3A_75 : memref<!tpu.dma_semaphore, #tpu.memory_space<semaphore_mem>>)
      %dma_wait3A = arith.constant 0 : i32
      %dma_wait3A_82 = tpu.memref_slice %arg3[%run_scoped3A_34, %add3A_33, %dma_wait3A] : memref<2x2560x128xi32, #tpu.memory_space<hbm>> -> memref<1x40x128xi32, #tpu.memory_space<hbm>>
      %dma_wait3A_83 = tpu.memref_squeeze %dma_wait3A_82 : memref<1x40x128xi32, #tpu.memory_space<hbm>> -> memref<40x128xi32, #tpu.memory_space<hbm>>
      %dma_wait3A_84 = arith.constant 0 : i32
      %dma_wait3A_85 = tpu.memref_slice %arg3[%run_scoped3A_34, %add3A_33, %dma_wait3A_84] : memref<2x2560x128xi32, #tpu.memory_space<hbm>> -> memref<1x40x128xi32, #tpu.memory_space<hbm>>
      %dma_wait3A_86 = tpu.memref_squeeze %dma_wait3A_85 : memref<1x40x128xi32, #tpu.memory_space<hbm>> -> memref<40x128xi32, #tpu.memory_space<hbm>>
      tpu.wait_dma2 semaphore(%run_scoped3A_75 : memref<!tpu.dma_semaphore, #tpu.memory_space<semaphore_mem>>) src(%dma_wait3A_86 : memref<40x128xi32, #tpu.memory_space<hbm>>) dst(%arg7 : memref<40x128xi32, #tpu.memory_space<vmem>>)
      tpu.yield
    }) : () -> ()
    %dma_start3A = arith.constant 0 : i32
    %dma_start3A_35 = arith.constant 0 : i32
    %dma_start3A_36 = tpu.memref_slice %arg6[%dma_start3A, %dma_start3A_35] : memref<40x128xi32, #tpu.memory_space<vmem>> -> memref<1x128xi32, #tpu.memory_space<vmem>>
    %dma_start3A_37 = tpu.memref_squeeze %dma_start3A_36 : memref<1x128xi32, #tpu.memory_space<vmem>> -> memref<128xi32, #tpu.memory_space<vmem>>
    %dma_start3A_38 = arith.constant 0 : i32
    %dma_start3A_39 = arith.constant 0 : i32
    %dma_start3A_40 = tpu.memref_slice %arg2[%dma_start3A_38, %dma_start3A_39] : memref<10240x128xf32, #tpu.memory_space<hbm>> -> memref<10240x128xf32, #tpu.memory_space<hbm>>
    tpu.enqueue_indirect_dma source(%dma_start3A_40 : memref<10240x128xf32, #tpu.memory_space<hbm>>) target(%arg8 : memref<128x128xf32, #tpu.memory_space<vmem>>) offsets(%dma_start3A_37 : memref<128xi32, #tpu.memory_space<vmem>>) semaphore(%arg10 : memref<!tpu.dma_semaphore, #tpu.memory_space<semaphore_mem>>)
    %scan3A_41 = arith.constant 0 : i32
    %scan3A_42 = arith.constant 0 : i32
    %scan3A_43 = arith.constant 20 : i32
    %scan3A_44 = arith.addi %scan3A_42, %scan3A_43 : i32
    %scan3A_45 = arith.constant 1 : i32
    scf.for %scan3A_75 = %scan3A_42 to %scan3A_44 step %scan3A_45  : i32 {
      %mul3A_76 = arith.constant 2 : i32
      %mul3A_77 = arith.muli %mul3A_76, %scan3A_75 : i32
      %add3A_78 = arith.constant 1 : i32
      %add3A_79 = arith.addi %mul3A_77, %add3A_78 : i32
      %dma_start3A_80 = arith.constant 0 : i32
      %dma_start3A_81 = tpu.memref_slice %arg6[%add3A_79, %dma_start3A_80] : memref<40x128xi32, #tpu.memory_space<vmem>> -> memref<1x128xi32, #tpu.memory_space<vmem>>
      %dma_start3A_82 = tpu.memref_squeeze %dma_start3A_81 : memref<1x128xi32, #tpu.memory_space<vmem>> -> memref<128xi32, #tpu.memory_space<vmem>>
      %dma_start3A_83 = arith.constant 0 : i32
      %dma_start3A_84 = arith.constant 0 : i32
      %dma_start3A_85 = tpu.memref_slice %arg2[%dma_start3A_83, %dma_start3A_84] : memref<10240x128xf32, #tpu.memory_space<hbm>> -> memref<10240x128xf32, #tpu.memory_space<hbm>>
      tpu.enqueue_indirect_dma source(%dma_start3A_85 : memref<10240x128xf32, #tpu.memory_space<hbm>>) target(%arg9 : memref<128x128xf32, #tpu.memory_space<vmem>>) offsets(%dma_start3A_82 : memref<128xi32, #tpu.memory_space<vmem>>) semaphore(%arg11 : memref<!tpu.dma_semaphore, #tpu.memory_space<semaphore_mem>>)
      %dma_wait3A = arith.constant 0 : i32
      %dma_wait3A_86 = tpu.memref_slice %arg6[%mul3A_77, %dma_wait3A] : memref<40x128xi32, #tpu.memory_space<vmem>> -> memref<1x128xi32, #tpu.memory_space<vmem>>
      %dma_wait3A_87 = tpu.memref_squeeze %dma_wait3A_86 : memref<1x128xi32, #tpu.memory_space<vmem>> -> memref<128xi32, #tpu.memory_space<vmem>>
      %dma_wait3A_88 = arith.constant 0 : i32
      %dma_wait3A_89 = arith.constant 0 : i32
      %dma_wait3A_90 = tpu.memref_slice %arg2[%dma_wait3A_88, %dma_wait3A_89] : memref<10240x128xf32, #tpu.memory_space<hbm>> -> memref<10240x128xf32, #tpu.memory_space<hbm>>
      tpu.wait_indirect_dma semaphore(%arg10 : memref<!tpu.dma_semaphore, #tpu.memory_space<semaphore_mem>>) src(%dma_wait3A_90 : memref<10240x128xf32, #tpu.memory_space<hbm>>) dst(%arg8 : memref<128x128xf32, #tpu.memory_space<vmem>>)
      "tpu.region"() ({
        %run_scoped3A_105 = tpu.sem_alloc : memref<!tpu.dma_semaphore, #tpu.memory_space<semaphore_mem>>
        %dma_start3A_106 = arith.constant 0 : i32
        %dma_start3A_107 = tpu.memref_slice %arg7[%mul3A_77, %dma_start3A_106] : memref<40x128xi32, #tpu.memory_space<vmem>> -> memref<1x128xi32, #tpu.memory_space<vmem>>
        %dma_start3A_108 = tpu.memref_squeeze %dma_start3A_107 : memref<1x128xi32, #tpu.memory_space<vmem>> -> memref<128xi32, #tpu.memory_space<vmem>>
        %dma_start3A_109 = arith.constant 0 : i32
        %dma_start3A_110 = arith.constant 0 : i32
        %dma_start3A_111 = tpu.memref_slice %arg5[%dma_start3A_109, %dma_start3A_110] : memref<10240x128xf32, #tpu.memory_space<vmem_shared>> -> memref<10240x128xf32, #tpu.memory_space<vmem_shared>>
        tpu.enqueue_indirect_dma source(%arg8 : memref<128x128xf32, #tpu.memory_space<vmem>>) target(%dma_start3A_111 : memref<10240x128xf32, #tpu.memory_space<vmem_shared>>) offsets(%dma_start3A_108 : memref<128xi32, #tpu.memory_space<vmem>>) semaphore(%run_scoped3A_105 : memref<!tpu.dma_semaphore, #tpu.memory_space<semaphore_mem>>) {add = true}
        %dma_wait3A_112 = arith.constant 0 : i32
        %dma_wait3A_113 = tpu.memref_slice %arg7[%mul3A_77, %dma_wait3A_112] : memref<40x128xi32, #tpu.memory_space<vmem>> -> memref<1x128xi32, #tpu.memory_space<vmem>>
        %dma_wait3A_114 = tpu.memref_squeeze %dma_wait3A_113 : memref<1x128xi32, #tpu.memory_space<vmem>> -> memref<128xi32, #tpu.memory_space<vmem>>
        %dma_wait3A_115 = arith.constant 0 : i32
        %dma_wait3A_116 = arith.constant 0 : i32
        %dma_wait3A_117 = tpu.memref_slice %arg5[%dma_wait3A_115, %dma_wait3A_116] : memref<10240x128xf32, #tpu.memory_space<vmem_shared>> -> memref<10240x128xf32, #tpu.memory_space<vmem_shared>>
        tpu.wait_indirect_dma semaphore(%run_scoped3A_105 : memref<!tpu.dma_semaphore, #tpu.memory_space<semaphore_mem>>) src(%arg8 : memref<128x128xf32, #tpu.memory_space<vmem>>) dst(%dma_wait3A_117 : memref<10240x128xf32, #tpu.memory_space<vmem_shared>>)
        tpu.yield
      }) : () -> ()
      %add3A_91 = arith.constant 1 : i32
      %add3A_92 = arith.addi %scan3A_75, %add3A_91 : i32
      %lt3A = arith.constant 20 : i32
      %lt3A_93 = arith.cmpi slt, %add3A_92, %lt3A : i32
      %convert_element_type3A = arith.extui %lt3A_93 : i1 to i32
      %cond3A = arith.constant 0 : i32
      %cond3A_94 = arith.cmpi ne, %convert_element_type3A, %cond3A : i32
      scf.if %cond3A_94 {
        %add3A_105 = arith.constant 2 : i32
        %add3A_106 = arith.addi %mul3A_77, %add3A_105 : i32
        %dma_start3A_107 = arith.constant 0 : i32
        %dma_start3A_108 = tpu.memref_slice %arg6[%add3A_106, %dma_start3A_107] : memref<40x128xi32, #tpu.memory_space<vmem>> -> memref<1x128xi32, #tpu.memory_space<vmem>>
        %dma_start3A_109 = tpu.memref_squeeze %dma_start3A_108 : memref<1x128xi32, #tpu.memory_space<vmem>> -> memref<128xi32, #tpu.memory_space<vmem>>
        %dma_start3A_110 = arith.constant 0 : i32
        %dma_start3A_111 = arith.constant 0 : i32
        %dma_start3A_112 = tpu.memref_slice %arg2[%dma_start3A_110, %dma_start3A_111] : memref<10240x128xf32, #tpu.memory_space<hbm>> -> memref<10240x128xf32, #tpu.memory_space<hbm>>
        tpu.enqueue_indirect_dma source(%dma_start3A_112 : memref<10240x128xf32, #tpu.memory_space<hbm>>) target(%arg8 : memref<128x128xf32, #tpu.memory_space<vmem>>) offsets(%dma_start3A_109 : memref<128xi32, #tpu.memory_space<vmem>>) semaphore(%arg10 : memref<!tpu.dma_semaphore, #tpu.memory_space<semaphore_mem>>)
      } else {
      }
      %add3A_95 = arith.constant 1 : i32
      %add3A_96 = arith.addi %mul3A_77, %add3A_95 : i32
      %dma_wait3A_97 = arith.constant 0 : i32
      %dma_wait3A_98 = tpu.memref_slice %arg6[%add3A_96, %dma_wait3A_97] : memref<40x128xi32, #tpu.memory_space<vmem>> -> memref<1x128xi32, #tpu.memory_space<vmem>>
      %dma_wait3A_99 = tpu.memref_squeeze %dma_wait3A_98 : memref<1x128xi32, #tpu.memory_space<vmem>> -> memref<128xi32, #tpu.memory_space<vmem>>
      %dma_wait3A_100 = arith.constant 0 : i32
      %dma_wait3A_101 = arith.constant 0 : i32
      %dma_wait3A_102 = tpu.memref_slice %arg2[%dma_wait3A_100, %dma_wait3A_101] : memref<10240x128xf32, #tpu.memory_space<hbm>> -> memref<10240x128xf32, #tpu.memory_space<hbm>>
      tpu.wait_indirect_dma semaphore(%arg11 : memref<!tpu.dma_semaphore, #tpu.memory_space<semaphore_mem>>) src(%dma_wait3A_102 : memref<10240x128xf32, #tpu.memory_space<hbm>>) dst(%arg9 : memref<128x128xf32, #tpu.memory_space<vmem>>)
      %add3A_103 = arith.constant 1 : i32
      %add3A_104 = arith.addi %mul3A_77, %add3A_103 : i32
      "tpu.region"() ({
        %run_scoped3A_105 = tpu.sem_alloc : memref<!tpu.dma_semaphore, #tpu.memory_space<semaphore_mem>>
        %dma_start3A_106 = arith.constant 0 : i32
        %dma_start3A_107 = tpu.memref_slice %arg7[%add3A_104, %dma_start3A_106] : memref<40x128xi32, #tpu.memory_space<vmem>> -> memref<1x128xi32, #tpu.memory_space<vmem>>
        %dma_start3A_108 = tpu.memref_squeeze %dma_start3A_107 : memref<1x128xi32, #tpu.memory_space<vmem>> -> memref<128xi32, #tpu.memory_space<vmem>>
        %dma_start3A_109 = arith.constant 0 : i32
        %dma_start3A_110 = arith.constant 0 : i32
        %dma_start3A_111 = tpu.memref_slice %arg5[%dma_start3A_109, %dma_start3A_110] : memref<10240x128xf32, #tpu.memory_space<vmem_shared>> -> memref<10240x128xf32, #tpu.memory_space<vmem_shared>>
        tpu.enqueue_indirect_dma source(%arg9 : memref<128x128xf32, #tpu.memory_space<vmem>>) target(%dma_start3A_111 : memref<10240x128xf32, #tpu.memory_space<vmem_shared>>) offsets(%dma_start3A_108 : memref<128xi32, #tpu.memory_space<vmem>>) semaphore(%run_scoped3A_105 : memref<!tpu.dma_semaphore, #tpu.memory_space<semaphore_mem>>) {add = true}
        %dma_wait3A_112 = arith.constant 0 : i32
        %dma_wait3A_113 = tpu.memref_slice %arg7[%add3A_104, %dma_wait3A_112] : memref<40x128xi32, #tpu.memory_space<vmem>> -> memref<1x128xi32, #tpu.memory_space<vmem>>
        %dma_wait3A_114 = tpu.memref_squeeze %dma_wait3A_113 : memref<1x128xi32, #tpu.memory_space<vmem>> -> memref<128xi32, #tpu.memory_space<vmem>>
        %dma_wait3A_115 = arith.constant 0 : i32
        %dma_wait3A_116 = arith.constant 0 : i32
        %dma_wait3A_117 = tpu.memref_slice %arg5[%dma_wait3A_115, %dma_wait3A_116] : memref<10240x128xf32, #tpu.memory_space<vmem_shared>> -> memref<10240x128xf32, #tpu.memory_space<vmem_shared>>
        tpu.wait_indirect_dma semaphore(%run_scoped3A_105 : memref<!tpu.dma_semaphore, #tpu.memory_space<semaphore_mem>>) src(%arg9 : memref<128x128xf32, #tpu.memory_space<vmem>>) dst(%dma_wait3A_117 : memref<10240x128xf32, #tpu.memory_space<vmem_shared>>)
        tpu.yield
      }) : () -> ()
    }
    %scan3A_46 = arith.constant 20 : i32
    %mul3A_47 = arith.constant 80 : i32
    %mul3A_48 = arith.muli %add3A, %mul3A_47 : i32
    %add3A_49 = arith.constant 40 : i32
    %add3A_50 = arith.addi %mul3A_48, %add3A_49 : i32
    %run_scoped3A_51 = arith.constant 0 : i32
    "tpu.region"() ({
      %run_scoped3A_75 = tpu.sem_alloc : memref<!tpu.dma_semaphore, #tpu.memory_space<semaphore_mem>>
      %dma_start3A_76 = arith.constant 0 : i32
      %dma_start3A_77 = tpu.memref_slice %arg3[%run_scoped3A_51, %add3A_50, %dma_start3A_76] : memref<2x2560x128xi32, #tpu.memory_space<hbm>> -> memref<1x40x128xi32, #tpu.memory_space<hbm>>
      %dma_start3A_78 = tpu.memref_squeeze %dma_start3A_77 : memref<1x40x128xi32, #tpu.memory_space<hbm>> -> memref<40x128xi32, #tpu.memory_space<hbm>>
      %dma_start3A_79 = arith.constant 0 : i32
      %dma_start3A_80 = tpu.memref_slice %arg3[%run_scoped3A_51, %add3A_50, %dma_start3A_79] : memref<2x2560x128xi32, #tpu.memory_space<hbm>> -> memref<1x40x128xi32, #tpu.memory_space<hbm>>
      %dma_start3A_81 = tpu.memref_squeeze %dma_start3A_80 : memref<1x40x128xi32, #tpu.memory_space<hbm>> -> memref<40x128xi32, #tpu.memory_space<hbm>>
      tpu.enqueue_dma source(%dma_start3A_81 : memref<40x128xi32, #tpu.memory_space<hbm>>) target(%arg6 : memref<40x128xi32, #tpu.memory_space<vmem>>) target_semaphore(%run_scoped3A_75 : memref<!tpu.dma_semaphore, #tpu.memory_space<semaphore_mem>>)
      %dma_wait3A = arith.constant 0 : i32
      %dma_wait3A_82 = tpu.memref_slice %arg3[%run_scoped3A_51, %add3A_50, %dma_wait3A] : memref<2x2560x128xi32, #tpu.memory_space<hbm>> -> memref<1x40x128xi32, #tpu.memory_space<hbm>>
      %dma_wait3A_83 = tpu.memref_squeeze %dma_wait3A_82 : memref<1x40x128xi32, #tpu.memory_space<hbm>> -> memref<40x128xi32, #tpu.memory_space<hbm>>
      %dma_wait3A_84 = arith.constant 0 : i32
      %dma_wait3A_85 = tpu.memref_slice %arg3[%run_scoped3A_51, %add3A_50, %dma_wait3A_84] : memref<2x2560x128xi32, #tpu.memory_space<hbm>> -> memref<1x40x128xi32, #tpu.memory_space<hbm>>
      %dma_wait3A_86 = tpu.memref_squeeze %dma_wait3A_85 : memref<1x40x128xi32, #tpu.memory_space<hbm>> -> memref<40x128xi32, #tpu.memory_space<hbm>>
      tpu.wait_dma2 semaphore(%run_scoped3A_75 : memref<!tpu.dma_semaphore, #tpu.memory_space<semaphore_mem>>) src(%dma_wait3A_86 : memref<40x128xi32, #tpu.memory_space<hbm>>) dst(%arg6 : memref<40x128xi32, #tpu.memory_space<vmem>>)
      tpu.yield
    }) : () -> ()
    %mul3A_52 = arith.constant 80 : i32
    %mul3A_53 = arith.muli %add3A, %mul3A_52 : i32
    %add3A_54 = arith.constant 40 : i32
    %add3A_55 = arith.addi %mul3A_53, %add3A_54 : i32
    %run_scoped3A_56 = arith.constant 1 : i32
    "tpu.region"() ({
      %run_scoped3A_75 = tpu.sem_alloc : memref<!tpu.dma_semaphore, #tpu.memory_space<semaphore_mem>>
      %dma_start3A_76 = arith.constant 0 : i32
      %dma_start3A_77 = tpu.memref_slice %arg3[%run_scoped3A_56, %add3A_55, %dma_start3A_76] : memref<2x2560x128xi32, #tpu.memory_space<hbm>> -> memref<1x40x128xi32, #tpu.memory_space<hbm>>
      %dma_start3A_78 = tpu.memref_squeeze %dma_start3A_77 : memref<1x40x128xi32, #tpu.memory_space<hbm>> -> memref<40x128xi32, #tpu.memory_space<hbm>>
      %dma_start3A_79 = arith.constant 0 : i32
      %dma_start3A_80 = tpu.memref_slice %arg3[%run_scoped3A_56, %add3A_55, %dma_start3A_79] : memref<2x2560x128xi32, #tpu.memory_space<hbm>> -> memref<1x40x128xi32, #tpu.memory_space<hbm>>
      %dma_start3A_81 = tpu.memref_squeeze %dma_start3A_80 : memref<1x40x128xi32, #tpu.memory_space<hbm>> -> memref<40x128xi32, #tpu.memory_space<hbm>>
      tpu.enqueue_dma source(%dma_start3A_81 : memref<40x128xi32, #tpu.memory_space<hbm>>) target(%arg7 : memref<40x128xi32, #tpu.memory_space<vmem>>) target_semaphore(%run_scoped3A_75 : memref<!tpu.dma_semaphore, #tpu.memory_space<semaphore_mem>>)
      %dma_wait3A = arith.constant 0 : i32
      %dma_wait3A_82 = tpu.memref_slice %arg3[%run_scoped3A_56, %add3A_55, %dma_wait3A] : memref<2x2560x128xi32, #tpu.memory_space<hbm>> -> memref<1x40x128xi32, #tpu.memory_space<hbm>>
      %dma_wait3A_83 = tpu.memref_squeeze %dma_wait3A_82 : memref<1x40x128xi32, #tpu.memory_space<hbm>> -> memref<40x128xi32, #tpu.memory_space<hbm>>
      %dma_wait3A_84 = arith.constant 0 : i32
      %dma_wait3A_85 = tpu.memref_slice %arg3[%run_scoped3A_56, %add3A_55, %dma_wait3A_84] : memref<2x2560x128xi32, #tpu.memory_space<hbm>> -> memref<1x40x128xi32, #tpu.memory_space<hbm>>
      %dma_wait3A_86 = tpu.memref_squeeze %dma_wait3A_85 : memref<1x40x128xi32, #tpu.memory_space<hbm>> -> memref<40x128xi32, #tpu.memory_space<hbm>>
      tpu.wait_dma2 semaphore(%run_scoped3A_75 : memref<!tpu.dma_semaphore, #tpu.memory_space<semaphore_mem>>) src(%dma_wait3A_86 : memref<40x128xi32, #tpu.memory_space<hbm>>) dst(%arg7 : memref<40x128xi32, #tpu.memory_space<vmem>>)
      tpu.yield
    }) : () -> ()
    %dma_start3A_57 = arith.constant 0 : i32
    %dma_start3A_58 = arith.constant 0 : i32
    %dma_start3A_59 = tpu.memref_slice %arg6[%dma_start3A_57, %dma_start3A_58] : memref<40x128xi32, #tpu.memory_space<vmem>> -> memref<1x128xi32, #tpu.memory_space<vmem>>
    %dma_start3A_60 = tpu.memref_squeeze %dma_start3A_59 : memref<1x128xi32, #tpu.memory_space<vmem>> -> memref<128xi32, #tpu.memory_space<vmem>>
    %dma_start3A_61 = arith.constant 0 : i32
    %dma_start3A_62 = arith.constant 0 : i32
    %dma_start3A_63 = tpu.memref_slice %arg2[%dma_start3A_61, %dma_start3A_62] : memref<10240x128xf32, #tpu.memory_space<hbm>> -> memref<10240x128xf32, #tpu.memory_space<hbm>>
    tpu.enqueue_indirect_dma source(%dma_start3A_63 : memref<10240x128xf32, #tpu.memory_space<hbm>>) target(%arg8 : memref<128x128xf32, #tpu.memory_space<vmem>>) offsets(%dma_start3A_60 : memref<128xi32, #tpu.memory_space<vmem>>) semaphore(%arg10 : memref<!tpu.dma_semaphore, #tpu.memory_space<semaphore_mem>>)
    %scan3A_64 = arith.constant 0 : i32
    %scan3A_65 = arith.constant 0 : i32
    %scan3A_66 = arith.constant 20 : i32
    %scan3A_67 = arith.addi %scan3A_65, %scan3A_66 : i32
    %scan3A_68 = arith.constant 1 : i32
    scf.for %scan3A_75 = %scan3A_65 to %scan3A_67 step %scan3A_68  : i32 {
      %mul3A_76 = arith.constant 2 : i32
      %mul3A_77 = arith.muli %mul3A_76, %scan3A_75 : i32
      %add3A_78 = arith.constant 1 : i32
      %add3A_79 = arith.addi %mul3A_77, %add3A_78 : i32
      %dma_start3A_80 = arith.constant 0 : i32
      %dma_start3A_81 = tpu.memref_slice %arg6[%add3A_79, %dma_start3A_80] : memref<40x128xi32, #tpu.memory_space<vmem>> -> memref<1x128xi32, #tpu.memory_space<vmem>>
      %dma_start3A_82 = tpu.memref_squeeze %dma_start3A_81 : memref<1x128xi32, #tpu.memory_space<vmem>> -> memref<128xi32, #tpu.memory_space<vmem>>
      %dma_start3A_83 = arith.constant 0 : i32
      %dma_start3A_84 = arith.constant 0 : i32
      %dma_start3A_85 = tpu.memref_slice %arg2[%dma_start3A_83, %dma_start3A_84] : memref<10240x128xf32, #tpu.memory_space<hbm>> -> memref<10240x128xf32, #tpu.memory_space<hbm>>
      tpu.enqueue_indirect_dma source(%dma_start3A_85 : memref<10240x128xf32, #tpu.memory_space<hbm>>) target(%arg9 : memref<128x128xf32, #tpu.memory_space<vmem>>) offsets(%dma_start3A_82 : memref<128xi32, #tpu.memory_space<vmem>>) semaphore(%arg11 : memref<!tpu.dma_semaphore, #tpu.memory_space<semaphore_mem>>)
      %dma_wait3A = arith.constant 0 : i32
      %dma_wait3A_86 = tpu.memref_slice %arg6[%mul3A_77, %dma_wait3A] : memref<40x128xi32, #tpu.memory_space<vmem>> -> memref<1x128xi32, #tpu.memory_space<vmem>>
      %dma_wait3A_87 = tpu.memref_squeeze %dma_wait3A_86 : memref<1x128xi32, #tpu.memory_space<vmem>> -> memref<128xi32, #tpu.memory_space<vmem>>
      %dma_wait3A_88 = arith.constant 0 : i32
      %dma_wait3A_89 = arith.constant 0 : i32
      %dma_wait3A_90 = tpu.memref_slice %arg2[%dma_wait3A_88, %dma_wait3A_89] : memref<10240x128xf32, #tpu.memory_space<hbm>> -> memref<10240x128xf32, #tpu.memory_space<hbm>>
      tpu.wait_indirect_dma semaphore(%arg10 : memref<!tpu.dma_semaphore, #tpu.memory_space<semaphore_mem>>) src(%dma_wait3A_90 : memref<10240x128xf32, #tpu.memory_space<hbm>>) dst(%arg8 : memref<128x128xf32, #tpu.memory_space<vmem>>)
      "tpu.region"() ({
        %run_scoped3A_105 = tpu.sem_alloc : memref<!tpu.dma_semaphore, #tpu.memory_space<semaphore_mem>>
        %dma_start3A_106 = arith.constant 0 : i32
        %dma_start3A_107 = tpu.memref_slice %arg7[%mul3A_77, %dma_start3A_106] : memref<40x128xi32, #tpu.memory_space<vmem>> -> memref<1x128xi32, #tpu.memory_space<vmem>>
        %dma_start3A_108 = tpu.memref_squeeze %dma_start3A_107 : memref<1x128xi32, #tpu.memory_space<vmem>> -> memref<128xi32, #tpu.memory_space<vmem>>
        %dma_start3A_109 = arith.constant 0 : i32
        %dma_start3A_110 = arith.constant 0 : i32
        %dma_start3A_111 = tpu.memref_slice %arg5[%dma_start3A_109, %dma_start3A_110] : memref<10240x128xf32, #tpu.memory_space<vmem_shared>> -> memref<10240x128xf32, #tpu.memory_space<vmem_shared>>
        tpu.enqueue_indirect_dma source(%arg8 : memref<128x128xf32, #tpu.memory_space<vmem>>) target(%dma_start3A_111 : memref<10240x128xf32, #tpu.memory_space<vmem_shared>>) offsets(%dma_start3A_108 : memref<128xi32, #tpu.memory_space<vmem>>) semaphore(%run_scoped3A_105 : memref<!tpu.dma_semaphore, #tpu.memory_space<semaphore_mem>>) {add = true}
        %dma_wait3A_112 = arith.constant 0 : i32
        %dma_wait3A_113 = tpu.memref_slice %arg7[%mul3A_77, %dma_wait3A_112] : memref<40x128xi32, #tpu.memory_space<vmem>> -> memref<1x128xi32, #tpu.memory_space<vmem>>
        %dma_wait3A_114 = tpu.memref_squeeze %dma_wait3A_113 : memref<1x128xi32, #tpu.memory_space<vmem>> -> memref<128xi32, #tpu.memory_space<vmem>>
        %dma_wait3A_115 = arith.constant 0 : i32
        %dma_wait3A_116 = arith.constant 0 : i32
        %dma_wait3A_117 = tpu.memref_slice %arg5[%dma_wait3A_115, %dma_wait3A_116] : memref<10240x128xf32, #tpu.memory_space<vmem_shared>> -> memref<10240x128xf32, #tpu.memory_space<vmem_shared>>
        tpu.wait_indirect_dma semaphore(%run_scoped3A_105 : memref<!tpu.dma_semaphore, #tpu.memory_space<semaphore_mem>>) src(%arg8 : memref<128x128xf32, #tpu.memory_space<vmem>>) dst(%dma_wait3A_117 : memref<10240x128xf32, #tpu.memory_space<vmem_shared>>)
        tpu.yield
      }) : () -> ()
      %add3A_91 = arith.constant 1 : i32
      %add3A_92 = arith.addi %scan3A_75, %add3A_91 : i32
      %lt3A = arith.constant 20 : i32
      %lt3A_93 = arith.cmpi slt, %add3A_92, %lt3A : i32
      %convert_element_type3A = arith.extui %lt3A_93 : i1 to i32
      %cond3A = arith.constant 0 : i32
      %cond3A_94 = arith.cmpi ne, %convert_element_type3A, %cond3A : i32
      scf.if %cond3A_94 {
        %add3A_105 = arith.constant 2 : i32
        %add3A_106 = arith.addi %mul3A_77, %add3A_105 : i32
        %dma_start3A_107 = arith.constant 0 : i32
        %dma_start3A_108 = tpu.memref_slice %arg6[%add3A_106, %dma_start3A_107] : memref<40x128xi32, #tpu.memory_space<vmem>> -> memref<1x128xi32, #tpu.memory_space<vmem>>
        %dma_start3A_109 = tpu.memref_squeeze %dma_start3A_108 : memref<1x128xi32, #tpu.memory_space<vmem>> -> memref<128xi32, #tpu.memory_space<vmem>>
        %dma_start3A_110 = arith.constant 0 : i32
        %dma_start3A_111 = arith.constant 0 : i32
        %dma_start3A_112 = tpu.memref_slice %arg2[%dma_start3A_110, %dma_start3A_111] : memref<10240x128xf32, #tpu.memory_space<hbm>> -> memref<10240x128xf32, #tpu.memory_space<hbm>>
        tpu.enqueue_indirect_dma source(%dma_start3A_112 : memref<10240x128xf32, #tpu.memory_space<hbm>>) target(%arg8 : memref<128x128xf32, #tpu.memory_space<vmem>>) offsets(%dma_start3A_109 : memref<128xi32, #tpu.memory_space<vmem>>) semaphore(%arg10 : memref<!tpu.dma_semaphore, #tpu.memory_space<semaphore_mem>>)
      } else {
      }
      %add3A_95 = arith.constant 1 : i32
      %add3A_96 = arith.addi %mul3A_77, %add3A_95 : i32
      %dma_wait3A_97 = arith.constant 0 : i32
      %dma_wait3A_98 = tpu.memref_slice %arg6[%add3A_96, %dma_wait3A_97] : memref<40x128xi32, #tpu.memory_space<vmem>> -> memref<1x128xi32, #tpu.memory_space<vmem>>
      %dma_wait3A_99 = tpu.memref_squeeze %dma_wait3A_98 : memref<1x128xi32, #tpu.memory_space<vmem>> -> memref<128xi32, #tpu.memory_space<vmem>>
      %dma_wait3A_100 = arith.constant 0 : i32
      %dma_wait3A_101 = arith.constant 0 : i32
      %dma_wait3A_102 = tpu.memref_slice %arg2[%dma_wait3A_100, %dma_wait3A_101] : memref<10240x128xf32, #tpu.memory_space<hbm>> -> memref<10240x128xf32, #tpu.memory_space<hbm>>
      tpu.wait_indirect_dma semaphore(%arg11 : memref<!tpu.dma_semaphore, #tpu.memory_space<semaphore_mem>>) src(%dma_wait3A_102 : memref<10240x128xf32, #tpu.memory_space<hbm>>) dst(%arg9 : memref<128x128xf32, #tpu.memory_space<vmem>>)
      %add3A_103 = arith.constant 1 : i32
      %add3A_104 = arith.addi %mul3A_77, %add3A_103 : i32
      "tpu.region"() ({
        %run_scoped3A_105 = tpu.sem_alloc : memref<!tpu.dma_semaphore, #tpu.memory_space<semaphore_mem>>
        %dma_start3A_106 = arith.constant 0 : i32
        %dma_start3A_107 = tpu.memref_slice %arg7[%add3A_104, %dma_start3A_106] : memref<40x128xi32, #tpu.memory_space<vmem>> -> memref<1x128xi32, #tpu.memory_space<vmem>>
        %dma_start3A_108 = tpu.memref_squeeze %dma_start3A_107 : memref<1x128xi32, #tpu.memory_space<vmem>> -> memref<128xi32, #tpu.memory_space<vmem>>
        %dma_start3A_109 = arith.constant 0 : i32
        %dma_start3A_110 = arith.constant 0 : i32
        %dma_start3A_111 = tpu.memref_slice %arg5[%dma_start3A_109, %dma_start3A_110] : memref<10240x128xf32, #tpu.memory_space<vmem_shared>> -> memref<10240x128xf32, #tpu.memory_space<vmem_shared>>
        tpu.enqueue_indirect_dma source(%arg9 : memref<128x128xf32, #tpu.memory_space<vmem>>) target(%dma_start3A_111 : memref<10240x128xf32, #tpu.memory_space<vmem_shared>>) offsets(%dma_start3A_108 : memref<128xi32, #tpu.memory_space<vmem>>) semaphore(%run_scoped3A_105 : memref<!tpu.dma_semaphore, #tpu.memory_space<semaphore_mem>>) {add = true}
        %dma_wait3A_112 = arith.constant 0 : i32
        %dma_wait3A_113 = tpu.memref_slice %arg7[%add3A_104, %dma_wait3A_112] : memref<40x128xi32, #tpu.memory_space<vmem>> -> memref<1x128xi32, #tpu.memory_space<vmem>>
        %dma_wait3A_114 = tpu.memref_squeeze %dma_wait3A_113 : memref<1x128xi32, #tpu.memory_space<vmem>> -> memref<128xi32, #tpu.memory_space<vmem>>
        %dma_wait3A_115 = arith.constant 0 : i32
        %dma_wait3A_116 = arith.constant 0 : i32
        %dma_wait3A_117 = tpu.memref_slice %arg5[%dma_wait3A_115, %dma_wait3A_116] : memref<10240x128xf32, #tpu.memory_space<vmem_shared>> -> memref<10240x128xf32, #tpu.memory_space<vmem_shared>>
        tpu.wait_indirect_dma semaphore(%run_scoped3A_105 : memref<!tpu.dma_semaphore, #tpu.memory_space<semaphore_mem>>) src(%arg9 : memref<128x128xf32, #tpu.memory_space<vmem>>) dst(%dma_wait3A_117 : memref<10240x128xf32, #tpu.memory_space<vmem_shared>>)
        tpu.yield
      }) : () -> ()
    }
    %scan3A_69 = arith.constant 20 : i32
    %barrier3A_70 = arith.constant 0 : index
    tpu.barrier barrier_id(%barrier3A_70)
    %mul3A_71 = arith.constant 640 : i32
    %mul3A_72 = arith.muli %arg1, %mul3A_71 : i32
    %mul3A_73 = arith.constant 640 : i32
    %mul3A_74 = arith.muli %arg1, %mul3A_73 : i32
    "tpu.region"() ({
      %run_scoped3A_75 = tpu.sem_alloc : memref<!tpu.dma_semaphore, #tpu.memory_space<semaphore_mem>>
      %dma_start3A_76 = arith.constant 0 : i32
      %dma_start3A_77 = tpu.memref_slice %arg4[%arg0, %mul3A_74, %dma_start3A_76] : memref<2x10240x128xf32, #tpu.memory_space<hbm>> -> memref<1x640x128xf32, #tpu.memory_space<hbm>>
      %dma_start3A_78 = tpu.memref_squeeze %dma_start3A_77 : memref<1x640x128xf32, #tpu.memory_space<hbm>> -> memref<640x128xf32, #tpu.memory_space<hbm>>
      %dma_start3A_79 = arith.constant 0 : i32
      %dma_start3A_80 = tpu.memref_slice %arg5[%mul3A_72, %dma_start3A_79] : memref<10240x128xf32, #tpu.memory_space<vmem_shared>> -> memref<640x128xf32, #tpu.memory_space<vmem_shared>>
      tpu.enqueue_dma source(%dma_start3A_80 : memref<640x128xf32, #tpu.memory_space<vmem_shared>>) target(%dma_start3A_78 : memref<640x128xf32, #tpu.memory_space<hbm>>) target_semaphore(%run_scoped3A_75 : memref<!tpu.dma_semaphore, #tpu.memory_space<semaphore_mem>>)
      %dma_wait3A = arith.constant 0 : i32
      %dma_wait3A_81 = tpu.memref_slice %arg4[%arg0, %mul3A_74, %dma_wait3A] : memref<2x10240x128xf32, #tpu.memory_space<hbm>> -> memref<1x640x128xf32, #tpu.memory_space<hbm>>
      %dma_wait3A_82 = tpu.memref_squeeze %dma_wait3A_81 : memref<1x640x128xf32, #tpu.memory_space<hbm>> -> memref<640x128xf32, #tpu.memory_space<hbm>>
      %dma_wait3A_83 = arith.constant 0 : i32
      %dma_wait3A_84 = tpu.memref_slice %arg5[%mul3A_72, %dma_wait3A_83] : memref<10240x128xf32, #tpu.memory_space<vmem_shared>> -> memref<640x128xf32, #tpu.memory_space<vmem_shared>>
      tpu.wait_dma2 semaphore(%run_scoped3A_75 : memref<!tpu.dma_semaphore, #tpu.memory_space<semaphore_mem>>) src(%dma_wait3A_84 : memref<640x128xf32, #tpu.memory_space<vmem_shared>>) dst(%dma_wait3A_82 : memref<640x128xf32, #tpu.memory_space<hbm>>)
      tpu.yield
    }) : () -> ()
    return
  }
}

#map = affine_map<(d0, d1) -> (0, 0, 0)>
#map1 = affine_map<(d0, d1) -> (0, 0)>
module attributes {stable_mosaic.version = 14 : i64} {
  func.func @deg_kernel(%arg0: i32, %arg1: i32, %arg2: memref<2x2560x128xi32, #tpu.memory_space<hbm>>, %arg3: memref<2x10240xf32, #tpu.memory_space<hbm>>, %arg4: memref<16x10240xf32, #tpu.memory_space<vmem_shared>>, %arg5: memref<160x128xi32, #tpu.memory_space<vmem>>, %arg6: memref<10240xf32, #tpu.memory_space<vmem>>, %arg7: memref<640xf32, #tpu.memory_space<vmem>>, %arg8: memref<640xf32, #tpu.memory_space<vmem>>) attributes {dimension_semantics = [#tpu.dimension_semantics<core_parallel>, #tpu.dimension_semantics<subcore_parallel>], iteration_bounds = array<i64: 2, 16>, scalar_prefetch = 0 : i64, scratch_operands = 5 : i64, tpu.core_type = #tpu.core_type<sc_vector_subcore>, window_params = [{transform_indices = #map}, {transform_indices = #map1}]} {
    %scan3A = arith.constant 0 : i32
    %scan3A_0 = arith.constant 0 : i32
    %scan3A_1 = arith.constant 640 : i32
    %scan3A_2 = arith.addi %scan3A_0, %scan3A_1 : i32
    %scan3A_3 = arith.constant 1 : i32
    scf.for %scan3A_164 = %scan3A_0 to %scan3A_2 step %scan3A_3  : i32 {
      %broadcast_in_dim3A_165 = arith.constant 0.000000e+00 : f32
      %broadcast_in_dim3A_166 = vector.broadcast %broadcast_in_dim3A_165 : f32 to vector<16xf32>
      %mul3A_167 = arith.constant 16 : i32
      %mul3A_168 = arith.muli %scan3A_164, %mul3A_167 : i32
      %swap3A = arith.index_cast %mul3A_168 : i32 to index
      %swap3A_169 = tpu.vector_load %arg6[%swap3A] {strides = array<i32>} : memref<10240xf32, #tpu.memory_space<vmem>>, vector<16xf32>,
      tpu.vector_store %arg6[%swap3A], %broadcast_in_dim3A_166 {strides = array<i32>} : memref<10240xf32, #tpu.memory_space<vmem>>, vector<16xf32>,
    }
    %scan3A_4 = arith.constant 640 : i32
    %mul3A = arith.constant 160 : i32
    %mul3A_5 = arith.muli %arg1, %mul3A : i32
    "tpu.region"() ({
      %run_scoped3A_164 = tpu.sem_alloc : memref<!tpu.dma_semaphore, #tpu.memory_space<semaphore_mem>>
      %dma_start3A = arith.constant 0 : i32
      %dma_start3A_165 = tpu.memref_slice %arg2[%arg0, %mul3A_5, %dma_start3A] : memref<2x2560x128xi32, #tpu.memory_space<hbm>> -> memref<1x160x128xi32, #tpu.memory_space<hbm>>
      %dma_start3A_166 = tpu.memref_squeeze %dma_start3A_165 : memref<1x160x128xi32, #tpu.memory_space<hbm>> -> memref<160x128xi32, #tpu.memory_space<hbm>>
      %dma_start3A_167 = arith.constant 0 : i32
      %dma_start3A_168 = tpu.memref_slice %arg2[%arg0, %mul3A_5, %dma_start3A_167] : memref<2x2560x128xi32, #tpu.memory_space<hbm>> -> memref<1x160x128xi32, #tpu.memory_space<hbm>>
      %dma_start3A_169 = tpu.memref_squeeze %dma_start3A_168 : memref<1x160x128xi32, #tpu.memory_space<hbm>> -> memref<160x128xi32, #tpu.memory_space<hbm>>
      tpu.enqueue_dma source(%dma_start3A_169 : memref<160x128xi32, #tpu.memory_space<hbm>>) target(%arg5 : memref<160x128xi32, #tpu.memory_space<vmem>>) target_semaphore(%run_scoped3A_164 : memref<!tpu.dma_semaphore, #tpu.memory_space<semaphore_mem>>)
      %dma_wait3A = arith.constant 0 : i32
      %dma_wait3A_170 = tpu.memref_slice %arg2[%arg0, %mul3A_5, %dma_wait3A] : memref<2x2560x128xi32, #tpu.memory_space<hbm>> -> memref<1x160x128xi32, #tpu.memory_space<hbm>>
      %dma_wait3A_171 = tpu.memref_squeeze %dma_wait3A_170 : memref<1x160x128xi32, #tpu.memory_space<hbm>> -> memref<160x128xi32, #tpu.memory_space<hbm>>
      %dma_wait3A_172 = arith.constant 0 : i32
      %dma_wait3A_173 = tpu.memref_slice %arg2[%arg0, %mul3A_5, %dma_wait3A_172] : memref<2x2560x128xi32, #tpu.memory_space<hbm>> -> memref<1x160x128xi32, #tpu.memory_space<hbm>>
      %dma_wait3A_174 = tpu.memref_squeeze %dma_wait3A_173 : memref<1x160x128xi32, #tpu.memory_space<hbm>> -> memref<160x128xi32, #tpu.memory_space<hbm>>
      tpu.wait_dma2 semaphore(%run_scoped3A_164 : memref<!tpu.dma_semaphore, #tpu.memory_space<semaphore_mem>>) src(%dma_wait3A_174 : memref<160x128xi32, #tpu.memory_space<hbm>>) dst(%arg5 : memref<160x128xi32, #tpu.memory_space<vmem>>)
      tpu.yield
    }) : () -> ()
    %broadcast_in_dim3A = arith.constant 1.000000e+00 : f32
    %broadcast_in_dim3A_6 = vector.broadcast %broadcast_in_dim3A : f32 to vector<16xf32>
    %scan3A_7 = arith.constant 0 : i32
    %scan3A_8 = arith.constant 0 : i32
    %scan3A_9 = arith.constant 1280 : i32
    %scan3A_10 = arith.addi %scan3A_8, %scan3A_9 : i32
    %scan3A_11 = arith.constant 1 : i32
    scf.for %scan3A_164 = %scan3A_8 to %scan3A_10 step %scan3A_11  : i32 {
      %jit3A = arith.constant 8 : i32
      %div3A = arith.divsi %scan3A_164, %jit3A : i32
      %sign3A = arith.constant 0 : i32
      %sign3A_165 = arith.cmpi sgt, %scan3A_164, %sign3A : i32
      %sign3A_166 = arith.extui %sign3A_165 : i1 to i32
      %sign3A_167 = arith.constant 0 : i32
      %sign3A_168 = arith.cmpi slt, %scan3A_164, %sign3A_167 : i32
      %sign3A_169 = arith.extui %sign3A_168 : i1 to i32
      %sign3A_170 = arith.subi %sign3A_166, %sign3A_169 : i32
      %sign3A_171 = arith.constant 0 : i32
      %sign3A_172 = arith.cmpi sgt, %jit3A, %sign3A_171 : i32
      %sign3A_173 = arith.extui %sign3A_172 : i1 to i32
      %sign3A_174 = arith.constant 0 : i32
      %sign3A_175 = arith.cmpi slt, %jit3A, %sign3A_174 : i32
      %sign3A_176 = arith.extui %sign3A_175 : i1 to i32
      %sign3A_177 = arith.subi %sign3A_173, %sign3A_176 : i32
      %ne3A = arith.cmpi ne, %sign3A_170, %sign3A_177 : i32
      %rem3A = arith.remsi %scan3A_164, %jit3A : i32
      %ne3A_178 = arith.constant 0 : i32
      %ne3A_179 = arith.cmpi ne, %rem3A, %ne3A_178 : i32
      %and3A = arith.andi %ne3A, %ne3A_179 : i1
      %sub3A = arith.constant 1 : i32
      %sub3A_180 = arith.subi %div3A, %sub3A : i32
      %select_n3A = arith.select %and3A, %sub3A_180, %div3A : i32
      %jit3A_181 = arith.constant 8 : i32
      %eq3A = arith.constant 0 : i32
      %eq3A_182 = arith.cmpi eq, %jit3A_181, %eq3A : i32
      %jit3A_183 = arith.constant 1 : i32
      %select_n3A_184 = arith.select %eq3A_182, %jit3A_183, %jit3A_181 : i32
      %rem3A_185 = arith.remsi %scan3A_164, %select_n3A_184 : i32
      %ne3A_186 = arith.constant 0 : i32
      %ne3A_187 = arith.cmpi ne, %rem3A_185, %ne3A_186 : i32
      %lt3A = arith.constant 0 : i32
      %lt3A_188 = arith.cmpi slt, %rem3A_185, %lt3A : i32
      %lt3A_189 = arith.constant 0 : i32
      %lt3A_190 = arith.cmpi slt, %select_n3A_184, %lt3A_189 : i32
      %ne3A_191 = arith.xori %lt3A_188, %lt3A_190 : i1
      %and3A_192 = arith.andi %ne3A_191, %ne3A_187 : i1
      %add3A = arith.addi %rem3A_185, %select_n3A_184 : i32
      %select_n3A_193 = arith.select %and3A_192, %add3A, %rem3A_185 : i32
      %mul3A_194 = arith.constant 16 : i32
      %mul3A_195 = arith.muli %select_n3A_193, %mul3A_194 : i32
      %get3A = arith.index_cast %select_n3A : i32 to index
      %get3A_196 = arith.index_cast %mul3A_195 : i32 to index
      %get3A_197 = tpu.vector_load %arg5[%get3A, %get3A_196] {strides = array<i32>} : memref<160x128xi32, #tpu.memory_space<vmem>>, vector<16xi32>,
      tpu.vector_store_idx %arg6[%get3A_197], %broadcast_in_dim3A_6 {add = true} : memref<10240xf32, #tpu.memory_space<vmem>>[vector<16xi32>], vector<16xf32>,
    }
    %scan3A_12 = arith.constant 1280 : i32
    "tpu.region"() ({
      %run_scoped3A_164 = tpu.sem_alloc : memref<!tpu.dma_semaphore, #tpu.memory_space<semaphore_mem>>
      %dma_start3A = arith.constant 0 : i32
      %dma_start3A_165 = tpu.memref_slice %arg4[%arg1, %dma_start3A] : memref<16x10240xf32, #tpu.memory_space<vmem_shared>> -> memref<1x10240xf32, #tpu.memory_space<vmem_shared>>
      %dma_start3A_166 = tpu.memref_squeeze %dma_start3A_165 : memref<1x10240xf32, #tpu.memory_space<vmem_shared>> -> memref<10240xf32, #tpu.memory_space<vmem_shared>>
      %dma_start3A_167 = arith.constant 0 : i32
      %dma_start3A_168 = tpu.memref_slice %arg4[%arg1, %dma_start3A_167] : memref<16x10240xf32, #tpu.memory_space<vmem_shared>> -> memref<1x10240xf32, #tpu.memory_space<vmem_shared>>
      %dma_start3A_169 = tpu.memref_squeeze %dma_start3A_168 : memref<1x10240xf32, #tpu.memory_space<vmem_shared>> -> memref<10240xf32, #tpu.memory_space<vmem_shared>>
      tpu.enqueue_dma source(%arg6 : memref<10240xf32, #tpu.memory_space<vmem>>) target(%dma_start3A_169 : memref<10240xf32, #tpu.memory_space<vmem_shared>>) target_semaphore(%run_scoped3A_164 : memref<!tpu.dma_semaphore, #tpu.memory_space<semaphore_mem>>)
      %dma_wait3A = arith.constant 0 : i32
      %dma_wait3A_170 = tpu.memref_slice %arg4[%arg1, %dma_wait3A] : memref<16x10240xf32, #tpu.memory_space<vmem_shared>> -> memref<1x10240xf32, #tpu.memory_space<vmem_shared>>
      %dma_wait3A_171 = tpu.memref_squeeze %dma_wait3A_170 : memref<1x10240xf32, #tpu.memory_space<vmem_shared>> -> memref<10240xf32, #tpu.memory_space<vmem_shared>>
      %dma_wait3A_172 = arith.constant 0 : i32
      %dma_wait3A_173 = tpu.memref_slice %arg4[%arg1, %dma_wait3A_172] : memref<16x10240xf32, #tpu.memory_space<vmem_shared>> -> memref<1x10240xf32, #tpu.memory_space<vmem_shared>>
      %dma_wait3A_174 = tpu.memref_squeeze %dma_wait3A_173 : memref<1x10240xf32, #tpu.memory_space<vmem_shared>> -> memref<10240xf32, #tpu.memory_space<vmem_shared>>
      tpu.wait_dma2 semaphore(%run_scoped3A_164 : memref<!tpu.dma_semaphore, #tpu.memory_space<semaphore_mem>>) src(%arg6 : memref<10240xf32, #tpu.memory_space<vmem>>) dst(%dma_wait3A_174 : memref<10240xf32, #tpu.memory_space<vmem_shared>>)
      tpu.yield
    }) : () -> ()
    %barrier3A = arith.constant 0 : index
    tpu.barrier barrier_id(%barrier3A)
    %scan3A_13 = arith.constant 0 : i32
    %scan3A_14 = arith.constant 0 : i32
    %scan3A_15 = arith.constant 40 : i32
    %scan3A_16 = arith.addi %scan3A_14, %scan3A_15 : i32
    %scan3A_17 = arith.constant 1 : i32
    scf.for %scan3A_164 = %scan3A_14 to %scan3A_16 step %scan3A_17  : i32 {
      %broadcast_in_dim3A_165 = arith.constant 0.000000e+00 : f32
      %broadcast_in_dim3A_166 = vector.broadcast %broadcast_in_dim3A_165 : f32 to vector<16xf32>
      %mul3A_167 = arith.constant 16 : i32
      %mul3A_168 = arith.muli %scan3A_164, %mul3A_167 : i32
      %swap3A = arith.index_cast %mul3A_168 : i32 to index
      %swap3A_169 = tpu.vector_load %arg7[%swap3A] {strides = array<i32>} : memref<640xf32, #tpu.memory_space<vmem>>, vector<16xf32>,
      tpu.vector_store %arg7[%swap3A], %broadcast_in_dim3A_166 {strides = array<i32>} : memref<640xf32, #tpu.memory_space<vmem>>, vector<16xf32>,
    }
    %scan3A_18 = arith.constant 40 : i32
    %mul3A_19 = arith.constant 640 : i32
    %mul3A_20 = arith.muli %arg1, %mul3A_19 : i32
    %run_scoped3A = arith.constant 0 : i32
    "tpu.region"() ({
      %run_scoped3A_164 = tpu.sem_alloc : memref<!tpu.dma_semaphore, #tpu.memory_space<semaphore_mem>>
      %dma_start3A = tpu.memref_slice %arg4[%run_scoped3A, %mul3A_20] : memref<16x10240xf32, #tpu.memory_space<vmem_shared>> -> memref<1x640xf32, #tpu.memory_space<vmem_shared>>
      %dma_start3A_165 = tpu.memref_squeeze %dma_start3A : memref<1x640xf32, #tpu.memory_space<vmem_shared>> -> memref<640xf32, #tpu.memory_space<vmem_shared>>
      %dma_start3A_166 = tpu.memref_slice %arg4[%run_scoped3A, %mul3A_20] : memref<16x10240xf32, #tpu.memory_space<vmem_shared>> -> memref<1x640xf32, #tpu.memory_space<vmem_shared>>
      %dma_start3A_167 = tpu.memref_squeeze %dma_start3A_166 : memref<1x640xf32, #tpu.memory_space<vmem_shared>> -> memref<640xf32, #tpu.memory_space<vmem_shared>>
      tpu.enqueue_dma source(%dma_start3A_167 : memref<640xf32, #tpu.memory_space<vmem_shared>>) target(%arg8 : memref<640xf32, #tpu.memory_space<vmem>>) target_semaphore(%run_scoped3A_164 : memref<!tpu.dma_semaphore, #tpu.memory_space<semaphore_mem>>)
      %dma_wait3A = tpu.memref_slice %arg4[%run_scoped3A, %mul3A_20] : memref<16x10240xf32, #tpu.memory_space<vmem_shared>> -> memref<1x640xf32, #tpu.memory_space<vmem_shared>>
      %dma_wait3A_168 = tpu.memref_squeeze %dma_wait3A : memref<1x640xf32, #tpu.memory_space<vmem_shared>> -> memref<640xf32, #tpu.memory_space<vmem_shared>>
      %dma_wait3A_169 = tpu.memref_slice %arg4[%run_scoped3A, %mul3A_20] : memref<16x10240xf32, #tpu.memory_space<vmem_shared>> -> memref<1x640xf32, #tpu.memory_space<vmem_shared>>
      %dma_wait3A_170 = tpu.memref_squeeze %dma_wait3A_169 : memref<1x640xf32, #tpu.memory_space<vmem_shared>> -> memref<640xf32, #tpu.memory_space<vmem_shared>>
      tpu.wait_dma2 semaphore(%run_scoped3A_164 : memref<!tpu.dma_semaphore, #tpu.memory_space<semaphore_mem>>) src(%dma_wait3A_170 : memref<640xf32, #tpu.memory_space<vmem_shared>>) dst(%arg8 : memref<640xf32, #tpu.memory_space<vmem>>)
      tpu.yield
    }) : () -> ()
    %scan3A_21 = arith.constant 0 : i32
    %scan3A_22 = arith.constant 0 : i32
    %scan3A_23 = arith.constant 40 : i32
    %scan3A_24 = arith.addi %scan3A_22, %scan3A_23 : i32
    %scan3A_25 = arith.constant 1 : i32
    scf.for %scan3A_164 = %scan3A_22 to %scan3A_24 step %scan3A_25  : i32 {
      %mul3A_165 = arith.constant 16 : i32
      %mul3A_166 = arith.muli %scan3A_164, %mul3A_165 : i32
      %get3A = arith.index_cast %mul3A_166 : i32 to index
      %get3A_167 = tpu.vector_load %arg7[%get3A] {strides = array<i32>} : memref<640xf32, #tpu.memory_space<vmem>>, vector<16xf32>,
      %get3A_168 = arith.index_cast %mul3A_166 : i32 to index
      %get3A_169 = tpu.vector_load %arg8[%get3A_168] {strides = array<i32>} : memref<640xf32, #tpu.memory_space<vmem>>, vector<16xf32>,
      %add3A = arith.addf %get3A_167, %get3A_169 : vector<16xf32>
      %swap3A = arith.index_cast %mul3A_166 : i32 to index
      %swap3A_170 = tpu.vector_load %arg7[%swap3A] {strides = array<i32>} : memref<640xf32, #tpu.memory_space<vmem>>, vector<16xf32>,
      tpu.vector_store %arg7[%swap3A], %add3A {strides = array<i32>} : memref<640xf32, #tpu.memory_space<vmem>>, vector<16xf32>,
    }
    %scan3A_26 = arith.constant 40 : i32
    %mul3A_27 = arith.constant 640 : i32
    %mul3A_28 = arith.muli %arg1, %mul3A_27 : i32
    %run_scoped3A_29 = arith.constant 1 : i32
    "tpu.region"() ({
      %run_scoped3A_164 = tpu.sem_alloc : memref<!tpu.dma_semaphore, #tpu.memory_space<semaphore_mem>>
      %dma_start3A = tpu.memref_slice %arg4[%run_scoped3A_29, %mul3A_28] : memref<16x10240xf32, #tpu.memory_space<vmem_shared>> -> memref<1x640xf32, #tpu.memory_space<vmem_shared>>
      %dma_start3A_165 = tpu.memref_squeeze %dma_start3A : memref<1x640xf32, #tpu.memory_space<vmem_shared>> -> memref<640xf32, #tpu.memory_space<vmem_shared>>
      %dma_start3A_166 = tpu.memref_slice %arg4[%run_scoped3A_29, %mul3A_28] : memref<16x10240xf32, #tpu.memory_space<vmem_shared>> -> memref<1x640xf32, #tpu.memory_space<vmem_shared>>
      %dma_start3A_167 = tpu.memref_squeeze %dma_start3A_166 : memref<1x640xf32, #tpu.memory_space<vmem_shared>> -> memref<640xf32, #tpu.memory_space<vmem_shared>>
      tpu.enqueue_dma source(%dma_start3A_167 : memref<640xf32, #tpu.memory_space<vmem_shared>>) target(%arg8 : memref<640xf32, #tpu.memory_space<vmem>>) target_semaphore(%run_scoped3A_164 : memref<!tpu.dma_semaphore, #tpu.memory_space<semaphore_mem>>)
      %dma_wait3A = tpu.memref_slice %arg4[%run_scoped3A_29, %mul3A_28] : memref<16x10240xf32, #tpu.memory_space<vmem_shared>> -> memref<1x640xf32, #tpu.memory_space<vmem_shared>>
      %dma_wait3A_168 = tpu.memref_squeeze %dma_wait3A : memref<1x640xf32, #tpu.memory_space<vmem_shared>> -> memref<640xf32, #tpu.memory_space<vmem_shared>>
      %dma_wait3A_169 = tpu.memref_slice %arg4[%run_scoped3A_29, %mul3A_28] : memref<16x10240xf32, #tpu.memory_space<vmem_shared>> -> memref<1x640xf32, #tpu.memory_space<vmem_shared>>
      %dma_wait3A_170 = tpu.memref_squeeze %dma_wait3A_169 : memref<1x640xf32, #tpu.memory_space<vmem_shared>> -> memref<640xf32, #tpu.memory_space<vmem_shared>>
      tpu.wait_dma2 semaphore(%run_scoped3A_164 : memref<!tpu.dma_semaphore, #tpu.memory_space<semaphore_mem>>) src(%dma_wait3A_170 : memref<640xf32, #tpu.memory_space<vmem_shared>>) dst(%arg8 : memref<640xf32, #tpu.memory_space<vmem>>)
      tpu.yield
    }) : () -> ()
    %scan3A_30 = arith.constant 0 : i32
    %scan3A_31 = arith.constant 0 : i32
    %scan3A_32 = arith.constant 40 : i32
    %scan3A_33 = arith.addi %scan3A_31, %scan3A_32 : i32
    %scan3A_34 = arith.constant 1 : i32
    scf.for %scan3A_164 = %scan3A_31 to %scan3A_33 step %scan3A_34  : i32 {
      %mul3A_165 = arith.constant 16 : i32
      %mul3A_166 = arith.muli %scan3A_164, %mul3A_165 : i32
      %get3A = arith.index_cast %mul3A_166 : i32 to index
      %get3A_167 = tpu.vector_load %arg7[%get3A] {strides = array<i32>} : memref<640xf32, #tpu.memory_space<vmem>>, vector<16xf32>,
      %get3A_168 = arith.index_cast %mul3A_166 : i32 to index
      %get3A_169 = tpu.vector_load %arg8[%get3A_168] {strides = array<i32>} : memref<640xf32, #tpu.memory_space<vmem>>, vector<16xf32>,
      %add3A = arith.addf %get3A_167, %get3A_169 : vector<16xf32>
      %swap3A = arith.index_cast %mul3A_166 : i32 to index
      %swap3A_170 = tpu.vector_load %arg7[%swap3A] {strides = array<i32>} : memref<640xf32, #tpu.memory_space<vmem>>, vector<16xf32>,
      tpu.vector_store %arg7[%swap3A], %add3A {strides = array<i32>} : memref<640xf32, #tpu.memory_space<vmem>>, vector<16xf32>,
    }
    %scan3A_35 = arith.constant 40 : i32
    %mul3A_36 = arith.constant 640 : i32
    %mul3A_37 = arith.muli %arg1, %mul3A_36 : i32
    %run_scoped3A_38 = arith.constant 2 : i32
    "tpu.region"() ({
      %run_scoped3A_164 = tpu.sem_alloc : memref<!tpu.dma_semaphore, #tpu.memory_space<semaphore_mem>>
      %dma_start3A = tpu.memref_slice %arg4[%run_scoped3A_38, %mul3A_37] : memref<16x10240xf32, #tpu.memory_space<vmem_shared>> -> memref<1x640xf32, #tpu.memory_space<vmem_shared>>
      %dma_start3A_165 = tpu.memref_squeeze %dma_start3A : memref<1x640xf32, #tpu.memory_space<vmem_shared>> -> memref<640xf32, #tpu.memory_space<vmem_shared>>
      %dma_start3A_166 = tpu.memref_slice %arg4[%run_scoped3A_38, %mul3A_37] : memref<16x10240xf32, #tpu.memory_space<vmem_shared>> -> memref<1x640xf32, #tpu.memory_space<vmem_shared>>
      %dma_start3A_167 = tpu.memref_squeeze %dma_start3A_166 : memref<1x640xf32, #tpu.memory_space<vmem_shared>> -> memref<640xf32, #tpu.memory_space<vmem_shared>>
      tpu.enqueue_dma source(%dma_start3A_167 : memref<640xf32, #tpu.memory_space<vmem_shared>>) target(%arg8 : memref<640xf32, #tpu.memory_space<vmem>>) target_semaphore(%run_scoped3A_164 : memref<!tpu.dma_semaphore, #tpu.memory_space<semaphore_mem>>)
      %dma_wait3A = tpu.memref_slice %arg4[%run_scoped3A_38, %mul3A_37] : memref<16x10240xf32, #tpu.memory_space<vmem_shared>> -> memref<1x640xf32, #tpu.memory_space<vmem_shared>>
      %dma_wait3A_168 = tpu.memref_squeeze %dma_wait3A : memref<1x640xf32, #tpu.memory_space<vmem_shared>> -> memref<640xf32, #tpu.memory_space<vmem_shared>>
      %dma_wait3A_169 = tpu.memref_slice %arg4[%run_scoped3A_38, %mul3A_37] : memref<16x10240xf32, #tpu.memory_space<vmem_shared>> -> memref<1x640xf32, #tpu.memory_space<vmem_shared>>
      %dma_wait3A_170 = tpu.memref_squeeze %dma_wait3A_169 : memref<1x640xf32, #tpu.memory_space<vmem_shared>> -> memref<640xf32, #tpu.memory_space<vmem_shared>>
      tpu.wait_dma2 semaphore(%run_scoped3A_164 : memref<!tpu.dma_semaphore, #tpu.memory_space<semaphore_mem>>) src(%dma_wait3A_170 : memref<640xf32, #tpu.memory_space<vmem_shared>>) dst(%arg8 : memref<640xf32, #tpu.memory_space<vmem>>)
      tpu.yield
    }) : () -> ()
    %scan3A_39 = arith.constant 0 : i32
    %scan3A_40 = arith.constant 0 : i32
    %scan3A_41 = arith.constant 40 : i32
    %scan3A_42 = arith.addi %scan3A_40, %scan3A_41 : i32
    %scan3A_43 = arith.constant 1 : i32
    scf.for %scan3A_164 = %scan3A_40 to %scan3A_42 step %scan3A_43  : i32 {
      %mul3A_165 = arith.constant 16 : i32
      %mul3A_166 = arith.muli %scan3A_164, %mul3A_165 : i32
      %get3A = arith.index_cast %mul3A_166 : i32 to index
      %get3A_167 = tpu.vector_load %arg7[%get3A] {strides = array<i32>} : memref<640xf32, #tpu.memory_space<vmem>>, vector<16xf32>,
      %get3A_168 = arith.index_cast %mul3A_166 : i32 to index
      %get3A_169 = tpu.vector_load %arg8[%get3A_168] {strides = array<i32>} : memref<640xf32, #tpu.memory_space<vmem>>, vector<16xf32>,
      %add3A = arith.addf %get3A_167, %get3A_169 : vector<16xf32>
      %swap3A = arith.index_cast %mul3A_166 : i32 to index
      %swap3A_170 = tpu.vector_load %arg7[%swap3A] {strides = array<i32>} : memref<640xf32, #tpu.memory_space<vmem>>, vector<16xf32>,
      tpu.vector_store %arg7[%swap3A], %add3A {strides = array<i32>} : memref<640xf32, #tpu.memory_space<vmem>>, vector<16xf32>,
    }
    %scan3A_44 = arith.constant 40 : i32
    %mul3A_45 = arith.constant 640 : i32
    %mul3A_46 = arith.muli %arg1, %mul3A_45 : i32
    %run_scoped3A_47 = arith.constant 3 : i32
    "tpu.region"() ({
      %run_scoped3A_164 = tpu.sem_alloc : memref<!tpu.dma_semaphore, #tpu.memory_space<semaphore_mem>>
      %dma_start3A = tpu.memref_slice %arg4[%run_scoped3A_47, %mul3A_46] : memref<16x10240xf32, #tpu.memory_space<vmem_shared>> -> memref<1x640xf32, #tpu.memory_space<vmem_shared>>
      %dma_start3A_165 = tpu.memref_squeeze %dma_start3A : memref<1x640xf32, #tpu.memory_space<vmem_shared>> -> memref<640xf32, #tpu.memory_space<vmem_shared>>
      %dma_start3A_166 = tpu.memref_slice %arg4[%run_scoped3A_47, %mul3A_46] : memref<16x10240xf32, #tpu.memory_space<vmem_shared>> -> memref<1x640xf32, #tpu.memory_space<vmem_shared>>
      %dma_start3A_167 = tpu.memref_squeeze %dma_start3A_166 : memref<1x640xf32, #tpu.memory_space<vmem_shared>> -> memref<640xf32, #tpu.memory_space<vmem_shared>>
      tpu.enqueue_dma source(%dma_start3A_167 : memref<640xf32, #tpu.memory_space<vmem_shared>>) target(%arg8 : memref<640xf32, #tpu.memory_space<vmem>>) target_semaphore(%run_scoped3A_164 : memref<!tpu.dma_semaphore, #tpu.memory_space<semaphore_mem>>)
      %dma_wait3A = tpu.memref_slice %arg4[%run_scoped3A_47, %mul3A_46] : memref<16x10240xf32, #tpu.memory_space<vmem_shared>> -> memref<1x640xf32, #tpu.memory_space<vmem_shared>>
      %dma_wait3A_168 = tpu.memref_squeeze %dma_wait3A : memref<1x640xf32, #tpu.memory_space<vmem_shared>> -> memref<640xf32, #tpu.memory_space<vmem_shared>>
      %dma_wait3A_169 = tpu.memref_slice %arg4[%run_scoped3A_47, %mul3A_46] : memref<16x10240xf32, #tpu.memory_space<vmem_shared>> -> memref<1x640xf32, #tpu.memory_space<vmem_shared>>
      %dma_wait3A_170 = tpu.memref_squeeze %dma_wait3A_169 : memref<1x640xf32, #tpu.memory_space<vmem_shared>> -> memref<640xf32, #tpu.memory_space<vmem_shared>>
      tpu.wait_dma2 semaphore(%run_scoped3A_164 : memref<!tpu.dma_semaphore, #tpu.memory_space<semaphore_mem>>) src(%dma_wait3A_170 : memref<640xf32, #tpu.memory_space<vmem_shared>>) dst(%arg8 : memref<640xf32, #tpu.memory_space<vmem>>)
      tpu.yield
    }) : () -> ()
    %scan3A_48 = arith.constant 0 : i32
    %scan3A_49 = arith.constant 0 : i32
    %scan3A_50 = arith.constant 40 : i32
    %scan3A_51 = arith.addi %scan3A_49, %scan3A_50 : i32
    %scan3A_52 = arith.constant 1 : i32
    scf.for %scan3A_164 = %scan3A_49 to %scan3A_51 step %scan3A_52  : i32 {
      %mul3A_165 = arith.constant 16 : i32
      %mul3A_166 = arith.muli %scan3A_164, %mul3A_165 : i32
      %get3A = arith.index_cast %mul3A_166 : i32 to index
      %get3A_167 = tpu.vector_load %arg7[%get3A] {strides = array<i32>} : memref<640xf32, #tpu.memory_space<vmem>>, vector<16xf32>,
      %get3A_168 = arith.index_cast %mul3A_166 : i32 to index
      %get3A_169 = tpu.vector_load %arg8[%get3A_168] {strides = array<i32>} : memref<640xf32, #tpu.memory_space<vmem>>, vector<16xf32>,
      %add3A = arith.addf %get3A_167, %get3A_169 : vector<16xf32>
      %swap3A = arith.index_cast %mul3A_166 : i32 to index
      %swap3A_170 = tpu.vector_load %arg7[%swap3A] {strides = array<i32>} : memref<640xf32, #tpu.memory_space<vmem>>, vector<16xf32>,
      tpu.vector_store %arg7[%swap3A], %add3A {strides = array<i32>} : memref<640xf32, #tpu.memory_space<vmem>>, vector<16xf32>,
    }
    %scan3A_53 = arith.constant 40 : i32
    %mul3A_54 = arith.constant 640 : i32
    %mul3A_55 = arith.muli %arg1, %mul3A_54 : i32
    %run_scoped3A_56 = arith.constant 4 : i32
    "tpu.region"() ({
      %run_scoped3A_164 = tpu.sem_alloc : memref<!tpu.dma_semaphore, #tpu.memory_space<semaphore_mem>>
      %dma_start3A = tpu.memref_slice %arg4[%run_scoped3A_56, %mul3A_55] : memref<16x10240xf32, #tpu.memory_space<vmem_shared>> -> memref<1x640xf32, #tpu.memory_space<vmem_shared>>
      %dma_start3A_165 = tpu.memref_squeeze %dma_start3A : memref<1x640xf32, #tpu.memory_space<vmem_shared>> -> memref<640xf32, #tpu.memory_space<vmem_shared>>
      %dma_start3A_166 = tpu.memref_slice %arg4[%run_scoped3A_56, %mul3A_55] : memref<16x10240xf32, #tpu.memory_space<vmem_shared>> -> memref<1x640xf32, #tpu.memory_space<vmem_shared>>
      %dma_start3A_167 = tpu.memref_squeeze %dma_start3A_166 : memref<1x640xf32, #tpu.memory_space<vmem_shared>> -> memref<640xf32, #tpu.memory_space<vmem_shared>>
      tpu.enqueue_dma source(%dma_start3A_167 : memref<640xf32, #tpu.memory_space<vmem_shared>>) target(%arg8 : memref<640xf32, #tpu.memory_space<vmem>>) target_semaphore(%run_scoped3A_164 : memref<!tpu.dma_semaphore, #tpu.memory_space<semaphore_mem>>)
      %dma_wait3A = tpu.memref_slice %arg4[%run_scoped3A_56, %mul3A_55] : memref<16x10240xf32, #tpu.memory_space<vmem_shared>> -> memref<1x640xf32, #tpu.memory_space<vmem_shared>>
      %dma_wait3A_168 = tpu.memref_squeeze %dma_wait3A : memref<1x640xf32, #tpu.memory_space<vmem_shared>> -> memref<640xf32, #tpu.memory_space<vmem_shared>>
      %dma_wait3A_169 = tpu.memref_slice %arg4[%run_scoped3A_56, %mul3A_55] : memref<16x10240xf32, #tpu.memory_space<vmem_shared>> -> memref<1x640xf32, #tpu.memory_space<vmem_shared>>
      %dma_wait3A_170 = tpu.memref_squeeze %dma_wait3A_169 : memref<1x640xf32, #tpu.memory_space<vmem_shared>> -> memref<640xf32, #tpu.memory_space<vmem_shared>>
      tpu.wait_dma2 semaphore(%run_scoped3A_164 : memref<!tpu.dma_semaphore, #tpu.memory_space<semaphore_mem>>) src(%dma_wait3A_170 : memref<640xf32, #tpu.memory_space<vmem_shared>>) dst(%arg8 : memref<640xf32, #tpu.memory_space<vmem>>)
      tpu.yield
    }) : () -> ()
    %scan3A_57 = arith.constant 0 : i32
    %scan3A_58 = arith.constant 0 : i32
    %scan3A_59 = arith.constant 40 : i32
    %scan3A_60 = arith.addi %scan3A_58, %scan3A_59 : i32
    %scan3A_61 = arith.constant 1 : i32
    scf.for %scan3A_164 = %scan3A_58 to %scan3A_60 step %scan3A_61  : i32 {
      %mul3A_165 = arith.constant 16 : i32
      %mul3A_166 = arith.muli %scan3A_164, %mul3A_165 : i32
      %get3A = arith.index_cast %mul3A_166 : i32 to index
      %get3A_167 = tpu.vector_load %arg7[%get3A] {strides = array<i32>} : memref<640xf32, #tpu.memory_space<vmem>>, vector<16xf32>,
      %get3A_168 = arith.index_cast %mul3A_166 : i32 to index
      %get3A_169 = tpu.vector_load %arg8[%get3A_168] {strides = array<i32>} : memref<640xf32, #tpu.memory_space<vmem>>, vector<16xf32>,
      %add3A = arith.addf %get3A_167, %get3A_169 : vector<16xf32>
      %swap3A = arith.index_cast %mul3A_166 : i32 to index
      %swap3A_170 = tpu.vector_load %arg7[%swap3A] {strides = array<i32>} : memref<640xf32, #tpu.memory_space<vmem>>, vector<16xf32>,
      tpu.vector_store %arg7[%swap3A], %add3A {strides = array<i32>} : memref<640xf32, #tpu.memory_space<vmem>>, vector<16xf32>,
    }
    %scan3A_62 = arith.constant 40 : i32
    %mul3A_63 = arith.constant 640 : i32
    %mul3A_64 = arith.muli %arg1, %mul3A_63 : i32
    %run_scoped3A_65 = arith.constant 5 : i32
    "tpu.region"() ({
      %run_scoped3A_164 = tpu.sem_alloc : memref<!tpu.dma_semaphore, #tpu.memory_space<semaphore_mem>>
      %dma_start3A = tpu.memref_slice %arg4[%run_scoped3A_65, %mul3A_64] : memref<16x10240xf32, #tpu.memory_space<vmem_shared>> -> memref<1x640xf32, #tpu.memory_space<vmem_shared>>
      %dma_start3A_165 = tpu.memref_squeeze %dma_start3A : memref<1x640xf32, #tpu.memory_space<vmem_shared>> -> memref<640xf32, #tpu.memory_space<vmem_shared>>
      %dma_start3A_166 = tpu.memref_slice %arg4[%run_scoped3A_65, %mul3A_64] : memref<16x10240xf32, #tpu.memory_space<vmem_shared>> -> memref<1x640xf32, #tpu.memory_space<vmem_shared>>
      %dma_start3A_167 = tpu.memref_squeeze %dma_start3A_166 : memref<1x640xf32, #tpu.memory_space<vmem_shared>> -> memref<640xf32, #tpu.memory_space<vmem_shared>>
      tpu.enqueue_dma source(%dma_start3A_167 : memref<640xf32, #tpu.memory_space<vmem_shared>>) target(%arg8 : memref<640xf32, #tpu.memory_space<vmem>>) target_semaphore(%run_scoped3A_164 : memref<!tpu.dma_semaphore, #tpu.memory_space<semaphore_mem>>)
      %dma_wait3A = tpu.memref_slice %arg4[%run_scoped3A_65, %mul3A_64] : memref<16x10240xf32, #tpu.memory_space<vmem_shared>> -> memref<1x640xf32, #tpu.memory_space<vmem_shared>>
      %dma_wait3A_168 = tpu.memref_squeeze %dma_wait3A : memref<1x640xf32, #tpu.memory_space<vmem_shared>> -> memref<640xf32, #tpu.memory_space<vmem_shared>>
      %dma_wait3A_169 = tpu.memref_slice %arg4[%run_scoped3A_65, %mul3A_64] : memref<16x10240xf32, #tpu.memory_space<vmem_shared>> -> memref<1x640xf32, #tpu.memory_space<vmem_shared>>
      %dma_wait3A_170 = tpu.memref_squeeze %dma_wait3A_169 : memref<1x640xf32, #tpu.memory_space<vmem_shared>> -> memref<640xf32, #tpu.memory_space<vmem_shared>>
      tpu.wait_dma2 semaphore(%run_scoped3A_164 : memref<!tpu.dma_semaphore, #tpu.memory_space<semaphore_mem>>) src(%dma_wait3A_170 : memref<640xf32, #tpu.memory_space<vmem_shared>>) dst(%arg8 : memref<640xf32, #tpu.memory_space<vmem>>)
      tpu.yield
    }) : () -> ()
    %scan3A_66 = arith.constant 0 : i32
    %scan3A_67 = arith.constant 0 : i32
    %scan3A_68 = arith.constant 40 : i32
    %scan3A_69 = arith.addi %scan3A_67, %scan3A_68 : i32
    %scan3A_70 = arith.constant 1 : i32
    scf.for %scan3A_164 = %scan3A_67 to %scan3A_69 step %scan3A_70  : i32 {
      %mul3A_165 = arith.constant 16 : i32
      %mul3A_166 = arith.muli %scan3A_164, %mul3A_165 : i32
      %get3A = arith.index_cast %mul3A_166 : i32 to index
      %get3A_167 = tpu.vector_load %arg7[%get3A] {strides = array<i32>} : memref<640xf32, #tpu.memory_space<vmem>>, vector<16xf32>,
      %get3A_168 = arith.index_cast %mul3A_166 : i32 to index
      %get3A_169 = tpu.vector_load %arg8[%get3A_168] {strides = array<i32>} : memref<640xf32, #tpu.memory_space<vmem>>, vector<16xf32>,
      %add3A = arith.addf %get3A_167, %get3A_169 : vector<16xf32>
      %swap3A = arith.index_cast %mul3A_166 : i32 to index
      %swap3A_170 = tpu.vector_load %arg7[%swap3A] {strides = array<i32>} : memref<640xf32, #tpu.memory_space<vmem>>, vector<16xf32>,
      tpu.vector_store %arg7[%swap3A], %add3A {strides = array<i32>} : memref<640xf32, #tpu.memory_space<vmem>>, vector<16xf32>,
    }
    %scan3A_71 = arith.constant 40 : i32
    %mul3A_72 = arith.constant 640 : i32
    %mul3A_73 = arith.muli %arg1, %mul3A_72 : i32
    %run_scoped3A_74 = arith.constant 6 : i32
    "tpu.region"() ({
      %run_scoped3A_164 = tpu.sem_alloc : memref<!tpu.dma_semaphore, #tpu.memory_space<semaphore_mem>>
      %dma_start3A = tpu.memref_slice %arg4[%run_scoped3A_74, %mul3A_73] : memref<16x10240xf32, #tpu.memory_space<vmem_shared>> -> memref<1x640xf32, #tpu.memory_space<vmem_shared>>
      %dma_start3A_165 = tpu.memref_squeeze %dma_start3A : memref<1x640xf32, #tpu.memory_space<vmem_shared>> -> memref<640xf32, #tpu.memory_space<vmem_shared>>
      %dma_start3A_166 = tpu.memref_slice %arg4[%run_scoped3A_74, %mul3A_73] : memref<16x10240xf32, #tpu.memory_space<vmem_shared>> -> memref<1x640xf32, #tpu.memory_space<vmem_shared>>
      %dma_start3A_167 = tpu.memref_squeeze %dma_start3A_166 : memref<1x640xf32, #tpu.memory_space<vmem_shared>> -> memref<640xf32, #tpu.memory_space<vmem_shared>>
      tpu.enqueue_dma source(%dma_start3A_167 : memref<640xf32, #tpu.memory_space<vmem_shared>>) target(%arg8 : memref<640xf32, #tpu.memory_space<vmem>>) target_semaphore(%run_scoped3A_164 : memref<!tpu.dma_semaphore, #tpu.memory_space<semaphore_mem>>)
      %dma_wait3A = tpu.memref_slice %arg4[%run_scoped3A_74, %mul3A_73] : memref<16x10240xf32, #tpu.memory_space<vmem_shared>> -> memref<1x640xf32, #tpu.memory_space<vmem_shared>>
      %dma_wait3A_168 = tpu.memref_squeeze %dma_wait3A : memref<1x640xf32, #tpu.memory_space<vmem_shared>> -> memref<640xf32, #tpu.memory_space<vmem_shared>>
      %dma_wait3A_169 = tpu.memref_slice %arg4[%run_scoped3A_74, %mul3A_73] : memref<16x10240xf32, #tpu.memory_space<vmem_shared>> -> memref<1x640xf32, #tpu.memory_space<vmem_shared>>
      %dma_wait3A_170 = tpu.memref_squeeze %dma_wait3A_169 : memref<1x640xf32, #tpu.memory_space<vmem_shared>> -> memref<640xf32, #tpu.memory_space<vmem_shared>>
      tpu.wait_dma2 semaphore(%run_scoped3A_164 : memref<!tpu.dma_semaphore, #tpu.memory_space<semaphore_mem>>) src(%dma_wait3A_170 : memref<640xf32, #tpu.memory_space<vmem_shared>>) dst(%arg8 : memref<640xf32, #tpu.memory_space<vmem>>)
      tpu.yield
    }) : () -> ()
    %scan3A_75 = arith.constant 0 : i32
    %scan3A_76 = arith.constant 0 : i32
    %scan3A_77 = arith.constant 40 : i32
    %scan3A_78 = arith.addi %scan3A_76, %scan3A_77 : i32
    %scan3A_79 = arith.constant 1 : i32
    scf.for %scan3A_164 = %scan3A_76 to %scan3A_78 step %scan3A_79  : i32 {
      %mul3A_165 = arith.constant 16 : i32
      %mul3A_166 = arith.muli %scan3A_164, %mul3A_165 : i32
      %get3A = arith.index_cast %mul3A_166 : i32 to index
      %get3A_167 = tpu.vector_load %arg7[%get3A] {strides = array<i32>} : memref<640xf32, #tpu.memory_space<vmem>>, vector<16xf32>,
      %get3A_168 = arith.index_cast %mul3A_166 : i32 to index
      %get3A_169 = tpu.vector_load %arg8[%get3A_168] {strides = array<i32>} : memref<640xf32, #tpu.memory_space<vmem>>, vector<16xf32>,
      %add3A = arith.addf %get3A_167, %get3A_169 : vector<16xf32>
      %swap3A = arith.index_cast %mul3A_166 : i32 to index
      %swap3A_170 = tpu.vector_load %arg7[%swap3A] {strides = array<i32>} : memref<640xf32, #tpu.memory_space<vmem>>, vector<16xf32>,
      tpu.vector_store %arg7[%swap3A], %add3A {strides = array<i32>} : memref<640xf32, #tpu.memory_space<vmem>>, vector<16xf32>,
    }
    %scan3A_80 = arith.constant 40 : i32
    %mul3A_81 = arith.constant 640 : i32
    %mul3A_82 = arith.muli %arg1, %mul3A_81 : i32
    %run_scoped3A_83 = arith.constant 7 : i32
    "tpu.region"() ({
      %run_scoped3A_164 = tpu.sem_alloc : memref<!tpu.dma_semaphore, #tpu.memory_space<semaphore_mem>>
      %dma_start3A = tpu.memref_slice %arg4[%run_scoped3A_83, %mul3A_82] : memref<16x10240xf32, #tpu.memory_space<vmem_shared>> -> memref<1x640xf32, #tpu.memory_space<vmem_shared>>
      %dma_start3A_165 = tpu.memref_squeeze %dma_start3A : memref<1x640xf32, #tpu.memory_space<vmem_shared>> -> memref<640xf32, #tpu.memory_space<vmem_shared>>
      %dma_start3A_166 = tpu.memref_slice %arg4[%run_scoped3A_83, %mul3A_82] : memref<16x10240xf32, #tpu.memory_space<vmem_shared>> -> memref<1x640xf32, #tpu.memory_space<vmem_shared>>
      %dma_start3A_167 = tpu.memref_squeeze %dma_start3A_166 : memref<1x640xf32, #tpu.memory_space<vmem_shared>> -> memref<640xf32, #tpu.memory_space<vmem_shared>>
      tpu.enqueue_dma source(%dma_start3A_167 : memref<640xf32, #tpu.memory_space<vmem_shared>>) target(%arg8 : memref<640xf32, #tpu.memory_space<vmem>>) target_semaphore(%run_scoped3A_164 : memref<!tpu.dma_semaphore, #tpu.memory_space<semaphore_mem>>)
      %dma_wait3A = tpu.memref_slice %arg4[%run_scoped3A_83, %mul3A_82] : memref<16x10240xf32, #tpu.memory_space<vmem_shared>> -> memref<1x640xf32, #tpu.memory_space<vmem_shared>>
      %dma_wait3A_168 = tpu.memref_squeeze %dma_wait3A : memref<1x640xf32, #tpu.memory_space<vmem_shared>> -> memref<640xf32, #tpu.memory_space<vmem_shared>>
      %dma_wait3A_169 = tpu.memref_slice %arg4[%run_scoped3A_83, %mul3A_82] : memref<16x10240xf32, #tpu.memory_space<vmem_shared>> -> memref<1x640xf32, #tpu.memory_space<vmem_shared>>
      %dma_wait3A_170 = tpu.memref_squeeze %dma_wait3A_169 : memref<1x640xf32, #tpu.memory_space<vmem_shared>> -> memref<640xf32, #tpu.memory_space<vmem_shared>>
      tpu.wait_dma2 semaphore(%run_scoped3A_164 : memref<!tpu.dma_semaphore, #tpu.memory_space<semaphore_mem>>) src(%dma_wait3A_170 : memref<640xf32, #tpu.memory_space<vmem_shared>>) dst(%arg8 : memref<640xf32, #tpu.memory_space<vmem>>)
      tpu.yield
    }) : () -> ()
    %scan3A_84 = arith.constant 0 : i32
    %scan3A_85 = arith.constant 0 : i32
    %scan3A_86 = arith.constant 40 : i32
    %scan3A_87 = arith.addi %scan3A_85, %scan3A_86 : i32
    %scan3A_88 = arith.constant 1 : i32
    scf.for %scan3A_164 = %scan3A_85 to %scan3A_87 step %scan3A_88  : i32 {
      %mul3A_165 = arith.constant 16 : i32
      %mul3A_166 = arith.muli %scan3A_164, %mul3A_165 : i32
      %get3A = arith.index_cast %mul3A_166 : i32 to index
      %get3A_167 = tpu.vector_load %arg7[%get3A] {strides = array<i32>} : memref<640xf32, #tpu.memory_space<vmem>>, vector<16xf32>,
      %get3A_168 = arith.index_cast %mul3A_166 : i32 to index
      %get3A_169 = tpu.vector_load %arg8[%get3A_168] {strides = array<i32>} : memref<640xf32, #tpu.memory_space<vmem>>, vector<16xf32>,
      %add3A = arith.addf %get3A_167, %get3A_169 : vector<16xf32>
      %swap3A = arith.index_cast %mul3A_166 : i32 to index
      %swap3A_170 = tpu.vector_load %arg7[%swap3A] {strides = array<i32>} : memref<640xf32, #tpu.memory_space<vmem>>, vector<16xf32>,
      tpu.vector_store %arg7[%swap3A], %add3A {strides = array<i32>} : memref<640xf32, #tpu.memory_space<vmem>>, vector<16xf32>,
    }
    %scan3A_89 = arith.constant 40 : i32
    %mul3A_90 = arith.constant 640 : i32
    %mul3A_91 = arith.muli %arg1, %mul3A_90 : i32
    %run_scoped3A_92 = arith.constant 8 : i32
    "tpu.region"() ({
      %run_scoped3A_164 = tpu.sem_alloc : memref<!tpu.dma_semaphore, #tpu.memory_space<semaphore_mem>>
      %dma_start3A = tpu.memref_slice %arg4[%run_scoped3A_92, %mul3A_91] : memref<16x10240xf32, #tpu.memory_space<vmem_shared>> -> memref<1x640xf32, #tpu.memory_space<vmem_shared>>
      %dma_start3A_165 = tpu.memref_squeeze %dma_start3A : memref<1x640xf32, #tpu.memory_space<vmem_shared>> -> memref<640xf32, #tpu.memory_space<vmem_shared>>
      %dma_start3A_166 = tpu.memref_slice %arg4[%run_scoped3A_92, %mul3A_91] : memref<16x10240xf32, #tpu.memory_space<vmem_shared>> -> memref<1x640xf32, #tpu.memory_space<vmem_shared>>
      %dma_start3A_167 = tpu.memref_squeeze %dma_start3A_166 : memref<1x640xf32, #tpu.memory_space<vmem_shared>> -> memref<640xf32, #tpu.memory_space<vmem_shared>>
      tpu.enqueue_dma source(%dma_start3A_167 : memref<640xf32, #tpu.memory_space<vmem_shared>>) target(%arg8 : memref<640xf32, #tpu.memory_space<vmem>>) target_semaphore(%run_scoped3A_164 : memref<!tpu.dma_semaphore, #tpu.memory_space<semaphore_mem>>)
      %dma_wait3A = tpu.memref_slice %arg4[%run_scoped3A_92, %mul3A_91] : memref<16x10240xf32, #tpu.memory_space<vmem_shared>> -> memref<1x640xf32, #tpu.memory_space<vmem_shared>>
      %dma_wait3A_168 = tpu.memref_squeeze %dma_wait3A : memref<1x640xf32, #tpu.memory_space<vmem_shared>> -> memref<640xf32, #tpu.memory_space<vmem_shared>>
      %dma_wait3A_169 = tpu.memref_slice %arg4[%run_scoped3A_92, %mul3A_91] : memref<16x10240xf32, #tpu.memory_space<vmem_shared>> -> memref<1x640xf32, #tpu.memory_space<vmem_shared>>
      %dma_wait3A_170 = tpu.memref_squeeze %dma_wait3A_169 : memref<1x640xf32, #tpu.memory_space<vmem_shared>> -> memref<640xf32, #tpu.memory_space<vmem_shared>>
      tpu.wait_dma2 semaphore(%run_scoped3A_164 : memref<!tpu.dma_semaphore, #tpu.memory_space<semaphore_mem>>) src(%dma_wait3A_170 : memref<640xf32, #tpu.memory_space<vmem_shared>>) dst(%arg8 : memref<640xf32, #tpu.memory_space<vmem>>)
      tpu.yield
    }) : () -> ()
    %scan3A_93 = arith.constant 0 : i32
    %scan3A_94 = arith.constant 0 : i32
    %scan3A_95 = arith.constant 40 : i32
    %scan3A_96 = arith.addi %scan3A_94, %scan3A_95 : i32
    %scan3A_97 = arith.constant 1 : i32
    scf.for %scan3A_164 = %scan3A_94 to %scan3A_96 step %scan3A_97  : i32 {
      %mul3A_165 = arith.constant 16 : i32
      %mul3A_166 = arith.muli %scan3A_164, %mul3A_165 : i32
      %get3A = arith.index_cast %mul3A_166 : i32 to index
      %get3A_167 = tpu.vector_load %arg7[%get3A] {strides = array<i32>} : memref<640xf32, #tpu.memory_space<vmem>>, vector<16xf32>,
      %get3A_168 = arith.index_cast %mul3A_166 : i32 to index
      %get3A_169 = tpu.vector_load %arg8[%get3A_168] {strides = array<i32>} : memref<640xf32, #tpu.memory_space<vmem>>, vector<16xf32>,
      %add3A = arith.addf %get3A_167, %get3A_169 : vector<16xf32>
      %swap3A = arith.index_cast %mul3A_166 : i32 to index
      %swap3A_170 = tpu.vector_load %arg7[%swap3A] {strides = array<i32>} : memref<640xf32, #tpu.memory_space<vmem>>, vector<16xf32>,
      tpu.vector_store %arg7[%swap3A], %add3A {strides = array<i32>} : memref<640xf32, #tpu.memory_space<vmem>>, vector<16xf32>,
    }
    %scan3A_98 = arith.constant 40 : i32
    %mul3A_99 = arith.constant 640 : i32
    %mul3A_100 = arith.muli %arg1, %mul3A_99 : i32
    %run_scoped3A_101 = arith.constant 9 : i32
    "tpu.region"() ({
      %run_scoped3A_164 = tpu.sem_alloc : memref<!tpu.dma_semaphore, #tpu.memory_space<semaphore_mem>>
      %dma_start3A = tpu.memref_slice %arg4[%run_scoped3A_101, %mul3A_100] : memref<16x10240xf32, #tpu.memory_space<vmem_shared>> -> memref<1x640xf32, #tpu.memory_space<vmem_shared>>
      %dma_start3A_165 = tpu.memref_squeeze %dma_start3A : memref<1x640xf32, #tpu.memory_space<vmem_shared>> -> memref<640xf32, #tpu.memory_space<vmem_shared>>
      %dma_start3A_166 = tpu.memref_slice %arg4[%run_scoped3A_101, %mul3A_100] : memref<16x10240xf32, #tpu.memory_space<vmem_shared>> -> memref<1x640xf32, #tpu.memory_space<vmem_shared>>
      %dma_start3A_167 = tpu.memref_squeeze %dma_start3A_166 : memref<1x640xf32, #tpu.memory_space<vmem_shared>> -> memref<640xf32, #tpu.memory_space<vmem_shared>>
      tpu.enqueue_dma source(%dma_start3A_167 : memref<640xf32, #tpu.memory_space<vmem_shared>>) target(%arg8 : memref<640xf32, #tpu.memory_space<vmem>>) target_semaphore(%run_scoped3A_164 : memref<!tpu.dma_semaphore, #tpu.memory_space<semaphore_mem>>)
      %dma_wait3A = tpu.memref_slice %arg4[%run_scoped3A_101, %mul3A_100] : memref<16x10240xf32, #tpu.memory_space<vmem_shared>> -> memref<1x640xf32, #tpu.memory_space<vmem_shared>>
      %dma_wait3A_168 = tpu.memref_squeeze %dma_wait3A : memref<1x640xf32, #tpu.memory_space<vmem_shared>> -> memref<640xf32, #tpu.memory_space<vmem_shared>>
      %dma_wait3A_169 = tpu.memref_slice %arg4[%run_scoped3A_101, %mul3A_100] : memref<16x10240xf32, #tpu.memory_space<vmem_shared>> -> memref<1x640xf32, #tpu.memory_space<vmem_shared>>
      %dma_wait3A_170 = tpu.memref_squeeze %dma_wait3A_169 : memref<1x640xf32, #tpu.memory_space<vmem_shared>> -> memref<640xf32, #tpu.memory_space<vmem_shared>>
      tpu.wait_dma2 semaphore(%run_scoped3A_164 : memref<!tpu.dma_semaphore, #tpu.memory_space<semaphore_mem>>) src(%dma_wait3A_170 : memref<640xf32, #tpu.memory_space<vmem_shared>>) dst(%arg8 : memref<640xf32, #tpu.memory_space<vmem>>)
      tpu.yield
    }) : () -> ()
    %scan3A_102 = arith.constant 0 : i32
    %scan3A_103 = arith.constant 0 : i32
    %scan3A_104 = arith.constant 40 : i32
    %scan3A_105 = arith.addi %scan3A_103, %scan3A_104 : i32
    %scan3A_106 = arith.constant 1 : i32
    scf.for %scan3A_164 = %scan3A_103 to %scan3A_105 step %scan3A_106  : i32 {
      %mul3A_165 = arith.constant 16 : i32
      %mul3A_166 = arith.muli %scan3A_164, %mul3A_165 : i32
      %get3A = arith.index_cast %mul3A_166 : i32 to index
      %get3A_167 = tpu.vector_load %arg7[%get3A] {strides = array<i32>} : memref<640xf32, #tpu.memory_space<vmem>>, vector<16xf32>,
      %get3A_168 = arith.index_cast %mul3A_166 : i32 to index
      %get3A_169 = tpu.vector_load %arg8[%get3A_168] {strides = array<i32>} : memref<640xf32, #tpu.memory_space<vmem>>, vector<16xf32>,
      %add3A = arith.addf %get3A_167, %get3A_169 : vector<16xf32>
      %swap3A = arith.index_cast %mul3A_166 : i32 to index
      %swap3A_170 = tpu.vector_load %arg7[%swap3A] {strides = array<i32>} : memref<640xf32, #tpu.memory_space<vmem>>, vector<16xf32>,
      tpu.vector_store %arg7[%swap3A], %add3A {strides = array<i32>} : memref<640xf32, #tpu.memory_space<vmem>>, vector<16xf32>,
    }
    %scan3A_107 = arith.constant 40 : i32
    %mul3A_108 = arith.constant 640 : i32
    %mul3A_109 = arith.muli %arg1, %mul3A_108 : i32
    %run_scoped3A_110 = arith.constant 10 : i32
    "tpu.region"() ({
      %run_scoped3A_164 = tpu.sem_alloc : memref<!tpu.dma_semaphore, #tpu.memory_space<semaphore_mem>>
      %dma_start3A = tpu.memref_slice %arg4[%run_scoped3A_110, %mul3A_109] : memref<16x10240xf32, #tpu.memory_space<vmem_shared>> -> memref<1x640xf32, #tpu.memory_space<vmem_shared>>
      %dma_start3A_165 = tpu.memref_squeeze %dma_start3A : memref<1x640xf32, #tpu.memory_space<vmem_shared>> -> memref<640xf32, #tpu.memory_space<vmem_shared>>
      %dma_start3A_166 = tpu.memref_slice %arg4[%run_scoped3A_110, %mul3A_109] : memref<16x10240xf32, #tpu.memory_space<vmem_shared>> -> memref<1x640xf32, #tpu.memory_space<vmem_shared>>
      %dma_start3A_167 = tpu.memref_squeeze %dma_start3A_166 : memref<1x640xf32, #tpu.memory_space<vmem_shared>> -> memref<640xf32, #tpu.memory_space<vmem_shared>>
      tpu.enqueue_dma source(%dma_start3A_167 : memref<640xf32, #tpu.memory_space<vmem_shared>>) target(%arg8 : memref<640xf32, #tpu.memory_space<vmem>>) target_semaphore(%run_scoped3A_164 : memref<!tpu.dma_semaphore, #tpu.memory_space<semaphore_mem>>)
      %dma_wait3A = tpu.memref_slice %arg4[%run_scoped3A_110, %mul3A_109] : memref<16x10240xf32, #tpu.memory_space<vmem_shared>> -> memref<1x640xf32, #tpu.memory_space<vmem_shared>>
      %dma_wait3A_168 = tpu.memref_squeeze %dma_wait3A : memref<1x640xf32, #tpu.memory_space<vmem_shared>> -> memref<640xf32, #tpu.memory_space<vmem_shared>>
      %dma_wait3A_169 = tpu.memref_slice %arg4[%run_scoped3A_110, %mul3A_109] : memref<16x10240xf32, #tpu.memory_space<vmem_shared>> -> memref<1x640xf32, #tpu.memory_space<vmem_shared>>
      %dma_wait3A_170 = tpu.memref_squeeze %dma_wait3A_169 : memref<1x640xf32, #tpu.memory_space<vmem_shared>> -> memref<640xf32, #tpu.memory_space<vmem_shared>>
      tpu.wait_dma2 semaphore(%run_scoped3A_164 : memref<!tpu.dma_semaphore, #tpu.memory_space<semaphore_mem>>) src(%dma_wait3A_170 : memref<640xf32, #tpu.memory_space<vmem_shared>>) dst(%arg8 : memref<640xf32, #tpu.memory_space<vmem>>)
      tpu.yield
    }) : () -> ()
    %scan3A_111 = arith.constant 0 : i32
    %scan3A_112 = arith.constant 0 : i32
    %scan3A_113 = arith.constant 40 : i32
    %scan3A_114 = arith.addi %scan3A_112, %scan3A_113 : i32
    %scan3A_115 = arith.constant 1 : i32
    scf.for %scan3A_164 = %scan3A_112 to %scan3A_114 step %scan3A_115  : i32 {
      %mul3A_165 = arith.constant 16 : i32
      %mul3A_166 = arith.muli %scan3A_164, %mul3A_165 : i32
      %get3A = arith.index_cast %mul3A_166 : i32 to index
      %get3A_167 = tpu.vector_load %arg7[%get3A] {strides = array<i32>} : memref<640xf32, #tpu.memory_space<vmem>>, vector<16xf32>,
      %get3A_168 = arith.index_cast %mul3A_166 : i32 to index
      %get3A_169 = tpu.vector_load %arg8[%get3A_168] {strides = array<i32>} : memref<640xf32, #tpu.memory_space<vmem>>, vector<16xf32>,
      %add3A = arith.addf %get3A_167, %get3A_169 : vector<16xf32>
      %swap3A = arith.index_cast %mul3A_166 : i32 to index
      %swap3A_170 = tpu.vector_load %arg7[%swap3A] {strides = array<i32>} : memref<640xf32, #tpu.memory_space<vmem>>, vector<16xf32>,
      tpu.vector_store %arg7[%swap3A], %add3A {strides = array<i32>} : memref<640xf32, #tpu.memory_space<vmem>>, vector<16xf32>,
    }
    %scan3A_116 = arith.constant 40 : i32
    %mul3A_117 = arith.constant 640 : i32
    %mul3A_118 = arith.muli %arg1, %mul3A_117 : i32
    %run_scoped3A_119 = arith.constant 11 : i32
    "tpu.region"() ({
      %run_scoped3A_164 = tpu.sem_alloc : memref<!tpu.dma_semaphore, #tpu.memory_space<semaphore_mem>>
      %dma_start3A = tpu.memref_slice %arg4[%run_scoped3A_119, %mul3A_118] : memref<16x10240xf32, #tpu.memory_space<vmem_shared>> -> memref<1x640xf32, #tpu.memory_space<vmem_shared>>
      %dma_start3A_165 = tpu.memref_squeeze %dma_start3A : memref<1x640xf32, #tpu.memory_space<vmem_shared>> -> memref<640xf32, #tpu.memory_space<vmem_shared>>
      %dma_start3A_166 = tpu.memref_slice %arg4[%run_scoped3A_119, %mul3A_118] : memref<16x10240xf32, #tpu.memory_space<vmem_shared>> -> memref<1x640xf32, #tpu.memory_space<vmem_shared>>
      %dma_start3A_167 = tpu.memref_squeeze %dma_start3A_166 : memref<1x640xf32, #tpu.memory_space<vmem_shared>> -> memref<640xf32, #tpu.memory_space<vmem_shared>>
      tpu.enqueue_dma source(%dma_start3A_167 : memref<640xf32, #tpu.memory_space<vmem_shared>>) target(%arg8 : memref<640xf32, #tpu.memory_space<vmem>>) target_semaphore(%run_scoped3A_164 : memref<!tpu.dma_semaphore, #tpu.memory_space<semaphore_mem>>)
      %dma_wait3A = tpu.memref_slice %arg4[%run_scoped3A_119, %mul3A_118] : memref<16x10240xf32, #tpu.memory_space<vmem_shared>> -> memref<1x640xf32, #tpu.memory_space<vmem_shared>>
      %dma_wait3A_168 = tpu.memref_squeeze %dma_wait3A : memref<1x640xf32, #tpu.memory_space<vmem_shared>> -> memref<640xf32, #tpu.memory_space<vmem_shared>>
      %dma_wait3A_169 = tpu.memref_slice %arg4[%run_scoped3A_119, %mul3A_118] : memref<16x10240xf32, #tpu.memory_space<vmem_shared>> -> memref<1x640xf32, #tpu.memory_space<vmem_shared>>
      %dma_wait3A_170 = tpu.memref_squeeze %dma_wait3A_169 : memref<1x640xf32, #tpu.memory_space<vmem_shared>> -> memref<640xf32, #tpu.memory_space<vmem_shared>>
      tpu.wait_dma2 semaphore(%run_scoped3A_164 : memref<!tpu.dma_semaphore, #tpu.memory_space<semaphore_mem>>) src(%dma_wait3A_170 : memref<640xf32, #tpu.memory_space<vmem_shared>>) dst(%arg8 : memref<640xf32, #tpu.memory_space<vmem>>)
      tpu.yield
    }) : () -> ()
    %scan3A_120 = arith.constant 0 : i32
    %scan3A_121 = arith.constant 0 : i32
    %scan3A_122 = arith.constant 40 : i32
    %scan3A_123 = arith.addi %scan3A_121, %scan3A_122 : i32
    %scan3A_124 = arith.constant 1 : i32
    scf.for %scan3A_164 = %scan3A_121 to %scan3A_123 step %scan3A_124  : i32 {
      %mul3A_165 = arith.constant 16 : i32
      %mul3A_166 = arith.muli %scan3A_164, %mul3A_165 : i32
      %get3A = arith.index_cast %mul3A_166 : i32 to index
      %get3A_167 = tpu.vector_load %arg7[%get3A] {strides = array<i32>} : memref<640xf32, #tpu.memory_space<vmem>>, vector<16xf32>,
      %get3A_168 = arith.index_cast %mul3A_166 : i32 to index
      %get3A_169 = tpu.vector_load %arg8[%get3A_168] {strides = array<i32>} : memref<640xf32, #tpu.memory_space<vmem>>, vector<16xf32>,
      %add3A = arith.addf %get3A_167, %get3A_169 : vector<16xf32>
      %swap3A = arith.index_cast %mul3A_166 : i32 to index
      %swap3A_170 = tpu.vector_load %arg7[%swap3A] {strides = array<i32>} : memref<640xf32, #tpu.memory_space<vmem>>, vector<16xf32>,
      tpu.vector_store %arg7[%swap3A], %add3A {strides = array<i32>} : memref<640xf32, #tpu.memory_space<vmem>>, vector<16xf32>,
    }
    %scan3A_125 = arith.constant 40 : i32
    %mul3A_126 = arith.constant 640 : i32
    %mul3A_127 = arith.muli %arg1, %mul3A_126 : i32
    %run_scoped3A_128 = arith.constant 12 : i32
    "tpu.region"() ({
      %run_scoped3A_164 = tpu.sem_alloc : memref<!tpu.dma_semaphore, #tpu.memory_space<semaphore_mem>>
      %dma_start3A = tpu.memref_slice %arg4[%run_scoped3A_128, %mul3A_127] : memref<16x10240xf32, #tpu.memory_space<vmem_shared>> -> memref<1x640xf32, #tpu.memory_space<vmem_shared>>
      %dma_start3A_165 = tpu.memref_squeeze %dma_start3A : memref<1x640xf32, #tpu.memory_space<vmem_shared>> -> memref<640xf32, #tpu.memory_space<vmem_shared>>
      %dma_start3A_166 = tpu.memref_slice %arg4[%run_scoped3A_128, %mul3A_127] : memref<16x10240xf32, #tpu.memory_space<vmem_shared>> -> memref<1x640xf32, #tpu.memory_space<vmem_shared>>
      %dma_start3A_167 = tpu.memref_squeeze %dma_start3A_166 : memref<1x640xf32, #tpu.memory_space<vmem_shared>> -> memref<640xf32, #tpu.memory_space<vmem_shared>>
      tpu.enqueue_dma source(%dma_start3A_167 : memref<640xf32, #tpu.memory_space<vmem_shared>>) target(%arg8 : memref<640xf32, #tpu.memory_space<vmem>>) target_semaphore(%run_scoped3A_164 : memref<!tpu.dma_semaphore, #tpu.memory_space<semaphore_mem>>)
      %dma_wait3A = tpu.memref_slice %arg4[%run_scoped3A_128, %mul3A_127] : memref<16x10240xf32, #tpu.memory_space<vmem_shared>> -> memref<1x640xf32, #tpu.memory_space<vmem_shared>>
      %dma_wait3A_168 = tpu.memref_squeeze %dma_wait3A : memref<1x640xf32, #tpu.memory_space<vmem_shared>> -> memref<640xf32, #tpu.memory_space<vmem_shared>>
      %dma_wait3A_169 = tpu.memref_slice %arg4[%run_scoped3A_128, %mul3A_127] : memref<16x10240xf32, #tpu.memory_space<vmem_shared>> -> memref<1x640xf32, #tpu.memory_space<vmem_shared>>
      %dma_wait3A_170 = tpu.memref_squeeze %dma_wait3A_169 : memref<1x640xf32, #tpu.memory_space<vmem_shared>> -> memref<640xf32, #tpu.memory_space<vmem_shared>>
      tpu.wait_dma2 semaphore(%run_scoped3A_164 : memref<!tpu.dma_semaphore, #tpu.memory_space<semaphore_mem>>) src(%dma_wait3A_170 : memref<640xf32, #tpu.memory_space<vmem_shared>>) dst(%arg8 : memref<640xf32, #tpu.memory_space<vmem>>)
      tpu.yield
    }) : () -> ()
    %scan3A_129 = arith.constant 0 : i32
    %scan3A_130 = arith.constant 0 : i32
    %scan3A_131 = arith.constant 40 : i32
    %scan3A_132 = arith.addi %scan3A_130, %scan3A_131 : i32
    %scan3A_133 = arith.constant 1 : i32
    scf.for %scan3A_164 = %scan3A_130 to %scan3A_132 step %scan3A_133  : i32 {
      %mul3A_165 = arith.constant 16 : i32
      %mul3A_166 = arith.muli %scan3A_164, %mul3A_165 : i32
      %get3A = arith.index_cast %mul3A_166 : i32 to index
      %get3A_167 = tpu.vector_load %arg7[%get3A] {strides = array<i32>} : memref<640xf32, #tpu.memory_space<vmem>>, vector<16xf32>,
      %get3A_168 = arith.index_cast %mul3A_166 : i32 to index
      %get3A_169 = tpu.vector_load %arg8[%get3A_168] {strides = array<i32>} : memref<640xf32, #tpu.memory_space<vmem>>, vector<16xf32>,
      %add3A = arith.addf %get3A_167, %get3A_169 : vector<16xf32>
      %swap3A = arith.index_cast %mul3A_166 : i32 to index
      %swap3A_170 = tpu.vector_load %arg7[%swap3A] {strides = array<i32>} : memref<640xf32, #tpu.memory_space<vmem>>, vector<16xf32>,
      tpu.vector_store %arg7[%swap3A], %add3A {strides = array<i32>} : memref<640xf32, #tpu.memory_space<vmem>>, vector<16xf32>,
    }
    %scan3A_134 = arith.constant 40 : i32
    %mul3A_135 = arith.constant 640 : i32
    %mul3A_136 = arith.muli %arg1, %mul3A_135 : i32
    %run_scoped3A_137 = arith.constant 13 : i32
    "tpu.region"() ({
      %run_scoped3A_164 = tpu.sem_alloc : memref<!tpu.dma_semaphore, #tpu.memory_space<semaphore_mem>>
      %dma_start3A = tpu.memref_slice %arg4[%run_scoped3A_137, %mul3A_136] : memref<16x10240xf32, #tpu.memory_space<vmem_shared>> -> memref<1x640xf32, #tpu.memory_space<vmem_shared>>
      %dma_start3A_165 = tpu.memref_squeeze %dma_start3A : memref<1x640xf32, #tpu.memory_space<vmem_shared>> -> memref<640xf32, #tpu.memory_space<vmem_shared>>
      %dma_start3A_166 = tpu.memref_slice %arg4[%run_scoped3A_137, %mul3A_136] : memref<16x10240xf32, #tpu.memory_space<vmem_shared>> -> memref<1x640xf32, #tpu.memory_space<vmem_shared>>
      %dma_start3A_167 = tpu.memref_squeeze %dma_start3A_166 : memref<1x640xf32, #tpu.memory_space<vmem_shared>> -> memref<640xf32, #tpu.memory_space<vmem_shared>>
      tpu.enqueue_dma source(%dma_start3A_167 : memref<640xf32, #tpu.memory_space<vmem_shared>>) target(%arg8 : memref<640xf32, #tpu.memory_space<vmem>>) target_semaphore(%run_scoped3A_164 : memref<!tpu.dma_semaphore, #tpu.memory_space<semaphore_mem>>)
      %dma_wait3A = tpu.memref_slice %arg4[%run_scoped3A_137, %mul3A_136] : memref<16x10240xf32, #tpu.memory_space<vmem_shared>> -> memref<1x640xf32, #tpu.memory_space<vmem_shared>>
      %dma_wait3A_168 = tpu.memref_squeeze %dma_wait3A : memref<1x640xf32, #tpu.memory_space<vmem_shared>> -> memref<640xf32, #tpu.memory_space<vmem_shared>>
      %dma_wait3A_169 = tpu.memref_slice %arg4[%run_scoped3A_137, %mul3A_136] : memref<16x10240xf32, #tpu.memory_space<vmem_shared>> -> memref<1x640xf32, #tpu.memory_space<vmem_shared>>
      %dma_wait3A_170 = tpu.memref_squeeze %dma_wait3A_169 : memref<1x640xf32, #tpu.memory_space<vmem_shared>> -> memref<640xf32, #tpu.memory_space<vmem_shared>>
      tpu.wait_dma2 semaphore(%run_scoped3A_164 : memref<!tpu.dma_semaphore, #tpu.memory_space<semaphore_mem>>) src(%dma_wait3A_170 : memref<640xf32, #tpu.memory_space<vmem_shared>>) dst(%arg8 : memref<640xf32, #tpu.memory_space<vmem>>)
      tpu.yield
    }) : () -> ()
    %scan3A_138 = arith.constant 0 : i32
    %scan3A_139 = arith.constant 0 : i32
    %scan3A_140 = arith.constant 40 : i32
    %scan3A_141 = arith.addi %scan3A_139, %scan3A_140 : i32
    %scan3A_142 = arith.constant 1 : i32
    scf.for %scan3A_164 = %scan3A_139 to %scan3A_141 step %scan3A_142  : i32 {
      %mul3A_165 = arith.constant 16 : i32
      %mul3A_166 = arith.muli %scan3A_164, %mul3A_165 : i32
      %get3A = arith.index_cast %mul3A_166 : i32 to index
      %get3A_167 = tpu.vector_load %arg7[%get3A] {strides = array<i32>} : memref<640xf32, #tpu.memory_space<vmem>>, vector<16xf32>,
      %get3A_168 = arith.index_cast %mul3A_166 : i32 to index
      %get3A_169 = tpu.vector_load %arg8[%get3A_168] {strides = array<i32>} : memref<640xf32, #tpu.memory_space<vmem>>, vector<16xf32>,
      %add3A = arith.addf %get3A_167, %get3A_169 : vector<16xf32>
      %swap3A = arith.index_cast %mul3A_166 : i32 to index
      %swap3A_170 = tpu.vector_load %arg7[%swap3A] {strides = array<i32>} : memref<640xf32, #tpu.memory_space<vmem>>, vector<16xf32>,
      tpu.vector_store %arg7[%swap3A], %add3A {strides = array<i32>} : memref<640xf32, #tpu.memory_space<vmem>>, vector<16xf32>,
    }
    %scan3A_143 = arith.constant 40 : i32
    %mul3A_144 = arith.constant 640 : i32
    %mul3A_145 = arith.muli %arg1, %mul3A_144 : i32
    %run_scoped3A_146 = arith.constant 14 : i32
    "tpu.region"() ({
      %run_scoped3A_164 = tpu.sem_alloc : memref<!tpu.dma_semaphore, #tpu.memory_space<semaphore_mem>>
      %dma_start3A = tpu.memref_slice %arg4[%run_scoped3A_146, %mul3A_145] : memref<16x10240xf32, #tpu.memory_space<vmem_shared>> -> memref<1x640xf32, #tpu.memory_space<vmem_shared>>
      %dma_start3A_165 = tpu.memref_squeeze %dma_start3A : memref<1x640xf32, #tpu.memory_space<vmem_shared>> -> memref<640xf32, #tpu.memory_space<vmem_shared>>
      %dma_start3A_166 = tpu.memref_slice %arg4[%run_scoped3A_146, %mul3A_145] : memref<16x10240xf32, #tpu.memory_space<vmem_shared>> -> memref<1x640xf32, #tpu.memory_space<vmem_shared>>
      %dma_start3A_167 = tpu.memref_squeeze %dma_start3A_166 : memref<1x640xf32, #tpu.memory_space<vmem_shared>> -> memref<640xf32, #tpu.memory_space<vmem_shared>>
      tpu.enqueue_dma source(%dma_start3A_167 : memref<640xf32, #tpu.memory_space<vmem_shared>>) target(%arg8 : memref<640xf32, #tpu.memory_space<vmem>>) target_semaphore(%run_scoped3A_164 : memref<!tpu.dma_semaphore, #tpu.memory_space<semaphore_mem>>)
      %dma_wait3A = tpu.memref_slice %arg4[%run_scoped3A_146, %mul3A_145] : memref<16x10240xf32, #tpu.memory_space<vmem_shared>> -> memref<1x640xf32, #tpu.memory_space<vmem_shared>>
      %dma_wait3A_168 = tpu.memref_squeeze %dma_wait3A : memref<1x640xf32, #tpu.memory_space<vmem_shared>> -> memref<640xf32, #tpu.memory_space<vmem_shared>>
      %dma_wait3A_169 = tpu.memref_slice %arg4[%run_scoped3A_146, %mul3A_145] : memref<16x10240xf32, #tpu.memory_space<vmem_shared>> -> memref<1x640xf32, #tpu.memory_space<vmem_shared>>
      %dma_wait3A_170 = tpu.memref_squeeze %dma_wait3A_169 : memref<1x640xf32, #tpu.memory_space<vmem_shared>> -> memref<640xf32, #tpu.memory_space<vmem_shared>>
      tpu.wait_dma2 semaphore(%run_scoped3A_164 : memref<!tpu.dma_semaphore, #tpu.memory_space<semaphore_mem>>) src(%dma_wait3A_170 : memref<640xf32, #tpu.memory_space<vmem_shared>>) dst(%arg8 : memref<640xf32, #tpu.memory_space<vmem>>)
      tpu.yield
    }) : () -> ()
    %scan3A_147 = arith.constant 0 : i32
    %scan3A_148 = arith.constant 0 : i32
    %scan3A_149 = arith.constant 40 : i32
    %scan3A_150 = arith.addi %scan3A_148, %scan3A_149 : i32
    %scan3A_151 = arith.constant 1 : i32
    scf.for %scan3A_164 = %scan3A_148 to %scan3A_150 step %scan3A_151  : i32 {
      %mul3A_165 = arith.constant 16 : i32
      %mul3A_166 = arith.muli %scan3A_164, %mul3A_165 : i32
      %get3A = arith.index_cast %mul3A_166 : i32 to index
      %get3A_167 = tpu.vector_load %arg7[%get3A] {strides = array<i32>} : memref<640xf32, #tpu.memory_space<vmem>>, vector<16xf32>,
      %get3A_168 = arith.index_cast %mul3A_166 : i32 to index
      %get3A_169 = tpu.vector_load %arg8[%get3A_168] {strides = array<i32>} : memref<640xf32, #tpu.memory_space<vmem>>, vector<16xf32>,
      %add3A = arith.addf %get3A_167, %get3A_169 : vector<16xf32>
      %swap3A = arith.index_cast %mul3A_166 : i32 to index
      %swap3A_170 = tpu.vector_load %arg7[%swap3A] {strides = array<i32>} : memref<640xf32, #tpu.memory_space<vmem>>, vector<16xf32>,
      tpu.vector_store %arg7[%swap3A], %add3A {strides = array<i32>} : memref<640xf32, #tpu.memory_space<vmem>>, vector<16xf32>,
    }
    %scan3A_152 = arith.constant 40 : i32
    %mul3A_153 = arith.constant 640 : i32
    %mul3A_154 = arith.muli %arg1, %mul3A_153 : i32
    %run_scoped3A_155 = arith.constant 15 : i32
    "tpu.region"() ({
      %run_scoped3A_164 = tpu.sem_alloc : memref<!tpu.dma_semaphore, #tpu.memory_space<semaphore_mem>>
      %dma_start3A = tpu.memref_slice %arg4[%run_scoped3A_155, %mul3A_154] : memref<16x10240xf32, #tpu.memory_space<vmem_shared>> -> memref<1x640xf32, #tpu.memory_space<vmem_shared>>
      %dma_start3A_165 = tpu.memref_squeeze %dma_start3A : memref<1x640xf32, #tpu.memory_space<vmem_shared>> -> memref<640xf32, #tpu.memory_space<vmem_shared>>
      %dma_start3A_166 = tpu.memref_slice %arg4[%run_scoped3A_155, %mul3A_154] : memref<16x10240xf32, #tpu.memory_space<vmem_shared>> -> memref<1x640xf32, #tpu.memory_space<vmem_shared>>
      %dma_start3A_167 = tpu.memref_squeeze %dma_start3A_166 : memref<1x640xf32, #tpu.memory_space<vmem_shared>> -> memref<640xf32, #tpu.memory_space<vmem_shared>>
      tpu.enqueue_dma source(%dma_start3A_167 : memref<640xf32, #tpu.memory_space<vmem_shared>>) target(%arg8 : memref<640xf32, #tpu.memory_space<vmem>>) target_semaphore(%run_scoped3A_164 : memref<!tpu.dma_semaphore, #tpu.memory_space<semaphore_mem>>)
      %dma_wait3A = tpu.memref_slice %arg4[%run_scoped3A_155, %mul3A_154] : memref<16x10240xf32, #tpu.memory_space<vmem_shared>> -> memref<1x640xf32, #tpu.memory_space<vmem_shared>>
      %dma_wait3A_168 = tpu.memref_squeeze %dma_wait3A : memref<1x640xf32, #tpu.memory_space<vmem_shared>> -> memref<640xf32, #tpu.memory_space<vmem_shared>>
      %dma_wait3A_169 = tpu.memref_slice %arg4[%run_scoped3A_155, %mul3A_154] : memref<16x10240xf32, #tpu.memory_space<vmem_shared>> -> memref<1x640xf32, #tpu.memory_space<vmem_shared>>
      %dma_wait3A_170 = tpu.memref_squeeze %dma_wait3A_169 : memref<1x640xf32, #tpu.memory_space<vmem_shared>> -> memref<640xf32, #tpu.memory_space<vmem_shared>>
      tpu.wait_dma2 semaphore(%run_scoped3A_164 : memref<!tpu.dma_semaphore, #tpu.memory_space<semaphore_mem>>) src(%dma_wait3A_170 : memref<640xf32, #tpu.memory_space<vmem_shared>>) dst(%arg8 : memref<640xf32, #tpu.memory_space<vmem>>)
      tpu.yield
    }) : () -> ()
    %scan3A_156 = arith.constant 0 : i32
    %scan3A_157 = arith.constant 0 : i32
    %scan3A_158 = arith.constant 40 : i32
    %scan3A_159 = arith.addi %scan3A_157, %scan3A_158 : i32
    %scan3A_160 = arith.constant 1 : i32
    scf.for %scan3A_164 = %scan3A_157 to %scan3A_159 step %scan3A_160  : i32 {
      %mul3A_165 = arith.constant 16 : i32
      %mul3A_166 = arith.muli %scan3A_164, %mul3A_165 : i32
      %get3A = arith.index_cast %mul3A_166 : i32 to index
      %get3A_167 = tpu.vector_load %arg7[%get3A] {strides = array<i32>} : memref<640xf32, #tpu.memory_space<vmem>>, vector<16xf32>,
      %get3A_168 = arith.index_cast %mul3A_166 : i32 to index
      %get3A_169 = tpu.vector_load %arg8[%get3A_168] {strides = array<i32>} : memref<640xf32, #tpu.memory_space<vmem>>, vector<16xf32>,
      %add3A = arith.addf %get3A_167, %get3A_169 : vector<16xf32>
      %swap3A = arith.index_cast %mul3A_166 : i32 to index
      %swap3A_170 = tpu.vector_load %arg7[%swap3A] {strides = array<i32>} : memref<640xf32, #tpu.memory_space<vmem>>, vector<16xf32>,
      tpu.vector_store %arg7[%swap3A], %add3A {strides = array<i32>} : memref<640xf32, #tpu.memory_space<vmem>>, vector<16xf32>,
    }
    %scan3A_161 = arith.constant 40 : i32
    %mul3A_162 = arith.constant 640 : i32
    %mul3A_163 = arith.muli %arg1, %mul3A_162 : i32
    "tpu.region"() ({
      %run_scoped3A_164 = tpu.sem_alloc : memref<!tpu.dma_semaphore, #tpu.memory_space<semaphore_mem>>
      %dma_start3A = tpu.memref_slice %arg3[%arg0, %mul3A_163] : memref<2x10240xf32, #tpu.memory_space<hbm>> -> memref<1x640xf32, #tpu.memory_space<hbm>>
      %dma_start3A_165 = tpu.memref_squeeze %dma_start3A : memref<1x640xf32, #tpu.memory_space<hbm>> -> memref<640xf32, #tpu.memory_space<hbm>>
      %dma_start3A_166 = tpu.memref_slice %arg3[%arg0, %mul3A_163] : memref<2x10240xf32, #tpu.memory_space<hbm>> -> memref<1x640xf32, #tpu.memory_space<hbm>>
      %dma_start3A_167 = tpu.memref_squeeze %dma_start3A_166 : memref<1x640xf32, #tpu.memory_space<hbm>> -> memref<640xf32, #tpu.memory_space<hbm>>
      tpu.enqueue_dma source(%arg7 : memref<640xf32, #tpu.memory_space<vmem>>) target(%dma_start3A_167 : memref<640xf32, #tpu.memory_space<hbm>>) target_semaphore(%run_scoped3A_164 : memref<!tpu.dma_semaphore, #tpu.memory_space<semaphore_mem>>)
      %dma_wait3A = tpu.memref_slice %arg3[%arg0, %mul3A_163] : memref<2x10240xf32, #tpu.memory_space<hbm>> -> memref<1x640xf32, #tpu.memory_space<hbm>>
      %dma_wait3A_168 = tpu.memref_squeeze %dma_wait3A : memref<1x640xf32, #tpu.memory_space<hbm>> -> memref<640xf32, #tpu.memory_space<hbm>>
      %dma_wait3A_169 = tpu.memref_slice %arg3[%arg0, %mul3A_163] : memref<2x10240xf32, #tpu.memory_space<hbm>> -> memref<1x640xf32, #tpu.memory_space<hbm>>
      %dma_wait3A_170 = tpu.memref_squeeze %dma_wait3A_169 : memref<1x640xf32, #tpu.memory_space<hbm>> -> memref<640xf32, #tpu.memory_space<hbm>>
      tpu.wait_dma2 semaphore(%run_scoped3A_164 : memref<!tpu.dma_semaphore, #tpu.memory_space<semaphore_mem>>) src(%arg7 : memref<640xf32, #tpu.memory_space<vmem>>) dst(%dma_wait3A_170 : memref<640xf32, #tpu.memory_space<hbm>>)
      tpu.yield
    }) : () -> ()
    return
  }
}

#map = affine_map<(d0, d1) -> (0, 0)>
#map1 = affine_map<(d0, d1) -> (0, 0, 0)>
module attributes {stable_mosaic.version = 14 : i64} {
  func.func @agg_kernel(%arg0: i32, %arg1: i32, %arg2: memref<10240x128xf32, #tpu.memory_space<hbm>>, %arg3: memref<2x2560x128xi32, #tpu.memory_space<hbm>>, %arg4: memref<2x10240x128xf32, #tpu.memory_space<hbm>>, %arg5: memref<10240x128xf32, #tpu.memory_space<vmem_shared>>, %arg6: memref<40x128xi32, #tpu.memory_space<vmem>>, %arg7: memref<40x128xi32, #tpu.memory_space<vmem>>, %arg8: memref<128x128xf32, #tpu.memory_space<vmem>>, %arg9: memref<128x128xf32, #tpu.memory_space<vmem>>, %arg10: memref<!tpu.dma_semaphore, #tpu.memory_space<semaphore_mem>>, %arg11: memref<!tpu.dma_semaphore, #tpu.memory_space<semaphore_mem>>) attributes {dimension_semantics = [#tpu.dimension_semantics<core_parallel>, #tpu.dimension_semantics<subcore_parallel>], iteration_bounds = array<i64: 2, 16>, scalar_prefetch = 0 : i64, scratch_operands = 7 : i64, tpu.core_type = #tpu.core_type<sc_vector_subcore>, window_params = [{transform_indices = #map}, {transform_indices = #map1}, {transform_indices = #map1}]} {
    %mul3A = arith.constant 2 : i32
    %mul3A_0 = arith.muli %arg1, %mul3A : i32
    %add3A = arith.addi %mul3A_0, %arg0 : i32
    %scan3A = arith.constant 0 : i32
    %scan3A_1 = arith.constant 0 : i32
    %scan3A_2 = arith.constant 1024 : i32
    %scan3A_3 = arith.addi %scan3A_1, %scan3A_2 : i32
    %scan3A_4 = arith.constant 1 : i32
    scf.for %scan3A_75 = %scan3A_1 to %scan3A_3 step %scan3A_4  : i32 {
      %broadcast_in_dim3A = arith.constant 0.000000e+00 : f32
      %broadcast_in_dim3A_76 = vector.broadcast %broadcast_in_dim3A : f32 to vector<16xf32>
      %jit3A = arith.constant 8 : i32
      %div3A = arith.divsi %scan3A_75, %jit3A : i32
      %sign3A = arith.constant 0 : i32
      %sign3A_77 = arith.cmpi sgt, %scan3A_75, %sign3A : i32
      %sign3A_78 = arith.extui %sign3A_77 : i1 to i32
      %sign3A_79 = arith.constant 0 : i32
      %sign3A_80 = arith.cmpi slt, %scan3A_75, %sign3A_79 : i32
      %sign3A_81 = arith.extui %sign3A_80 : i1 to i32
      %sign3A_82 = arith.subi %sign3A_78, %sign3A_81 : i32
      %sign3A_83 = arith.constant 0 : i32
      %sign3A_84 = arith.cmpi sgt, %jit3A, %sign3A_83 : i32
      %sign3A_85 = arith.extui %sign3A_84 : i1 to i32
      %sign3A_86 = arith.constant 0 : i32
      %sign3A_87 = arith.cmpi slt, %jit3A, %sign3A_86 : i32
      %sign3A_88 = arith.extui %sign3A_87 : i1 to i32
      %sign3A_89 = arith.subi %sign3A_85, %sign3A_88 : i32
      %ne3A = arith.cmpi ne, %sign3A_82, %sign3A_89 : i32
      %rem3A = arith.remsi %scan3A_75, %jit3A : i32
      %ne3A_90 = arith.constant 0 : i32
      %ne3A_91 = arith.cmpi ne, %rem3A, %ne3A_90 : i32
      %and3A = arith.andi %ne3A, %ne3A_91 : i1
      %sub3A = arith.constant 1 : i32
      %sub3A_92 = arith.subi %div3A, %sub3A : i32
      %select_n3A = arith.select %and3A, %sub3A_92, %div3A : i32
      %jit3A_93 = arith.constant 8 : i32
      %eq3A = arith.constant 0 : i32
      %eq3A_94 = arith.cmpi eq, %jit3A_93, %eq3A : i32
      %jit3A_95 = arith.constant 1 : i32
      %select_n3A_96 = arith.select %eq3A_94, %jit3A_95, %jit3A_93 : i32
      %rem3A_97 = arith.remsi %scan3A_75, %select_n3A_96 : i32
      %ne3A_98 = arith.constant 0 : i32
      %ne3A_99 = arith.cmpi ne, %rem3A_97, %ne3A_98 : i32
      %lt3A = arith.constant 0 : i32
      %lt3A_100 = arith.cmpi slt, %rem3A_97, %lt3A : i32
      %lt3A_101 = arith.constant 0 : i32
      %lt3A_102 = arith.cmpi slt, %select_n3A_96, %lt3A_101 : i32
      %ne3A_103 = arith.xori %lt3A_100, %lt3A_102 : i1
      %and3A_104 = arith.andi %ne3A_103, %ne3A_99 : i1
      %add3A_105 = arith.addi %rem3A_97, %select_n3A_96 : i32
      %select_n3A_106 = arith.select %and3A_104, %add3A_105, %rem3A_97 : i32
      %mul3A_107 = arith.constant 16 : i32
      %mul3A_108 = arith.muli %select_n3A_106, %mul3A_107 : i32
      %swap3A = arith.index_cast %select_n3A : i32 to index
      %swap3A_109 = arith.index_cast %mul3A_108 : i32 to index
      %swap3A_110 = tpu.vector_load %arg8[%swap3A, %swap3A_109] {strides = array<i32>} : memref<128x128xf32, #tpu.memory_space<vmem>>, vector<1x16xf32>,
      %swap3A_111 = vector.shape_cast %swap3A_110 : vector<1x16xf32> to vector<16xf32>
      %swap3A_112 = vector.shape_cast %broadcast_in_dim3A_76 : vector<16xf32> to vector<1x16xf32>
      tpu.vector_store %arg8[%swap3A, %swap3A_109], %swap3A_112 {strides = array<i32>} : memref<128x128xf32, #tpu.memory_space<vmem>>, vector<1x16xf32>,
    }
    %scan3A_5 = arith.constant 1024 : i32
    %mul3A_6 = arith.constant 640 : i32
    %mul3A_7 = arith.muli %arg1, %mul3A_6 : i32
    %add3A_8 = arith.constant 0 : i32
    %add3A_9 = arith.addi %mul3A_7, %add3A_8 : i32
    "tpu.region"() ({
      %run_scoped3A_75 = tpu.sem_alloc : memref<!tpu.dma_semaphore, #tpu.memory_space<semaphore_mem>>
      %dma_start3A_76 = arith.constant 0 : i32
      %dma_start3A_77 = tpu.memref_slice %arg5[%add3A_9, %dma_start3A_76] : memref<10240x128xf32, #tpu.memory_space<vmem_shared>> -> memref<128x128xf32, #tpu.memory_space<vmem_shared>>
      %dma_start3A_78 = arith.constant 0 : i32
      %dma_start3A_79 = tpu.memref_slice %arg5[%add3A_9, %dma_start3A_78] : memref<10240x128xf32, #tpu.memory_space<vmem_shared>> -> memref<128x128xf32, #tpu.memory_space<vmem_shared>>
      tpu.enqueue_dma source(%arg8 : memref<128x128xf32, #tpu.memory_space<vmem>>) target(%dma_start3A_79 : memref<128x128xf32, #tpu.memory_space<vmem_shared>>) target_semaphore(%run_scoped3A_75 : memref<!tpu.dma_semaphore, #tpu.memory_space<semaphore_mem>>)
      %dma_wait3A = arith.constant 0 : i32
      %dma_wait3A_80 = tpu.memref_slice %arg5[%add3A_9, %dma_wait3A] : memref<10240x128xf32, #tpu.memory_space<vmem_shared>> -> memref<128x128xf32, #tpu.memory_space<vmem_shared>>
      %dma_wait3A_81 = arith.constant 0 : i32
      %dma_wait3A_82 = tpu.memref_slice %arg5[%add3A_9, %dma_wait3A_81] : memref<10240x128xf32, #tpu.memory_space<vmem_shared>> -> memref<128x128xf32, #tpu.memory_space<vmem_shared>>
      tpu.wait_dma2 semaphore(%run_scoped3A_75 : memref<!tpu.dma_semaphore, #tpu.memory_space<semaphore_mem>>) src(%arg8 : memref<128x128xf32, #tpu.memory_space<vmem>>) dst(%dma_wait3A_82 : memref<128x128xf32, #tpu.memory_space<vmem_shared>>)
      tpu.yield
    }) : () -> ()
    %mul3A_10 = arith.constant 640 : i32
    %mul3A_11 = arith.muli %arg1, %mul3A_10 : i32
    %add3A_12 = arith.constant 128 : i32
    %add3A_13 = arith.addi %mul3A_11, %add3A_12 : i32
    "tpu.region"() ({
      %run_scoped3A_75 = tpu.sem_alloc : memref<!tpu.dma_semaphore, #tpu.memory_space<semaphore_mem>>
      %dma_start3A_76 = arith.constant 0 : i32
      %dma_start3A_77 = tpu.memref_slice %arg5[%add3A_13, %dma_start3A_76] : memref<10240x128xf32, #tpu.memory_space<vmem_shared>> -> memref<128x128xf32, #tpu.memory_space<vmem_shared>>
      %dma_start3A_78 = arith.constant 0 : i32
      %dma_start3A_79 = tpu.memref_slice %arg5[%add3A_13, %dma_start3A_78] : memref<10240x128xf32, #tpu.memory_space<vmem_shared>> -> memref<128x128xf32, #tpu.memory_space<vmem_shared>>
      tpu.enqueue_dma source(%arg8 : memref<128x128xf32, #tpu.memory_space<vmem>>) target(%dma_start3A_79 : memref<128x128xf32, #tpu.memory_space<vmem_shared>>) target_semaphore(%run_scoped3A_75 : memref<!tpu.dma_semaphore, #tpu.memory_space<semaphore_mem>>)
      %dma_wait3A = arith.constant 0 : i32
      %dma_wait3A_80 = tpu.memref_slice %arg5[%add3A_13, %dma_wait3A] : memref<10240x128xf32, #tpu.memory_space<vmem_shared>> -> memref<128x128xf32, #tpu.memory_space<vmem_shared>>
      %dma_wait3A_81 = arith.constant 0 : i32
      %dma_wait3A_82 = tpu.memref_slice %arg5[%add3A_13, %dma_wait3A_81] : memref<10240x128xf32, #tpu.memory_space<vmem_shared>> -> memref<128x128xf32, #tpu.memory_space<vmem_shared>>
      tpu.wait_dma2 semaphore(%run_scoped3A_75 : memref<!tpu.dma_semaphore, #tpu.memory_space<semaphore_mem>>) src(%arg8 : memref<128x128xf32, #tpu.memory_space<vmem>>) dst(%dma_wait3A_82 : memref<128x128xf32, #tpu.memory_space<vmem_shared>>)
      tpu.yield
    }) : () -> ()
    %mul3A_14 = arith.constant 640 : i32
    %mul3A_15 = arith.muli %arg1, %mul3A_14 : i32
    %add3A_16 = arith.constant 256 : i32
    %add3A_17 = arith.addi %mul3A_15, %add3A_16 : i32
    "tpu.region"() ({
      %run_scoped3A_75 = tpu.sem_alloc : memref<!tpu.dma_semaphore, #tpu.memory_space<semaphore_mem>>
      %dma_start3A_76 = arith.constant 0 : i32
      %dma_start3A_77 = tpu.memref_slice %arg5[%add3A_17, %dma_start3A_76] : memref<10240x128xf32, #tpu.memory_space<vmem_shared>> -> memref<128x128xf32, #tpu.memory_space<vmem_shared>>
      %dma_start3A_78 = arith.constant 0 : i32
      %dma_start3A_79 = tpu.memref_slice %arg5[%add3A_17, %dma_start3A_78] : memref<10240x128xf32, #tpu.memory_space<vmem_shared>> -> memref<128x128xf32, #tpu.memory_space<vmem_shared>>
      tpu.enqueue_dma source(%arg8 : memref<128x128xf32, #tpu.memory_space<vmem>>) target(%dma_start3A_79 : memref<128x128xf32, #tpu.memory_space<vmem_shared>>) target_semaphore(%run_scoped3A_75 : memref<!tpu.dma_semaphore, #tpu.memory_space<semaphore_mem>>)
      %dma_wait3A = arith.constant 0 : i32
      %dma_wait3A_80 = tpu.memref_slice %arg5[%add3A_17, %dma_wait3A] : memref<10240x128xf32, #tpu.memory_space<vmem_shared>> -> memref<128x128xf32, #tpu.memory_space<vmem_shared>>
      %dma_wait3A_81 = arith.constant 0 : i32
      %dma_wait3A_82 = tpu.memref_slice %arg5[%add3A_17, %dma_wait3A_81] : memref<10240x128xf32, #tpu.memory_space<vmem_shared>> -> memref<128x128xf32, #tpu.memory_space<vmem_shared>>
      tpu.wait_dma2 semaphore(%run_scoped3A_75 : memref<!tpu.dma_semaphore, #tpu.memory_space<semaphore_mem>>) src(%arg8 : memref<128x128xf32, #tpu.memory_space<vmem>>) dst(%dma_wait3A_82 : memref<128x128xf32, #tpu.memory_space<vmem_shared>>)
      tpu.yield
    }) : () -> ()
    %mul3A_18 = arith.constant 640 : i32
    %mul3A_19 = arith.muli %arg1, %mul3A_18 : i32
    %add3A_20 = arith.constant 384 : i32
    %add3A_21 = arith.addi %mul3A_19, %add3A_20 : i32
    "tpu.region"() ({
      %run_scoped3A_75 = tpu.sem_alloc : memref<!tpu.dma_semaphore, #tpu.memory_space<semaphore_mem>>
      %dma_start3A_76 = arith.constant 0 : i32
      %dma_start3A_77 = tpu.memref_slice %arg5[%add3A_21, %dma_start3A_76] : memref<10240x128xf32, #tpu.memory_space<vmem_shared>> -> memref<128x128xf32, #tpu.memory_space<vmem_shared>>
      %dma_start3A_78 = arith.constant 0 : i32
      %dma_start3A_79 = tpu.memref_slice %arg5[%add3A_21, %dma_start3A_78] : memref<10240x128xf32, #tpu.memory_space<vmem_shared>> -> memref<128x128xf32, #tpu.memory_space<vmem_shared>>
      tpu.enqueue_dma source(%arg8 : memref<128x128xf32, #tpu.memory_space<vmem>>) target(%dma_start3A_79 : memref<128x128xf32, #tpu.memory_space<vmem_shared>>) target_semaphore(%run_scoped3A_75 : memref<!tpu.dma_semaphore, #tpu.memory_space<semaphore_mem>>)
      %dma_wait3A = arith.constant 0 : i32
      %dma_wait3A_80 = tpu.memref_slice %arg5[%add3A_21, %dma_wait3A] : memref<10240x128xf32, #tpu.memory_space<vmem_shared>> -> memref<128x128xf32, #tpu.memory_space<vmem_shared>>
      %dma_wait3A_81 = arith.constant 0 : i32
      %dma_wait3A_82 = tpu.memref_slice %arg5[%add3A_21, %dma_wait3A_81] : memref<10240x128xf32, #tpu.memory_space<vmem_shared>> -> memref<128x128xf32, #tpu.memory_space<vmem_shared>>
      tpu.wait_dma2 semaphore(%run_scoped3A_75 : memref<!tpu.dma_semaphore, #tpu.memory_space<semaphore_mem>>) src(%arg8 : memref<128x128xf32, #tpu.memory_space<vmem>>) dst(%dma_wait3A_82 : memref<128x128xf32, #tpu.memory_space<vmem_shared>>)
      tpu.yield
    }) : () -> ()
    %mul3A_22 = arith.constant 640 : i32
    %mul3A_23 = arith.muli %arg1, %mul3A_22 : i32
    %add3A_24 = arith.constant 512 : i32
    %add3A_25 = arith.addi %mul3A_23, %add3A_24 : i32
    "tpu.region"() ({
      %run_scoped3A_75 = tpu.sem_alloc : memref<!tpu.dma_semaphore, #tpu.memory_space<semaphore_mem>>
      %dma_start3A_76 = arith.constant 0 : i32
      %dma_start3A_77 = tpu.memref_slice %arg5[%add3A_25, %dma_start3A_76] : memref<10240x128xf32, #tpu.memory_space<vmem_shared>> -> memref<128x128xf32, #tpu.memory_space<vmem_shared>>
      %dma_start3A_78 = arith.constant 0 : i32
      %dma_start3A_79 = tpu.memref_slice %arg5[%add3A_25, %dma_start3A_78] : memref<10240x128xf32, #tpu.memory_space<vmem_shared>> -> memref<128x128xf32, #tpu.memory_space<vmem_shared>>
      tpu.enqueue_dma source(%arg8 : memref<128x128xf32, #tpu.memory_space<vmem>>) target(%dma_start3A_79 : memref<128x128xf32, #tpu.memory_space<vmem_shared>>) target_semaphore(%run_scoped3A_75 : memref<!tpu.dma_semaphore, #tpu.memory_space<semaphore_mem>>)
      %dma_wait3A = arith.constant 0 : i32
      %dma_wait3A_80 = tpu.memref_slice %arg5[%add3A_25, %dma_wait3A] : memref<10240x128xf32, #tpu.memory_space<vmem_shared>> -> memref<128x128xf32, #tpu.memory_space<vmem_shared>>
      %dma_wait3A_81 = arith.constant 0 : i32
      %dma_wait3A_82 = tpu.memref_slice %arg5[%add3A_25, %dma_wait3A_81] : memref<10240x128xf32, #tpu.memory_space<vmem_shared>> -> memref<128x128xf32, #tpu.memory_space<vmem_shared>>
      tpu.wait_dma2 semaphore(%run_scoped3A_75 : memref<!tpu.dma_semaphore, #tpu.memory_space<semaphore_mem>>) src(%arg8 : memref<128x128xf32, #tpu.memory_space<vmem>>) dst(%dma_wait3A_82 : memref<128x128xf32, #tpu.memory_space<vmem_shared>>)
      tpu.yield
    }) : () -> ()
    %barrier3A = arith.constant 0 : index
    tpu.barrier barrier_id(%barrier3A)
    %mul3A_26 = arith.constant 80 : i32
    %mul3A_27 = arith.muli %add3A, %mul3A_26 : i32
    %add3A_28 = arith.constant 0 : i32
    %add3A_29 = arith.addi %mul3A_27, %add3A_28 : i32
    %run_scoped3A = arith.constant 0 : i32
    "tpu.region"() ({
      %run_scoped3A_75 = tpu.sem_alloc : memref<!tpu.dma_semaphore, #tpu.memory_space<semaphore_mem>>
      %dma_start3A_76 = arith.constant 0 : i32
      %dma_start3A_77 = tpu.memref_slice %arg3[%run_scoped3A, %add3A_29, %dma_start3A_76] : memref<2x2560x128xi32, #tpu.memory_space<hbm>> -> memref<1x40x128xi32, #tpu.memory_space<hbm>>
      %dma_start3A_78 = tpu.memref_squeeze %dma_start3A_77 : memref<1x40x128xi32, #tpu.memory_space<hbm>> -> memref<40x128xi32, #tpu.memory_space<hbm>>
      %dma_start3A_79 = arith.constant 0 : i32
      %dma_start3A_80 = tpu.memref_slice %arg3[%run_scoped3A, %add3A_29, %dma_start3A_79] : memref<2x2560x128xi32, #tpu.memory_space<hbm>> -> memref<1x40x128xi32, #tpu.memory_space<hbm>>
      %dma_start3A_81 = tpu.memref_squeeze %dma_start3A_80 : memref<1x40x128xi32, #tpu.memory_space<hbm>> -> memref<40x128xi32, #tpu.memory_space<hbm>>
      tpu.enqueue_dma source(%dma_start3A_81 : memref<40x128xi32, #tpu.memory_space<hbm>>) target(%arg6 : memref<40x128xi32, #tpu.memory_space<vmem>>) target_semaphore(%run_scoped3A_75 : memref<!tpu.dma_semaphore, #tpu.memory_space<semaphore_mem>>)
      %dma_wait3A = arith.constant 0 : i32
      %dma_wait3A_82 = tpu.memref_slice %arg3[%run_scoped3A, %add3A_29, %dma_wait3A] : memref<2x2560x128xi32, #tpu.memory_space<hbm>> -> memref<1x40x128xi32, #tpu.memory_space<hbm>>
      %dma_wait3A_83 = tpu.memref_squeeze %dma_wait3A_82 : memref<1x40x128xi32, #tpu.memory_space<hbm>> -> memref<40x128xi32, #tpu.memory_space<hbm>>
      %dma_wait3A_84 = arith.constant 0 : i32
      %dma_wait3A_85 = tpu.memref_slice %arg3[%run_scoped3A, %add3A_29, %dma_wait3A_84] : memref<2x2560x128xi32, #tpu.memory_space<hbm>> -> memref<1x40x128xi32, #tpu.memory_space<hbm>>
      %dma_wait3A_86 = tpu.memref_squeeze %dma_wait3A_85 : memref<1x40x128xi32, #tpu.memory_space<hbm>> -> memref<40x128xi32, #tpu.memory_space<hbm>>
      tpu.wait_dma2 semaphore(%run_scoped3A_75 : memref<!tpu.dma_semaphore, #tpu.memory_space<semaphore_mem>>) src(%dma_wait3A_86 : memref<40x128xi32, #tpu.memory_space<hbm>>) dst(%arg6 : memref<40x128xi32, #tpu.memory_space<vmem>>)
      tpu.yield
    }) : () -> ()
    %mul3A_30 = arith.constant 80 : i32
    %mul3A_31 = arith.muli %add3A, %mul3A_30 : i32
    %add3A_32 = arith.constant 0 : i32
    %add3A_33 = arith.addi %mul3A_31, %add3A_32 : i32
    %run_scoped3A_34 = arith.constant 1 : i32
    "tpu.region"() ({
      %run_scoped3A_75 = tpu.sem_alloc : memref<!tpu.dma_semaphore, #tpu.memory_space<semaphore_mem>>
      %dma_start3A_76 = arith.constant 0 : i32
      %dma_start3A_77 = tpu.memref_slice %arg3[%run_scoped3A_34, %add3A_33, %dma_start3A_76] : memref<2x2560x128xi32, #tpu.memory_space<hbm>> -> memref<1x40x128xi32, #tpu.memory_space<hbm>>
      %dma_start3A_78 = tpu.memref_squeeze %dma_start3A_77 : memref<1x40x128xi32, #tpu.memory_space<hbm>> -> memref<40x128xi32, #tpu.memory_space<hbm>>
      %dma_start3A_79 = arith.constant 0 : i32
      %dma_start3A_80 = tpu.memref_slice %arg3[%run_scoped3A_34, %add3A_33, %dma_start3A_79] : memref<2x2560x128xi32, #tpu.memory_space<hbm>> -> memref<1x40x128xi32, #tpu.memory_space<hbm>>
      %dma_start3A_81 = tpu.memref_squeeze %dma_start3A_80 : memref<1x40x128xi32, #tpu.memory_space<hbm>> -> memref<40x128xi32, #tpu.memory_space<hbm>>
      tpu.enqueue_dma source(%dma_start3A_81 : memref<40x128xi32, #tpu.memory_space<hbm>>) target(%arg7 : memref<40x128xi32, #tpu.memory_space<vmem>>) target_semaphore(%run_scoped3A_75 : memref<!tpu.dma_semaphore, #tpu.memory_space<semaphore_mem>>)
      %dma_wait3A = arith.constant 0 : i32
      %dma_wait3A_82 = tpu.memref_slice %arg3[%run_scoped3A_34, %add3A_33, %dma_wait3A] : memref<2x2560x128xi32, #tpu.memory_space<hbm>> -> memref<1x40x128xi32, #tpu.memory_space<hbm>>
      %dma_wait3A_83 = tpu.memref_squeeze %dma_wait3A_82 : memref<1x40x128xi32, #tpu.memory_space<hbm>> -> memref<40x128xi32, #tpu.memory_space<hbm>>
      %dma_wait3A_84 = arith.constant 0 : i32
      %dma_wait3A_85 = tpu.memref_slice %arg3[%run_scoped3A_34, %add3A_33, %dma_wait3A_84] : memref<2x2560x128xi32, #tpu.memory_space<hbm>> -> memref<1x40x128xi32, #tpu.memory_space<hbm>>
      %dma_wait3A_86 = tpu.memref_squeeze %dma_wait3A_85 : memref<1x40x128xi32, #tpu.memory_space<hbm>> -> memref<40x128xi32, #tpu.memory_space<hbm>>
      tpu.wait_dma2 semaphore(%run_scoped3A_75 : memref<!tpu.dma_semaphore, #tpu.memory_space<semaphore_mem>>) src(%dma_wait3A_86 : memref<40x128xi32, #tpu.memory_space<hbm>>) dst(%arg7 : memref<40x128xi32, #tpu.memory_space<vmem>>)
      tpu.yield
    }) : () -> ()
    %dma_start3A = arith.constant 0 : i32
    %dma_start3A_35 = arith.constant 0 : i32
    %dma_start3A_36 = tpu.memref_slice %arg6[%dma_start3A, %dma_start3A_35] : memref<40x128xi32, #tpu.memory_space<vmem>> -> memref<1x128xi32, #tpu.memory_space<vmem>>
    %dma_start3A_37 = tpu.memref_squeeze %dma_start3A_36 : memref<1x128xi32, #tpu.memory_space<vmem>> -> memref<128xi32, #tpu.memory_space<vmem>>
    %dma_start3A_38 = arith.constant 0 : i32
    %dma_start3A_39 = arith.constant 0 : i32
    %dma_start3A_40 = tpu.memref_slice %arg2[%dma_start3A_38, %dma_start3A_39] : memref<10240x128xf32, #tpu.memory_space<hbm>> -> memref<10240x128xf32, #tpu.memory_space<hbm>>
    tpu.enqueue_indirect_dma source(%dma_start3A_40 : memref<10240x128xf32, #tpu.memory_space<hbm>>) target(%arg8 : memref<128x128xf32, #tpu.memory_space<vmem>>) offsets(%dma_start3A_37 : memref<128xi32, #tpu.memory_space<vmem>>) semaphore(%arg10 : memref<!tpu.dma_semaphore, #tpu.memory_space<semaphore_mem>>)
    %scan3A_41 = arith.constant 0 : i32
    %scan3A_42 = arith.constant 0 : i32
    %scan3A_43 = arith.constant 20 : i32
    %scan3A_44 = arith.addi %scan3A_42, %scan3A_43 : i32
    %scan3A_45 = arith.constant 1 : i32
    scf.for %scan3A_75 = %scan3A_42 to %scan3A_44 step %scan3A_45  : i32 {
      %mul3A_76 = arith.constant 2 : i32
      %mul3A_77 = arith.muli %mul3A_76, %scan3A_75 : i32
      %add3A_78 = arith.constant 1 : i32
      %add3A_79 = arith.addi %mul3A_77, %add3A_78 : i32
      %dma_start3A_80 = arith.constant 0 : i32
      %dma_start3A_81 = tpu.memref_slice %arg6[%add3A_79, %dma_start3A_80] : memref<40x128xi32, #tpu.memory_space<vmem>> -> memref<1x128xi32, #tpu.memory_space<vmem>>
      %dma_start3A_82 = tpu.memref_squeeze %dma_start3A_81 : memref<1x128xi32, #tpu.memory_space<vmem>> -> memref<128xi32, #tpu.memory_space<vmem>>
      %dma_start3A_83 = arith.constant 0 : i32
      %dma_start3A_84 = arith.constant 0 : i32
      %dma_start3A_85 = tpu.memref_slice %arg2[%dma_start3A_83, %dma_start3A_84] : memref<10240x128xf32, #tpu.memory_space<hbm>> -> memref<10240x128xf32, #tpu.memory_space<hbm>>
      tpu.enqueue_indirect_dma source(%dma_start3A_85 : memref<10240x128xf32, #tpu.memory_space<hbm>>) target(%arg9 : memref<128x128xf32, #tpu.memory_space<vmem>>) offsets(%dma_start3A_82 : memref<128xi32, #tpu.memory_space<vmem>>) semaphore(%arg11 : memref<!tpu.dma_semaphore, #tpu.memory_space<semaphore_mem>>)
      %dma_wait3A = arith.constant 0 : i32
      %dma_wait3A_86 = tpu.memref_slice %arg6[%mul3A_77, %dma_wait3A] : memref<40x128xi32, #tpu.memory_space<vmem>> -> memref<1x128xi32, #tpu.memory_space<vmem>>
      %dma_wait3A_87 = tpu.memref_squeeze %dma_wait3A_86 : memref<1x128xi32, #tpu.memory_space<vmem>> -> memref<128xi32, #tpu.memory_space<vmem>>
      %dma_wait3A_88 = arith.constant 0 : i32
      %dma_wait3A_89 = arith.constant 0 : i32
      %dma_wait3A_90 = tpu.memref_slice %arg2[%dma_wait3A_88, %dma_wait3A_89] : memref<10240x128xf32, #tpu.memory_space<hbm>> -> memref<10240x128xf32, #tpu.memory_space<hbm>>
      tpu.wait_indirect_dma semaphore(%arg10 : memref<!tpu.dma_semaphore, #tpu.memory_space<semaphore_mem>>) src(%dma_wait3A_90 : memref<10240x128xf32, #tpu.memory_space<hbm>>) dst(%arg8 : memref<128x128xf32, #tpu.memory_space<vmem>>)
      "tpu.region"() ({
        %run_scoped3A_105 = tpu.sem_alloc : memref<!tpu.dma_semaphore, #tpu.memory_space<semaphore_mem>>
        %dma_start3A_106 = arith.constant 0 : i32
        %dma_start3A_107 = tpu.memref_slice %arg7[%mul3A_77, %dma_start3A_106] : memref<40x128xi32, #tpu.memory_space<vmem>> -> memref<1x128xi32, #tpu.memory_space<vmem>>
        %dma_start3A_108 = tpu.memref_squeeze %dma_start3A_107 : memref<1x128xi32, #tpu.memory_space<vmem>> -> memref<128xi32, #tpu.memory_space<vmem>>
        %dma_start3A_109 = arith.constant 0 : i32
        %dma_start3A_110 = arith.constant 0 : i32
        %dma_start3A_111 = tpu.memref_slice %arg5[%dma_start3A_109, %dma_start3A_110] : memref<10240x128xf32, #tpu.memory_space<vmem_shared>> -> memref<10240x128xf32, #tpu.memory_space<vmem_shared>>
        tpu.enqueue_indirect_dma source(%arg8 : memref<128x128xf32, #tpu.memory_space<vmem>>) target(%dma_start3A_111 : memref<10240x128xf32, #tpu.memory_space<vmem_shared>>) offsets(%dma_start3A_108 : memref<128xi32, #tpu.memory_space<vmem>>) semaphore(%run_scoped3A_105 : memref<!tpu.dma_semaphore, #tpu.memory_space<semaphore_mem>>) {add = true}
        %dma_wait3A_112 = arith.constant 0 : i32
        %dma_wait3A_113 = tpu.memref_slice %arg7[%mul3A_77, %dma_wait3A_112] : memref<40x128xi32, #tpu.memory_space<vmem>> -> memref<1x128xi32, #tpu.memory_space<vmem>>
        %dma_wait3A_114 = tpu.memref_squeeze %dma_wait3A_113 : memref<1x128xi32, #tpu.memory_space<vmem>> -> memref<128xi32, #tpu.memory_space<vmem>>
        %dma_wait3A_115 = arith.constant 0 : i32
        %dma_wait3A_116 = arith.constant 0 : i32
        %dma_wait3A_117 = tpu.memref_slice %arg5[%dma_wait3A_115, %dma_wait3A_116] : memref<10240x128xf32, #tpu.memory_space<vmem_shared>> -> memref<10240x128xf32, #tpu.memory_space<vmem_shared>>
        tpu.wait_indirect_dma semaphore(%run_scoped3A_105 : memref<!tpu.dma_semaphore, #tpu.memory_space<semaphore_mem>>) src(%arg8 : memref<128x128xf32, #tpu.memory_space<vmem>>) dst(%dma_wait3A_117 : memref<10240x128xf32, #tpu.memory_space<vmem_shared>>)
        tpu.yield
      }) : () -> ()
      %add3A_91 = arith.constant 1 : i32
      %add3A_92 = arith.addi %scan3A_75, %add3A_91 : i32
      %lt3A = arith.constant 20 : i32
      %lt3A_93 = arith.cmpi slt, %add3A_92, %lt3A : i32
      %convert_element_type3A = arith.extui %lt3A_93 : i1 to i32
      %cond3A = arith.constant 0 : i32
      %cond3A_94 = arith.cmpi ne, %convert_element_type3A, %cond3A : i32
      scf.if %cond3A_94 {
        %add3A_105 = arith.constant 2 : i32
        %add3A_106 = arith.addi %mul3A_77, %add3A_105 : i32
        %dma_start3A_107 = arith.constant 0 : i32
        %dma_start3A_108 = tpu.memref_slice %arg6[%add3A_106, %dma_start3A_107] : memref<40x128xi32, #tpu.memory_space<vmem>> -> memref<1x128xi32, #tpu.memory_space<vmem>>
        %dma_start3A_109 = tpu.memref_squeeze %dma_start3A_108 : memref<1x128xi32, #tpu.memory_space<vmem>> -> memref<128xi32, #tpu.memory_space<vmem>>
        %dma_start3A_110 = arith.constant 0 : i32
        %dma_start3A_111 = arith.constant 0 : i32
        %dma_start3A_112 = tpu.memref_slice %arg2[%dma_start3A_110, %dma_start3A_111] : memref<10240x128xf32, #tpu.memory_space<hbm>> -> memref<10240x128xf32, #tpu.memory_space<hbm>>
        tpu.enqueue_indirect_dma source(%dma_start3A_112 : memref<10240x128xf32, #tpu.memory_space<hbm>>) target(%arg8 : memref<128x128xf32, #tpu.memory_space<vmem>>) offsets(%dma_start3A_109 : memref<128xi32, #tpu.memory_space<vmem>>) semaphore(%arg10 : memref<!tpu.dma_semaphore, #tpu.memory_space<semaphore_mem>>)
      } else {
      }
      %add3A_95 = arith.constant 1 : i32
      %add3A_96 = arith.addi %mul3A_77, %add3A_95 : i32
      %dma_wait3A_97 = arith.constant 0 : i32
      %dma_wait3A_98 = tpu.memref_slice %arg6[%add3A_96, %dma_wait3A_97] : memref<40x128xi32, #tpu.memory_space<vmem>> -> memref<1x128xi32, #tpu.memory_space<vmem>>
      %dma_wait3A_99 = tpu.memref_squeeze %dma_wait3A_98 : memref<1x128xi32, #tpu.memory_space<vmem>> -> memref<128xi32, #tpu.memory_space<vmem>>
      %dma_wait3A_100 = arith.constant 0 : i32
      %dma_wait3A_101 = arith.constant 0 : i32
      %dma_wait3A_102 = tpu.memref_slice %arg2[%dma_wait3A_100, %dma_wait3A_101] : memref<10240x128xf32, #tpu.memory_space<hbm>> -> memref<10240x128xf32, #tpu.memory_space<hbm>>
      tpu.wait_indirect_dma semaphore(%arg11 : memref<!tpu.dma_semaphore, #tpu.memory_space<semaphore_mem>>) src(%dma_wait3A_102 : memref<10240x128xf32, #tpu.memory_space<hbm>>) dst(%arg9 : memref<128x128xf32, #tpu.memory_space<vmem>>)
      %add3A_103 = arith.constant 1 : i32
      %add3A_104 = arith.addi %mul3A_77, %add3A_103 : i32
      "tpu.region"() ({
        %run_scoped3A_105 = tpu.sem_alloc : memref<!tpu.dma_semaphore, #tpu.memory_space<semaphore_mem>>
        %dma_start3A_106 = arith.constant 0 : i32
        %dma_start3A_107 = tpu.memref_slice %arg7[%add3A_104, %dma_start3A_106] : memref<40x128xi32, #tpu.memory_space<vmem>> -> memref<1x128xi32, #tpu.memory_space<vmem>>
        %dma_start3A_108 = tpu.memref_squeeze %dma_start3A_107 : memref<1x128xi32, #tpu.memory_space<vmem>> -> memref<128xi32, #tpu.memory_space<vmem>>
        %dma_start3A_109 = arith.constant 0 : i32
        %dma_start3A_110 = arith.constant 0 : i32
        %dma_start3A_111 = tpu.memref_slice %arg5[%dma_start3A_109, %dma_start3A_110] : memref<10240x128xf32, #tpu.memory_space<vmem_shared>> -> memref<10240x128xf32, #tpu.memory_space<vmem_shared>>
        tpu.enqueue_indirect_dma source(%arg9 : memref<128x128xf32, #tpu.memory_space<vmem>>) target(%dma_start3A_111 : memref<10240x128xf32, #tpu.memory_space<vmem_shared>>) offsets(%dma_start3A_108 : memref<128xi32, #tpu.memory_space<vmem>>) semaphore(%run_scoped3A_105 : memref<!tpu.dma_semaphore, #tpu.memory_space<semaphore_mem>>) {add = true}
        %dma_wait3A_112 = arith.constant 0 : i32
        %dma_wait3A_113 = tpu.memref_slice %arg7[%add3A_104, %dma_wait3A_112] : memref<40x128xi32, #tpu.memory_space<vmem>> -> memref<1x128xi32, #tpu.memory_space<vmem>>
        %dma_wait3A_114 = tpu.memref_squeeze %dma_wait3A_113 : memref<1x128xi32, #tpu.memory_space<vmem>> -> memref<128xi32, #tpu.memory_space<vmem>>
        %dma_wait3A_115 = arith.constant 0 : i32
        %dma_wait3A_116 = arith.constant 0 : i32
        %dma_wait3A_117 = tpu.memref_slice %arg5[%dma_wait3A_115, %dma_wait3A_116] : memref<10240x128xf32, #tpu.memory_space<vmem_shared>> -> memref<10240x128xf32, #tpu.memory_space<vmem_shared>>
        tpu.wait_indirect_dma semaphore(%run_scoped3A_105 : memref<!tpu.dma_semaphore, #tpu.memory_space<semaphore_mem>>) src(%arg9 : memref<128x128xf32, #tpu.memory_space<vmem>>) dst(%dma_wait3A_117 : memref<10240x128xf32, #tpu.memory_space<vmem_shared>>)
        tpu.yield
      }) : () -> ()
    }
    %scan3A_46 = arith.constant 20 : i32
    %mul3A_47 = arith.constant 80 : i32
    %mul3A_48 = arith.muli %add3A, %mul3A_47 : i32
    %add3A_49 = arith.constant 40 : i32
    %add3A_50 = arith.addi %mul3A_48, %add3A_49 : i32
    %run_scoped3A_51 = arith.constant 0 : i32
    "tpu.region"() ({
      %run_scoped3A_75 = tpu.sem_alloc : memref<!tpu.dma_semaphore, #tpu.memory_space<semaphore_mem>>
      %dma_start3A_76 = arith.constant 0 : i32
      %dma_start3A_77 = tpu.memref_slice %arg3[%run_scoped3A_51, %add3A_50, %dma_start3A_76] : memref<2x2560x128xi32, #tpu.memory_space<hbm>> -> memref<1x40x128xi32, #tpu.memory_space<hbm>>
      %dma_start3A_78 = tpu.memref_squeeze %dma_start3A_77 : memref<1x40x128xi32, #tpu.memory_space<hbm>> -> memref<40x128xi32, #tpu.memory_space<hbm>>
      %dma_start3A_79 = arith.constant 0 : i32
      %dma_start3A_80 = tpu.memref_slice %arg3[%run_scoped3A_51, %add3A_50, %dma_start3A_79] : memref<2x2560x128xi32, #tpu.memory_space<hbm>> -> memref<1x40x128xi32, #tpu.memory_space<hbm>>
      %dma_start3A_81 = tpu.memref_squeeze %dma_start3A_80 : memref<1x40x128xi32, #tpu.memory_space<hbm>> -> memref<40x128xi32, #tpu.memory_space<hbm>>
      tpu.enqueue_dma source(%dma_start3A_81 : memref<40x128xi32, #tpu.memory_space<hbm>>) target(%arg6 : memref<40x128xi32, #tpu.memory_space<vmem>>) target_semaphore(%run_scoped3A_75 : memref<!tpu.dma_semaphore, #tpu.memory_space<semaphore_mem>>)
      %dma_wait3A = arith.constant 0 : i32
      %dma_wait3A_82 = tpu.memref_slice %arg3[%run_scoped3A_51, %add3A_50, %dma_wait3A] : memref<2x2560x128xi32, #tpu.memory_space<hbm>> -> memref<1x40x128xi32, #tpu.memory_space<hbm>>
      %dma_wait3A_83 = tpu.memref_squeeze %dma_wait3A_82 : memref<1x40x128xi32, #tpu.memory_space<hbm>> -> memref<40x128xi32, #tpu.memory_space<hbm>>
      %dma_wait3A_84 = arith.constant 0 : i32
      %dma_wait3A_85 = tpu.memref_slice %arg3[%run_scoped3A_51, %add3A_50, %dma_wait3A_84] : memref<2x2560x128xi32, #tpu.memory_space<hbm>> -> memref<1x40x128xi32, #tpu.memory_space<hbm>>
      %dma_wait3A_86 = tpu.memref_squeeze %dma_wait3A_85 : memref<1x40x128xi32, #tpu.memory_space<hbm>> -> memref<40x128xi32, #tpu.memory_space<hbm>>
      tpu.wait_dma2 semaphore(%run_scoped3A_75 : memref<!tpu.dma_semaphore, #tpu.memory_space<semaphore_mem>>) src(%dma_wait3A_86 : memref<40x128xi32, #tpu.memory_space<hbm>>) dst(%arg6 : memref<40x128xi32, #tpu.memory_space<vmem>>)
      tpu.yield
    }) : () -> ()
    %mul3A_52 = arith.constant 80 : i32
    %mul3A_53 = arith.muli %add3A, %mul3A_52 : i32
    %add3A_54 = arith.constant 40 : i32
    %add3A_55 = arith.addi %mul3A_53, %add3A_54 : i32
    %run_scoped3A_56 = arith.constant 1 : i32
    "tpu.region"() ({
      %run_scoped3A_75 = tpu.sem_alloc : memref<!tpu.dma_semaphore, #tpu.memory_space<semaphore_mem>>
      %dma_start3A_76 = arith.constant 0 : i32
      %dma_start3A_77 = tpu.memref_slice %arg3[%run_scoped3A_56, %add3A_55, %dma_start3A_76] : memref<2x2560x128xi32, #tpu.memory_space<hbm>> -> memref<1x40x128xi32, #tpu.memory_space<hbm>>
      %dma_start3A_78 = tpu.memref_squeeze %dma_start3A_77 : memref<1x40x128xi32, #tpu.memory_space<hbm>> -> memref<40x128xi32, #tpu.memory_space<hbm>>
      %dma_start3A_79 = arith.constant 0 : i32
      %dma_start3A_80 = tpu.memref_slice %arg3[%run_scoped3A_56, %add3A_55, %dma_start3A_79] : memref<2x2560x128xi32, #tpu.memory_space<hbm>> -> memref<1x40x128xi32, #tpu.memory_space<hbm>>
      %dma_start3A_81 = tpu.memref_squeeze %dma_start3A_80 : memref<1x40x128xi32, #tpu.memory_space<hbm>> -> memref<40x128xi32, #tpu.memory_space<hbm>>
      tpu.enqueue_dma source(%dma_start3A_81 : memref<40x128xi32, #tpu.memory_space<hbm>>) target(%arg7 : memref<40x128xi32, #tpu.memory_space<vmem>>) target_semaphore(%run_scoped3A_75 : memref<!tpu.dma_semaphore, #tpu.memory_space<semaphore_mem>>)
      %dma_wait3A = arith.constant 0 : i32
      %dma_wait3A_82 = tpu.memref_slice %arg3[%run_scoped3A_56, %add3A_55, %dma_wait3A] : memref<2x2560x128xi32, #tpu.memory_space<hbm>> -> memref<1x40x128xi32, #tpu.memory_space<hbm>>
      %dma_wait3A_83 = tpu.memref_squeeze %dma_wait3A_82 : memref<1x40x128xi32, #tpu.memory_space<hbm>> -> memref<40x128xi32, #tpu.memory_space<hbm>>
      %dma_wait3A_84 = arith.constant 0 : i32
      %dma_wait3A_85 = tpu.memref_slice %arg3[%run_scoped3A_56, %add3A_55, %dma_wait3A_84] : memref<2x2560x128xi32, #tpu.memory_space<hbm>> -> memref<1x40x128xi32, #tpu.memory_space<hbm>>
      %dma_wait3A_86 = tpu.memref_squeeze %dma_wait3A_85 : memref<1x40x128xi32, #tpu.memory_space<hbm>> -> memref<40x128xi32, #tpu.memory_space<hbm>>
      tpu.wait_dma2 semaphore(%run_scoped3A_75 : memref<!tpu.dma_semaphore, #tpu.memory_space<semaphore_mem>>) src(%dma_wait3A_86 : memref<40x128xi32, #tpu.memory_space<hbm>>) dst(%arg7 : memref<40x128xi32, #tpu.memory_space<vmem>>)
      tpu.yield
    }) : () -> ()
    %dma_start3A_57 = arith.constant 0 : i32
    %dma_start3A_58 = arith.constant 0 : i32
    %dma_start3A_59 = tpu.memref_slice %arg6[%dma_start3A_57, %dma_start3A_58] : memref<40x128xi32, #tpu.memory_space<vmem>> -> memref<1x128xi32, #tpu.memory_space<vmem>>
    %dma_start3A_60 = tpu.memref_squeeze %dma_start3A_59 : memref<1x128xi32, #tpu.memory_space<vmem>> -> memref<128xi32, #tpu.memory_space<vmem>>
    %dma_start3A_61 = arith.constant 0 : i32
    %dma_start3A_62 = arith.constant 0 : i32
    %dma_start3A_63 = tpu.memref_slice %arg2[%dma_start3A_61, %dma_start3A_62] : memref<10240x128xf32, #tpu.memory_space<hbm>> -> memref<10240x128xf32, #tpu.memory_space<hbm>>
    tpu.enqueue_indirect_dma source(%dma_start3A_63 : memref<10240x128xf32, #tpu.memory_space<hbm>>) target(%arg8 : memref<128x128xf32, #tpu.memory_space<vmem>>) offsets(%dma_start3A_60 : memref<128xi32, #tpu.memory_space<vmem>>) semaphore(%arg10 : memref<!tpu.dma_semaphore, #tpu.memory_space<semaphore_mem>>)
    %scan3A_64 = arith.constant 0 : i32
    %scan3A_65 = arith.constant 0 : i32
    %scan3A_66 = arith.constant 20 : i32
    %scan3A_67 = arith.addi %scan3A_65, %scan3A_66 : i32
    %scan3A_68 = arith.constant 1 : i32
    scf.for %scan3A_75 = %scan3A_65 to %scan3A_67 step %scan3A_68  : i32 {
      %mul3A_76 = arith.constant 2 : i32
      %mul3A_77 = arith.muli %mul3A_76, %scan3A_75 : i32
      %add3A_78 = arith.constant 1 : i32
      %add3A_79 = arith.addi %mul3A_77, %add3A_78 : i32
      %dma_start3A_80 = arith.constant 0 : i32
      %dma_start3A_81 = tpu.memref_slice %arg6[%add3A_79, %dma_start3A_80] : memref<40x128xi32, #tpu.memory_space<vmem>> -> memref<1x128xi32, #tpu.memory_space<vmem>>
      %dma_start3A_82 = tpu.memref_squeeze %dma_start3A_81 : memref<1x128xi32, #tpu.memory_space<vmem>> -> memref<128xi32, #tpu.memory_space<vmem>>
      %dma_start3A_83 = arith.constant 0 : i32
      %dma_start3A_84 = arith.constant 0 : i32
      %dma_start3A_85 = tpu.memref_slice %arg2[%dma_start3A_83, %dma_start3A_84] : memref<10240x128xf32, #tpu.memory_space<hbm>> -> memref<10240x128xf32, #tpu.memory_space<hbm>>
      tpu.enqueue_indirect_dma source(%dma_start3A_85 : memref<10240x128xf32, #tpu.memory_space<hbm>>) target(%arg9 : memref<128x128xf32, #tpu.memory_space<vmem>>) offsets(%dma_start3A_82 : memref<128xi32, #tpu.memory_space<vmem>>) semaphore(%arg11 : memref<!tpu.dma_semaphore, #tpu.memory_space<semaphore_mem>>)
      %dma_wait3A = arith.constant 0 : i32
      %dma_wait3A_86 = tpu.memref_slice %arg6[%mul3A_77, %dma_wait3A] : memref<40x128xi32, #tpu.memory_space<vmem>> -> memref<1x128xi32, #tpu.memory_space<vmem>>
      %dma_wait3A_87 = tpu.memref_squeeze %dma_wait3A_86 : memref<1x128xi32, #tpu.memory_space<vmem>> -> memref<128xi32, #tpu.memory_space<vmem>>
      %dma_wait3A_88 = arith.constant 0 : i32
      %dma_wait3A_89 = arith.constant 0 : i32
      %dma_wait3A_90 = tpu.memref_slice %arg2[%dma_wait3A_88, %dma_wait3A_89] : memref<10240x128xf32, #tpu.memory_space<hbm>> -> memref<10240x128xf32, #tpu.memory_space<hbm>>
      tpu.wait_indirect_dma semaphore(%arg10 : memref<!tpu.dma_semaphore, #tpu.memory_space<semaphore_mem>>) src(%dma_wait3A_90 : memref<10240x128xf32, #tpu.memory_space<hbm>>) dst(%arg8 : memref<128x128xf32, #tpu.memory_space<vmem>>)
      "tpu.region"() ({
        %run_scoped3A_105 = tpu.sem_alloc : memref<!tpu.dma_semaphore, #tpu.memory_space<semaphore_mem>>
        %dma_start3A_106 = arith.constant 0 : i32
        %dma_start3A_107 = tpu.memref_slice %arg7[%mul3A_77, %dma_start3A_106] : memref<40x128xi32, #tpu.memory_space<vmem>> -> memref<1x128xi32, #tpu.memory_space<vmem>>
        %dma_start3A_108 = tpu.memref_squeeze %dma_start3A_107 : memref<1x128xi32, #tpu.memory_space<vmem>> -> memref<128xi32, #tpu.memory_space<vmem>>
        %dma_start3A_109 = arith.constant 0 : i32
        %dma_start3A_110 = arith.constant 0 : i32
        %dma_start3A_111 = tpu.memref_slice %arg5[%dma_start3A_109, %dma_start3A_110] : memref<10240x128xf32, #tpu.memory_space<vmem_shared>> -> memref<10240x128xf32, #tpu.memory_space<vmem_shared>>
        tpu.enqueue_indirect_dma source(%arg8 : memref<128x128xf32, #tpu.memory_space<vmem>>) target(%dma_start3A_111 : memref<10240x128xf32, #tpu.memory_space<vmem_shared>>) offsets(%dma_start3A_108 : memref<128xi32, #tpu.memory_space<vmem>>) semaphore(%run_scoped3A_105 : memref<!tpu.dma_semaphore, #tpu.memory_space<semaphore_mem>>) {add = true}
        %dma_wait3A_112 = arith.constant 0 : i32
        %dma_wait3A_113 = tpu.memref_slice %arg7[%mul3A_77, %dma_wait3A_112] : memref<40x128xi32, #tpu.memory_space<vmem>> -> memref<1x128xi32, #tpu.memory_space<vmem>>
        %dma_wait3A_114 = tpu.memref_squeeze %dma_wait3A_113 : memref<1x128xi32, #tpu.memory_space<vmem>> -> memref<128xi32, #tpu.memory_space<vmem>>
        %dma_wait3A_115 = arith.constant 0 : i32
        %dma_wait3A_116 = arith.constant 0 : i32
        %dma_wait3A_117 = tpu.memref_slice %arg5[%dma_wait3A_115, %dma_wait3A_116] : memref<10240x128xf32, #tpu.memory_space<vmem_shared>> -> memref<10240x128xf32, #tpu.memory_space<vmem_shared>>
        tpu.wait_indirect_dma semaphore(%run_scoped3A_105 : memref<!tpu.dma_semaphore, #tpu.memory_space<semaphore_mem>>) src(%arg8 : memref<128x128xf32, #tpu.memory_space<vmem>>) dst(%dma_wait3A_117 : memref<10240x128xf32, #tpu.memory_space<vmem_shared>>)
        tpu.yield
      }) : () -> ()
      %add3A_91 = arith.constant 1 : i32
      %add3A_92 = arith.addi %scan3A_75, %add3A_91 : i32
      %lt3A = arith.constant 20 : i32
      %lt3A_93 = arith.cmpi slt, %add3A_92, %lt3A : i32
      %convert_element_type3A = arith.extui %lt3A_93 : i1 to i32
      %cond3A = arith.constant 0 : i32
      %cond3A_94 = arith.cmpi ne, %convert_element_type3A, %cond3A : i32
      scf.if %cond3A_94 {
        %add3A_105 = arith.constant 2 : i32
        %add3A_106 = arith.addi %mul3A_77, %add3A_105 : i32
        %dma_start3A_107 = arith.constant 0 : i32
        %dma_start3A_108 = tpu.memref_slice %arg6[%add3A_106, %dma_start3A_107] : memref<40x128xi32, #tpu.memory_space<vmem>> -> memref<1x128xi32, #tpu.memory_space<vmem>>
        %dma_start3A_109 = tpu.memref_squeeze %dma_start3A_108 : memref<1x128xi32, #tpu.memory_space<vmem>> -> memref<128xi32, #tpu.memory_space<vmem>>
        %dma_start3A_110 = arith.constant 0 : i32
        %dma_start3A_111 = arith.constant 0 : i32
        %dma_start3A_112 = tpu.memref_slice %arg2[%dma_start3A_110, %dma_start3A_111] : memref<10240x128xf32, #tpu.memory_space<hbm>> -> memref<10240x128xf32, #tpu.memory_space<hbm>>
        tpu.enqueue_indirect_dma source(%dma_start3A_112 : memref<10240x128xf32, #tpu.memory_space<hbm>>) target(%arg8 : memref<128x128xf32, #tpu.memory_space<vmem>>) offsets(%dma_start3A_109 : memref<128xi32, #tpu.memory_space<vmem>>) semaphore(%arg10 : memref<!tpu.dma_semaphore, #tpu.memory_space<semaphore_mem>>)
      } else {
      }
      %add3A_95 = arith.constant 1 : i32
      %add3A_96 = arith.addi %mul3A_77, %add3A_95 : i32
      %dma_wait3A_97 = arith.constant 0 : i32
      %dma_wait3A_98 = tpu.memref_slice %arg6[%add3A_96, %dma_wait3A_97] : memref<40x128xi32, #tpu.memory_space<vmem>> -> memref<1x128xi32, #tpu.memory_space<vmem>>
      %dma_wait3A_99 = tpu.memref_squeeze %dma_wait3A_98 : memref<1x128xi32, #tpu.memory_space<vmem>> -> memref<128xi32, #tpu.memory_space<vmem>>
      %dma_wait3A_100 = arith.constant 0 : i32
      %dma_wait3A_101 = arith.constant 0 : i32
      %dma_wait3A_102 = tpu.memref_slice %arg2[%dma_wait3A_100, %dma_wait3A_101] : memref<10240x128xf32, #tpu.memory_space<hbm>> -> memref<10240x128xf32, #tpu.memory_space<hbm>>
      tpu.wait_indirect_dma semaphore(%arg11 : memref<!tpu.dma_semaphore, #tpu.memory_space<semaphore_mem>>) src(%dma_wait3A_102 : memref<10240x128xf32, #tpu.memory_space<hbm>>) dst(%arg9 : memref<128x128xf32, #tpu.memory_space<vmem>>)
      %add3A_103 = arith.constant 1 : i32
      %add3A_104 = arith.addi %mul3A_77, %add3A_103 : i32
      "tpu.region"() ({
        %run_scoped3A_105 = tpu.sem_alloc : memref<!tpu.dma_semaphore, #tpu.memory_space<semaphore_mem>>
        %dma_start3A_106 = arith.constant 0 : i32
        %dma_start3A_107 = tpu.memref_slice %arg7[%add3A_104, %dma_start3A_106] : memref<40x128xi32, #tpu.memory_space<vmem>> -> memref<1x128xi32, #tpu.memory_space<vmem>>
        %dma_start3A_108 = tpu.memref_squeeze %dma_start3A_107 : memref<1x128xi32, #tpu.memory_space<vmem>> -> memref<128xi32, #tpu.memory_space<vmem>>
        %dma_start3A_109 = arith.constant 0 : i32
        %dma_start3A_110 = arith.constant 0 : i32
        %dma_start3A_111 = tpu.memref_slice %arg5[%dma_start3A_109, %dma_start3A_110] : memref<10240x128xf32, #tpu.memory_space<vmem_shared>> -> memref<10240x128xf32, #tpu.memory_space<vmem_shared>>
        tpu.enqueue_indirect_dma source(%arg9 : memref<128x128xf32, #tpu.memory_space<vmem>>) target(%dma_start3A_111 : memref<10240x128xf32, #tpu.memory_space<vmem_shared>>) offsets(%dma_start3A_108 : memref<128xi32, #tpu.memory_space<vmem>>) semaphore(%run_scoped3A_105 : memref<!tpu.dma_semaphore, #tpu.memory_space<semaphore_mem>>) {add = true}
        %dma_wait3A_112 = arith.constant 0 : i32
        %dma_wait3A_113 = tpu.memref_slice %arg7[%add3A_104, %dma_wait3A_112] : memref<40x128xi32, #tpu.memory_space<vmem>> -> memref<1x128xi32, #tpu.memory_space<vmem>>
        %dma_wait3A_114 = tpu.memref_squeeze %dma_wait3A_113 : memref<1x128xi32, #tpu.memory_space<vmem>> -> memref<128xi32, #tpu.memory_space<vmem>>
        %dma_wait3A_115 = arith.constant 0 : i32
        %dma_wait3A_116 = arith.constant 0 : i32
        %dma_wait3A_117 = tpu.memref_slice %arg5[%dma_wait3A_115, %dma_wait3A_116] : memref<10240x128xf32, #tpu.memory_space<vmem_shared>> -> memref<10240x128xf32, #tpu.memory_space<vmem_shared>>
        tpu.wait_indirect_dma semaphore(%run_scoped3A_105 : memref<!tpu.dma_semaphore, #tpu.memory_space<semaphore_mem>>) src(%arg9 : memref<128x128xf32, #tpu.memory_space<vmem>>) dst(%dma_wait3A_117 : memref<10240x128xf32, #tpu.memory_space<vmem_shared>>)
        tpu.yield
      }) : () -> ()
    }
    %scan3A_69 = arith.constant 20 : i32
    %barrier3A_70 = arith.constant 0 : index
    tpu.barrier barrier_id(%barrier3A_70)
    %mul3A_71 = arith.constant 640 : i32
    %mul3A_72 = arith.muli %arg1, %mul3A_71 : i32
    %mul3A_73 = arith.constant 640 : i32
    %mul3A_74 = arith.muli %arg1, %mul3A_73 : i32
    "tpu.region"() ({
      %run_scoped3A_75 = tpu.sem_alloc : memref<!tpu.dma_semaphore, #tpu.memory_space<semaphore_mem>>
      %dma_start3A_76 = arith.constant 0 : i32
      %dma_start3A_77 = tpu.memref_slice %arg4[%arg0, %mul3A_74, %dma_start3A_76] : memref<2x10240x128xf32, #tpu.memory_space<hbm>> -> memref<1x640x128xf32, #tpu.memory_space<hbm>>
      %dma_start3A_78 = tpu.memref_squeeze %dma_start3A_77 : memref<1x640x128xf32, #tpu.memory_space<hbm>> -> memref<640x128xf32, #tpu.memory_space<hbm>>
      %dma_start3A_79 = arith.constant 0 : i32
      %dma_start3A_80 = tpu.memref_slice %arg5[%mul3A_72, %dma_start3A_79] : memref<10240x128xf32, #tpu.memory_space<vmem_shared>> -> memref<640x128xf32, #tpu.memory_space<vmem_shared>>
      tpu.enqueue_dma source(%dma_start3A_80 : memref<640x128xf32, #tpu.memory_space<vmem_shared>>) target(%dma_start3A_78 : memref<640x128xf32, #tpu.memory_space<hbm>>) target_semaphore(%run_scoped3A_75 : memref<!tpu.dma_semaphore, #tpu.memory_space<semaphore_mem>>)
      %dma_wait3A = arith.constant 0 : i32
      %dma_wait3A_81 = tpu.memref_slice %arg4[%arg0, %mul3A_74, %dma_wait3A] : memref<2x10240x128xf32, #tpu.memory_space<hbm>> -> memref<1x640x128xf32, #tpu.memory_space<hbm>>
      %dma_wait3A_82 = tpu.memref_squeeze %dma_wait3A_81 : memref<1x640x128xf32, #tpu.memory_space<hbm>> -> memref<640x128xf32, #tpu.memory_space<hbm>>
      %dma_wait3A_83 = arith.constant 0 : i32
      %dma_wait3A_84 = tpu.memref_slice %arg5[%mul3A_72, %dma_wait3A_83] : memref<10240x128xf32, #tpu.memory_space<vmem_shared>> -> memref<640x128xf32, #tpu.memory_space<vmem_shared>>
      tpu.wait_dma2 semaphore(%run_scoped3A_75 : memref<!tpu.dma_semaphore, #tpu.memory_space<semaphore_mem>>) src(%dma_wait3A_84 : memref<640x128xf32, #tpu.memory_space<vmem_shared>>) dst(%dma_wait3A_82 : memref<640x128xf32, #tpu.memory_space<hbm>>)
      tpu.yield
    }) : () -> ()
    return
  }
}

module attributes {stable_mosaic.version = 14 : i64} {
  func.func @body(%arg0: i32, %arg1: memref<512x128xf32, #tpu.memory_space<vmem>>, %arg2: memref<128x128xf32, #tpu.memory_space<vmem>>, %arg3: memref<2x512xf32, #tpu.memory_space<vmem>>, %arg4: memref<512x128xf32, #tpu.memory_space<vmem>>) attributes {dimension_semantics = [#tpu.dimension_semantics<arbitrary>], iteration_bounds = array<i64: 20>, scalar_prefetch = 0 : i64, scratch_operands = 0 : i64, tpu.core_type = #tpu.core_type<tc>, window_params = [{transform_indices = @transform_0, window_bounds = array<i64: 512, 128>}, {pipeline_mode = #tpu.pipeline_mode<synchronous>, transform_indices = @transform_1, window_bounds = array<i64: 128, 128>}, {transform_indices = @transform_2, window_bounds = array<i64: 2, 512>}, {transform_indices = @transform_3, window_bounds = array<i64: 512, 128>}]} {
    %get3A = arith.constant 0 : index
    %get3A_0 = arith.constant 0 : index
    %get3A_1 = vector.load %arg1[%get3A, %get3A_0] : memref<512x128xf32, #tpu.memory_space<vmem>>, vector<512x128xf32>
    %get3A_2 = arith.constant 0 : index
    %get3A_3 = arith.constant 0 : index
    %get3A_4 = vector.load %arg2[%get3A_2, %get3A_3] : memref<128x128xf32, #tpu.memory_space<vmem>>, vector<128x128xf32>
    %dot_general3A = arith.constant dense<0.000000e+00> : vector<512x128xf32>
    %dot_general3A_5 = tpu.matmul %get3A_1, %get3A_4, %dot_general3A {dimension_numbers = #tpu.dot_dimension_numbers<[1], [0], [0], [1], [0, 0, 1, 1], [], []>, transpose_lhs_hint = false} : vector<512x128xf32>, vector<128x128xf32>, vector<512x128xf32> -> vector<512x128xf32>
    %get3A_6 = arith.constant 0 : index
    %get3A_7 = arith.constant 0 : index
    %get3A_8 = vector.load %arg3[%get3A_6, %get3A_7] : memref<2x512xf32, #tpu.memory_space<vmem>>, vector<1x512xf32>
    %get3A_9 = vector.shape_cast %get3A_8 : vector<1x512xf32> to vector<512xf32>
    %max3A = arith.constant 1.000000e+00 : f32
    %max3A_10 = vector.broadcast %max3A : f32 to vector<512xf32>
    %max3A_11 = arith.maximumf %get3A_9, %max3A_10 : vector<512xf32>
    %rsqrt3A = math.rsqrt %max3A_11 : vector<512xf32>
    %broadcast_in_dim3A = vector.shape_cast %rsqrt3A : vector<512xf32> to vector<512x1xf32>
    %mul3A = vector.broadcast %broadcast_in_dim3A : vector<512x1xf32> to vector<512x128xf32>
    %mul3A_12 = arith.mulf %dot_general3A_5, %mul3A : vector<512x128xf32>
    %swap3A = arith.constant 0 : index
    %swap3A_13 = arith.constant 0 : index
    %swap3A_14 = vector.load %arg4[%swap3A, %swap3A_13] : memref<512x128xf32, #tpu.memory_space<vmem>>, vector<512x128xf32>
    tpu.vector_store %arg4[%swap3A, %swap3A_13], %mul3A_12 {strides = array<i32>} : memref<512x128xf32, #tpu.memory_space<vmem>>, vector<512x128xf32>,
    return
  }
  func.func @transform_0(%arg0: i32) -> (i32, i32) {
    %c0_i32 = arith.constant 0 : i32
    %c0_i32_0 = arith.constant 0 : i32
    return %arg0, %c0_i32 : i32, i32
  }
  func.func @transform_1(%arg0: i32) -> (i32, i32) {
    %c0_i32 = arith.constant 0 : i32
    %c0_i32_0 = arith.constant 0 : i32
    %c0_i32_1 = arith.constant 0 : i32
    return %c0_i32, %c0_i32_0 : i32, i32
  }
  func.func @transform_2(%arg0: i32) -> (i32, i32) {
    %c0_i32 = arith.constant 0 : i32
    %c0_i32_0 = arith.constant 0 : i32
    return %c0_i32, %arg0 : i32, i32
  }
  func.func @transform_3(%arg0: i32) -> (i32, i32) {
    %c0_i32 = arith.constant 0 : i32
    %c0_i32_0 = arith.constant 0 : i32
    return %arg0, %c0_i32 : i32, i32
  }
}

module attributes {stable_mosaic.version = 14 : i64} {
  func.func @body(%arg0: i32, %arg1: memref<2x512x128xf32, #tpu.memory_space<vmem>>, %arg2: memref<2x512xf32, #tpu.memory_space<vmem>>, %arg3: memref<1x64xf32, #tpu.memory_space<vmem>>, %arg4: memref<512x64xf32, #tpu.memory_space<vmem>>) attributes {dimension_semantics = [#tpu.dimension_semantics<arbitrary>], iteration_bounds = array<i64: 20>, scalar_prefetch = 0 : i64, scratch_operands = 0 : i64, tpu.core_type = #tpu.core_type<tc>, window_params = [{transform_indices = @transform_0, window_bounds = array<i64: 2, 512, 128>}, {transform_indices = @transform_1, window_bounds = array<i64: 2, 512>}, {pipeline_mode = #tpu.pipeline_mode<synchronous>, transform_indices = @transform_2, window_bounds = array<i64: 1, 64>}, {transform_indices = @transform_3, window_bounds = array<i64: 512, 64>}]} {
    %get3A = arith.constant 0 : index
    %get3A_0 = arith.constant 0 : index
    %get3A_1 = arith.constant 0 : index
    %get3A_2 = vector.load %arg1[%get3A, %get3A_0, %get3A_1] : memref<2x512x128xf32, #tpu.memory_space<vmem>>, vector<1x512x128xf32>
    %get3A_3 = vector.shape_cast %get3A_2 : vector<1x512x128xf32> to vector<512x128xf32>
    %get3A_4 = arith.constant 1 : index
    %get3A_5 = arith.constant 0 : index
    %get3A_6 = arith.constant 0 : index
    %get3A_7 = vector.load %arg1[%get3A_4, %get3A_5, %get3A_6] : memref<2x512x128xf32, #tpu.memory_space<vmem>>, vector<1x512x128xf32>
    %get3A_8 = vector.shape_cast %get3A_7 : vector<1x512x128xf32> to vector<512x128xf32>
    %add3A = arith.addf %get3A_3, %get3A_8 : vector<512x128xf32>
    %slice3A = vector.extract_strided_slice %add3A {offsets = [0, 0], sizes = [512, 64], strides = [1, 1]} : vector<512x128xf32> to vector<512x64xf32>
    %get3A_9 = arith.constant 1 : index
    %get3A_10 = arith.constant 0 : index
    %get3A_11 = vector.load %arg2[%get3A_9, %get3A_10] : memref<2x512xf32, #tpu.memory_space<vmem>>, vector<1x512xf32>
    %get3A_12 = vector.shape_cast %get3A_11 : vector<1x512xf32> to vector<512xf32>
    %max3A = arith.constant 1.000000e+00 : f32
    %max3A_13 = vector.broadcast %max3A : f32 to vector<512xf32>
    %max3A_14 = arith.maximumf %get3A_12, %max3A_13 : vector<512xf32>
    %rsqrt3A = math.rsqrt %max3A_14 : vector<512xf32>
    %broadcast_in_dim3A = vector.shape_cast %rsqrt3A : vector<512xf32> to vector<512x1xf32>
    %mul3A = vector.broadcast %broadcast_in_dim3A : vector<512x1xf32> to vector<512x64xf32>
    %mul3A_15 = arith.mulf %slice3A, %mul3A : vector<512x64xf32>
    %get3A_16 = arith.constant 0 : index
    %get3A_17 = arith.constant 0 : index
    %get3A_18 = vector.load %arg3[%get3A_16, %get3A_17] : memref<1x64xf32, #tpu.memory_space<vmem>>, vector<1x64xf32>
    %add3A_19 = vector.broadcast %get3A_18 : vector<1x64xf32> to vector<512x64xf32>
    %add3A_20 = arith.addf %mul3A_15, %add3A_19 : vector<512x64xf32>
    %swap3A = arith.constant 0 : index
    %swap3A_21 = arith.constant 0 : index
    %swap3A_22 = vector.load %arg4[%swap3A, %swap3A_21] : memref<512x64xf32, #tpu.memory_space<vmem>>, vector<512x64xf32>
    tpu.vector_store %arg4[%swap3A, %swap3A_21], %add3A_20 {strides = array<i32>} : memref<512x64xf32, #tpu.memory_space<vmem>>, vector<512x64xf32>,
    return
  }
  func.func @transform_0(%arg0: i32) -> (i32, i32, i32) {
    %c0_i32 = arith.constant 0 : i32
    %c0_i32_0 = arith.constant 0 : i32
    %c0_i32_1 = arith.constant 0 : i32
    return %c0_i32, %arg0, %c0_i32_0 : i32, i32, i32
  }
  func.func @transform_1(%arg0: i32) -> (i32, i32) {
    %c0_i32 = arith.constant 0 : i32
    %c0_i32_0 = arith.constant 0 : i32
    return %c0_i32, %arg0 : i32, i32
  }
  func.func @transform_2(%arg0: i32) -> (i32, i32) {
    %c0_i32 = arith.constant 0 : i32
    %c0_i32_0 = arith.constant 0 : i32
    %c0_i32_1 = arith.constant 0 : i32
    return %c0_i32, %c0_i32_0 : i32, i32
  }
  func.func @transform_3(%arg0: i32) -> (i32, i32) {
    %c0_i32 = arith.constant 0 : i32
    %c0_i32_0 = arith.constant 0 : i32
    return %arg0, %c0_i32 : i32, i32
  }
}

module attributes {stable_mosaic.version = 14 : i64} {
  func.func @body(%arg0: i32, %arg1: memref<2x512x128xf32, #tpu.memory_space<vmem>>, %arg2: memref<2x512xf32, #tpu.memory_space<vmem>>, %arg3: memref<1x128xf32, #tpu.memory_space<vmem>>, %arg4: memref<128x64xf32, #tpu.memory_space<vmem>>, %arg5: memref<512x128xf32, #tpu.memory_space<vmem>>) attributes {dimension_semantics = [#tpu.dimension_semantics<arbitrary>], iteration_bounds = array<i64: 20>, scalar_prefetch = 0 : i64, scratch_operands = 0 : i64, tpu.core_type = #tpu.core_type<tc>, window_params = [{transform_indices = @transform_0, window_bounds = array<i64: 2, 512, 128>}, {transform_indices = @transform_1, window_bounds = array<i64: 2, 512>}, {pipeline_mode = #tpu.pipeline_mode<synchronous>, transform_indices = @transform_2, window_bounds = array<i64: 1, 128>}, {pipeline_mode = #tpu.pipeline_mode<synchronous>, transform_indices = @transform_3, window_bounds = array<i64: 128, 64>}, {transform_indices = @transform_4, window_bounds = array<i64: 512, 128>}]} {
    %get3A = arith.constant 0 : index
    %get3A_0 = arith.constant 0 : index
    %get3A_1 = arith.constant 0 : index
    %get3A_2 = vector.load %arg1[%get3A, %get3A_0, %get3A_1] : memref<2x512x128xf32, #tpu.memory_space<vmem>>, vector<1x512x128xf32>
    %get3A_3 = vector.shape_cast %get3A_2 : vector<1x512x128xf32> to vector<512x128xf32>
    %get3A_4 = arith.constant 1 : index
    %get3A_5 = arith.constant 0 : index
    %get3A_6 = arith.constant 0 : index
    %get3A_7 = vector.load %arg1[%get3A_4, %get3A_5, %get3A_6] : memref<2x512x128xf32, #tpu.memory_space<vmem>>, vector<1x512x128xf32>
    %get3A_8 = vector.shape_cast %get3A_7 : vector<1x512x128xf32> to vector<512x128xf32>
    %add3A = arith.addf %get3A_3, %get3A_8 : vector<512x128xf32>
    %get3A_9 = arith.constant 1 : index
    %get3A_10 = arith.constant 0 : index
    %get3A_11 = vector.load %arg2[%get3A_9, %get3A_10] : memref<2x512xf32, #tpu.memory_space<vmem>>, vector<1x512xf32>
    %get3A_12 = vector.shape_cast %get3A_11 : vector<1x512xf32> to vector<512xf32>
    %max3A = arith.constant 1.000000e+00 : f32
    %max3A_13 = vector.broadcast %max3A : f32 to vector<512xf32>
    %max3A_14 = arith.maximumf %get3A_12, %max3A_13 : vector<512xf32>
    %rsqrt3A = math.rsqrt %max3A_14 : vector<512xf32>
    %broadcast_in_dim3A = vector.shape_cast %rsqrt3A : vector<512xf32> to vector<512x1xf32>
    %get3A_15 = arith.constant 0 : index
    %get3A_16 = arith.constant 0 : index
    %get3A_17 = vector.load %arg2[%get3A_15, %get3A_16] : memref<2x512xf32, #tpu.memory_space<vmem>>, vector<1x512xf32>
    %get3A_18 = vector.shape_cast %get3A_17 : vector<1x512xf32> to vector<512xf32>
    %max3A_19 = arith.constant 1.000000e+00 : f32
    %max3A_20 = vector.broadcast %max3A_19 : f32 to vector<512xf32>
    %max3A_21 = arith.maximumf %get3A_18, %max3A_20 : vector<512xf32>
    %rsqrt3A_22 = math.rsqrt %max3A_21 : vector<512xf32>
    %broadcast_in_dim3A_23 = vector.shape_cast %rsqrt3A_22 : vector<512xf32> to vector<512x1xf32>
    %mul3A = vector.broadcast %broadcast_in_dim3A : vector<512x1xf32> to vector<512x128xf32>
    %mul3A_24 = arith.mulf %add3A, %mul3A : vector<512x128xf32>
    %get3A_25 = arith.constant 0 : index
    %get3A_26 = arith.constant 0 : index
    %get3A_27 = vector.load %arg3[%get3A_25, %get3A_26] : memref<1x128xf32, #tpu.memory_space<vmem>>, vector<1x128xf32>
    %add3A_28 = vector.broadcast %get3A_27 : vector<1x128xf32> to vector<512x128xf32>
    %add3A_29 = arith.addf %mul3A_24, %add3A_28 : vector<512x128xf32>
    %max3A_30 = arith.constant 0.000000e+00 : f32
    %max3A_31 = vector.broadcast %max3A_30 : f32 to vector<512x128xf32>
    %max3A_32 = arith.maximumf %add3A_29, %max3A_31 : vector<512x128xf32>
    %get3A_33 = arith.constant 0 : index
    %get3A_34 = arith.constant 0 : index
    %get3A_35 = vector.load %arg4[%get3A_33, %get3A_34] : memref<128x64xf32, #tpu.memory_space<vmem>>, vector<128x64xf32>
    %dot_general3A = arith.constant dense<0.000000e+00> : vector<512x64xf32>
    %dot_general3A_36 = tpu.matmul %max3A_32, %get3A_35, %dot_general3A {dimension_numbers = #tpu.dot_dimension_numbers<[1], [0], [0], [1], [0, 0, 1, 1], [], []>, transpose_lhs_hint = false} : vector<512x128xf32>, vector<128x64xf32>, vector<512x64xf32> -> vector<512x64xf32>
    %mul3A_37 = vector.broadcast %broadcast_in_dim3A_23 : vector<512x1xf32> to vector<512x64xf32>
    %mul3A_38 = arith.mulf %dot_general3A_36, %mul3A_37 : vector<512x64xf32>
    %jit3A = arith.constant 0 : i32
    %convert_element_type3A = arith.sitofp %jit3A : i32 to f32
    %pad3A = vector.broadcast %convert_element_type3A : f32 to vector<512x64xf32>
    %pad3A_39 = tpu.concatenate %mul3A_38, %pad3A in 1 : vector<512x64xf32>, vector<512x64xf32> -> vector<512x128xf32>
    %swap3A = arith.constant 0 : index
    %swap3A_40 = arith.constant 0 : index
    %swap3A_41 = vector.load %arg5[%swap3A, %swap3A_40] : memref<512x128xf32, #tpu.memory_space<vmem>>, vector<512x128xf32>
    tpu.vector_store %arg5[%swap3A, %swap3A_40], %pad3A_39 {strides = array<i32>} : memref<512x128xf32, #tpu.memory_space<vmem>>, vector<512x128xf32>,
    return
  }
  func.func @transform_0(%arg0: i32) -> (i32, i32, i32) {
    %c0_i32 = arith.constant 0 : i32
    %c0_i32_0 = arith.constant 0 : i32
    %c0_i32_1 = arith.constant 0 : i32
    return %c0_i32, %arg0, %c0_i32_0 : i32, i32, i32
  }
  func.func @transform_1(%arg0: i32) -> (i32, i32) {
    %c0_i32 = arith.constant 0 : i32
    %c0_i32_0 = arith.constant 0 : i32
    return %c0_i32, %arg0 : i32, i32
  }
  func.func @transform_2(%arg0: i32) -> (i32, i32) {
    %c0_i32 = arith.constant 0 : i32
    %c0_i32_0 = arith.constant 0 : i32
    %c0_i32_1 = arith.constant 0 : i32
    return %c0_i32, %c0_i32_0 : i32, i32
  }
  func.func @transform_3(%arg0: i32) -> (i32, i32) {
    %c0_i32 = arith.constant 0 : i32
    %c0_i32_0 = arith.constant 0 : i32
    %c0_i32_1 = arith.constant 0 : i32
    return %c0_i32, %c0_i32_0 : i32, i32
  }
  func.func @transform_4(%arg0: i32) -> (i32, i32) {
    %c0_i32 = arith.constant 0 : i32
    %c0_i32_0 = arith.constant 0 : i32
    return %arg0, %c0_i32 : i32, i32
  }
}

</mosaic_0001>

<sc_bundles>
// kernel: kernel.11.cloned.1.call-start
scs
__scs_entry_jumppad:
0x0: {  	(pc) =	sbr.rel $0x88, $3  }
0x1: {  	(tag) =	ssettag $0x0;
	lr =	simm.s32 $0x1  }
0x2: {  	[smem:$0x3F9B] =	sst lr;
	_ =	strace $0xD0000000  }
0x3: {  	_ = 	snop  }
0x4: {  	_ = 	snop  }
0x5: {  	_ = 	snop  }
0x6: {  	_ = 	snop  }
0x7: {  	_ = 	snop  }
__scs_overlays_trampoline_lowered:
0x8: {  	[smem:$0x3FAA] =	sst s0  }
0x9: {  	[smem:$0x3FAB] =	sst s1  }
0xa: {  	[smem:$0x3FAC] =	sst s2  }
0xb: {  	[smem:$0x3FAD] =	sst s3  }
0xc: {  	[smem:$0x3FAE] =	sst s4  }
0xd: {  	[smem:$0x3FAF] =	sst s5  }
0xe: {  	[smem:$0x3FB0] =	sst s6  }
0xf: {  	[smem:$0x3FB1] =	sst s7  }
0x10: {  	[smem:$0x3FB2] =	sst s8  }
0x11: {  	[smem:$0x3FB3] =	sst s9;
	s0 =	simm.s32 @!p0 $0x0  }
0x12: {  	s1 =	sld [smem:$0x3F99];
	s0 =	simm.s32 @p0 $0x1  }
0x13: {  	[smem:$0x3FB4] =	sst s0;
	s0 =	simm.s32 @!p1 $0x0  }
0x14: {  	s2 =	sld [smem:$0x3F98];
	s0 =	simm.s32 @p1 $0x1  }
0x15: {  	[smem:$0x3FB5] =	sst s0;
	s0 =	simm.s32 @!p2 $0x0  }
0x16: {  	s3 =	sld [smem:$0x3FDB];
	s0 =	simm.s32 @p2 $0x1  }
0x17: {  	s4 =	simm.s32 $0x1BF5;
	[smem:$0x3FB7] =	sst s0  }
0x18: {  	s0 =	sld [smem:$0x3F9A];
	_ =	swait.ge [sflag:s4], $0x0  }
0x19: {  	s7 =	sld [smem:$0x3F9B]  }
0x1a: {  	s8 =	sadd.s32 $0xFFFFE003, lr  }
0x1b: {  	s9 =	sadd.s32 $0xFFFFFEF7, lr;
	s5 =	simm.s32 $0xFFFFFFFF;
	p2 =	slt.u32 s8, $0xFFFFF086  }
0x1c: {  	p1 =	slt.u32 s9, $0xF7A;
	s5 =	simm.s32 @!p2 $0x0  }
0x1d: {  	s5 =	simm.s32 @p1 $0x1;
	p0 =	seq.s32 s7, s2  }
0x1e: {  	s7 =	smul.u32 @!p0 $0xF7A, s2;
	p2 =	seq.s32 @!p0 s5, $0x0  }
0x1f: {  	s9 =	smul.u32 $0xF7A, s1;
	s8 =	simm.s32 @!p0 $0x1BF5;
	p2 =	por !p2, p0  }
0x20: {  	[sflag:s8] =	ssyncset.s32 @!p0 $0xFFFFF086;
	s6 =	sadd.s32 @!p0 s3, s7;
	s7 =	simm.s32 @!p0 $0x108  }
0x21: {  	s3 =	sadd.s32 s3, s9;
	s6 =	sadd.s32 @!p0 $0x88, s6;
	s7 =	simm.s32 @p2 $0x1082  }
0x22: {  	[simem:s7], [sflag:s8] =	dma.local @!p0 [hbm:s6], $0xF7A  }
0x23: {  	s9 =	sor.u32 $0xD0000000, s2;
	s6 =	simm.s32 $0x108;
	_ =	swait.ge @!p0 [sflag:s8], $0x0  }
0x24: {  	s3 =	sadd.s32 $0x88, s3;
	s6 =	simm.s32 @!p1 $0x1082;
	[sflag:s4] =	ssyncset.s32 $0xFFFFF086  }
0x25: {  	[simem:s6], [sflag:s4] =	dma.local [hbm:s3], $0xF7A  }
0x26: {  	[smem:$0x3F9B] =	sst s1;
	(tag) =	ssettag s2;
	_ =	strace s9  }
0x27: {  	s1 =	sld [smem:$0x3FAB]  }
0x28: {  	s2 =	sld [smem:$0x3FAC]  }
0x29: {  	s4 =	sld [smem:$0x3FAE]  }
0x2a: {  	p0 =	seq.s32 s5, $0x0;
	s5 =	sld [smem:$0x3FAF]  }
0x2b: {  	s6 =	sld [smem:$0x3FB0]  }
0x2c: {  	s7 =	sld [smem:$0x3FB1]  }
0x2d: {  	s3 =	simm.s32 $0x108;
	s8 =	sld [smem:$0x3FB2]  }
0x2e: {  	s3 =	simm.s32 @!p0 $0x1082;
	s9 =	sld [smem:$0x3FB3]  }
0x2f: {  	lr =	sadd.s32 s0, s3;
	s0 =	sld [smem:$0x3FAA]  }
0x30: {  	s3 =	sld [smem:$0x3FAD]  }
0x31: {  	[smem:$0x3FB6] =	sst s10  }
0x32: {  	s10 =	sld [smem:$0x3FB4];
	_ =	sdelay $0x3  }
0x33: {  	p0 =	seq.s32 s10, $0x1;
	s10 =	sld [smem:$0x3FB6];
	_ =	sdelay $0x3  }
0x34: {  	[smem:$0x3FB6] =	sst s10  }
0x35: {  	s10 =	sld [smem:$0x3FB5];
	_ =	sdelay $0x3  }
0x36: {  	p1 =	seq.s32 s10, $0x1;
	s10 =	sld [smem:$0x3FB6];
	_ =	sdelay $0x3  }
0x37: {  	[smem:$0x3FB6] =	sst s10  }
0x38: {  	s10 =	sld [smem:$0x3FB7]  }
0x39: {  	_ = 	snop;
	(pc) =	sbr.ind lr, $3  }
0x3a: {  	_ = 	snop  }
0x3b: {  	_ = 	snop  }
0x3c: {  	p2 =	seq.s32 s10, $0x1;
	s10 =	sld [smem:$0x3FB6]  }
0x3d: {  	_ =	shalt  }
0x3e: {  	_ =	shalt  }
0x3f: {  	_ =	shalt  }
0x40: {  	_ =	shalt  }
0x41: {  	_ =	shalt  }
0x42: {  	_ =	shalt  }
0x43: {  	_ =	shalt  }
0x44: {  	_ =	shalt  }
0x45: {  	_ =	shalt  }
0x46: {  	_ =	shalt  }
0x47: {  	_ =	shalt  }
0x48: {  	_ =	shalt  }
0x49: {  	_ =	shalt  }
0x4a: {  	_ =	shalt  }
0x4b: {  	_ =	shalt  }
0x4c: {  	_ =	shalt  }
0x4d: {  	_ =	shalt  }
0x4e: {  	_ =	shalt  }
0x4f: {  	_ =	shalt  }
0x50: {  	_ =	shalt  }
0x51: {  	_ =	shalt  }
0x52: {  	_ =	shalt  }
0x53: {  	_ =	shalt  }
0x54: {  	_ =	shalt  }
0x55: {  	_ =	shalt  }
0x56: {  	_ =	shalt  }
0x57: {  	_ =	shalt  }
0x58: {  	_ =	shalt  }
0x59: {  	_ =	shalt  }
0x5a: {  	_ =	shalt  }
0x5b: {  	_ =	shalt  }
0x5c: {  	_ =	shalt  }
0x5d: {  	_ =	shalt  }
0x5e: {  	_ =	shalt  }
0x5f: {  	_ =	shalt  }
0x60: {  	_ =	shalt  }
0x61: {  	_ =	shalt  }
0x62: {  	_ =	shalt  }
0x63: {  	_ =	shalt  }
0x64: {  	_ =	shalt  }
0x65: {  	_ =	shalt  }
0x66: {  	_ =	shalt  }
0x67: {  	_ =	shalt  }
0x68: {  	_ =	shalt  }
0x69: {  	_ =	shalt  }
0x6a: {  	_ =	shalt  }
0x6b: {  	_ =	shalt  }
0x6c: {  	_ =	shalt  }
0x6d: {  	_ =	shalt  }
0x6e: {  	_ =	shalt  }
0x6f: {  	_ =	shalt  }
0x70: {  	_ =	shalt  }
0x71: {  	_ =	shalt  }
0x72: {  	_ =	shalt  }
0x73: {  	_ =	shalt  }
0x74: {  	_ =	shalt  }
0x75: {  	_ =	shalt  }
0x76: {  	_ =	shalt  }
0x77: {  	_ =	shalt  }
0x78: {  	_ =	shalt  }
0x79: {  	_ =	shalt  }
0x7a: {  	_ =	shalt  }
0x7b: {  	_ =	shalt  }
0x7c: {  	_ =	shalt  }
0x7d: {  	_ =	shalt  }
0x7e: {  	_ =	shalt  }
0x7f: {  	_ =	shalt  }
0x80: {  	_ =	shalt  }
0x81: {  	_ =	shalt  }
0x82: {  	_ =	shalt  }
0x83: {  	_ =	shalt  }
0x84: {  	_ =	shalt  }
0x85: {  	_ =	shalt  }
0x86: {  	_ =	shalt  }
0x87: {  	_ =	shalt  }
.Lfunc_end0:
.L_simem_size_0:
called_computation.1_lowered:
.L_overlay_start_0:
0x88: {  	s2 =	sld [smem:$0x3FD9]  }
0x89: {  	s3 =	sld [smem:$0x3FFE];
	_ =	sdelay $0x1  }
0x8a: {  	s1 =	srdreg.scid  }
0x8b: {  	s0 =	sand.u32 $0x1, s1  }
0x8c: {  	s16 =	sshll.u32 s0, $0xA;
	s2 =	sadd.s32 s3, s2  }
0x8d: {  	s2 =	sadd.s32 s2, s16  }
0x8e: {  	[smem:$0x3FC2] =	sst s2  }
0x8f: {  	_ = 	snop  }
0x90: {  	(tm) =	ssettm $0x1  }
0x91: {  	s17 =	sld [smem:$0x3FFB];
	_ =	sdelay $0x3  }
0x92: {  	_ =	strace s17  }
0x93: {  	s2 =	sld [smem:$0x3FFC];
	_ =	sdelay $0x3  }
0x94: {  	_ =	strace s2  }
0x95: {  	s2 =	sld [smem:$0x3FFD];
	_ =	sdelay $0x3  }
0x96: {  	_ =	strace s2  }
0x97: {  	_ =	strace $0x8FFFFFFF  }
0x98: {  	s18 =	sld [smem:$0x3FDB];
	_ =	sdelay $0x1  }
0x99: {  	s19 =	simm.s32 $_scs_section_size  }
0x9a: {  	s4 =	simm.s32 $_size__tile_overlayer_lowered;
	s5 =	simm.s32 $_tile_overlayer_lowered  }
0x9b: {  	s22 =	simm.s32 $0x1BFF;
	s21 =	sshll.u32 s5, $0x1;
	s2 =	sadd.s32 s19, s18  }
0x9c: {  	s6 =	simm.s32 $0x0;
	s20 =	sshll.u32 s4, $0x1;
	s4 =	sadd.s32 s21, s2  }
0x9d: {  	[timem:s6], [sflag:s22] =	dma.local [hbm:s4], s20  }
0x9e: {  	_ =	swait.ge [sflag:s22], s20  }
0x9f: {  	s3 =	ssub.s32 $0x0, s20;
	[sflag:s22] =	ssyncset.done $0x0  }
0xa0: {  	[sflag:s22] =	ssyncadd.s32 s3;
	_ =	sdelay $0x1  }
0xa1: {  	s23 =	simm.s32 $0x1B8B  }
0xa2: {  	_ =	swait.ge [sflag:s23], $0x1  }
0xa3: {  	[sflag:s23] =	ssyncset.done $0x0  }
0xa4: {  	s25 =	simm.s32 $0x1B8E;
	s24 =	sld [smem:$0x3FFE];
	[sflag:s23] =	ssyncadd.s32 $0xFFFFFFFF  }
0xa5: {  	s26 =	simm.s32 $execute0_lowered;
	[smem:$0x3FD2] =	sst s25  }
0xa6: {  	s4 =	sshll.u32 s26, $0x1;
	_ =	strace $0x80000049;
	[dreg:$0x1] =	wrdreg $0xFFFFFFFF  }
0xa7: {  	s28 =	simm.s32 $_size_execute0_lowered;
	s2 =	sadd.s32 s2, s4;
	[dreg:$0x0] =	wrdreg $0x0  }
0xa8: {  	s4 =	sshll.u32 s28, $0x1;
	[dreg:$0x2] =	wrdreg s2  }
0xa9: {  	[dreg:$0x3] =	wrdreg s4  }
0xaa: {  	[dreg:$0x4] =	wrdreg $0xC0  }
0xab: {  	_ =	task [dreg:s6], $0x5FFFF  }
0xac: {  	[dreg:$0x1] =	wrdreg $0xFFFFFFFF  }
0xad: {  	[dreg:$0x0] =	wrdreg $0x60  }
0xae: {  	[dreg:$0x2] =	wrdreg s24  }
0xaf: {  	[dreg:$0x3] =	wrdreg $0x0  }
0xb0: {  	[dreg:$0x4] =	wrdreg $0x9  }
0xb1: {  	_ =	task.clear_ibuf [dreg:s6], $0x5FFFF;
	_ =	strace $0x90000049  }
0xb2: {  	s29 =	simm.s32 $0x9;
	_ =	strace $0x8000004B  }
0xb3: {  	_ =	swait.ge [sflag:s29], $0x1  }
0xb4: {  	[sflag:s29] =	ssyncadd.s32 $0xFFFFFFFF  }
0xb5: {  	_ =	strace $0x9000004B  }
0xb6: {  	_ =	sfence  }
0xb7: {  	s30 =	sld [smem:$0x0];
	_ =	sdelay $0x2  }
0xb8: {  	s31 =	sshll.u32 s1, $0xD;
	s1 =	sshrl.u32 s1, $0x2  }
0xb9: {  	s3 =	sand.u32 $0x4000, s31;
	s1 =	sadd.s32 s1, s30  }
0xba: {  	s0 =	sor.u32 s3, s0;
	s1 =	sshll.u32 s1, $0x11  }
0xbb: {  	s0 =	sor.u32 s1, s0  }
0xbc: {  	s0 =	sadd.s32 $0x8F2B, s0  }
0xbd: {  	[sflag:s0] =	ssyncadd.remote.s32 $0x1  }
0xbe: {  	_ =	sfence.sel $0xFFFF  }
0xbf: {  	[dreg:$0x0] =	wrdreg $0xFFFFFFFF;
	(pc) =	sbr.abs _section_cstart, $3  }
0xc0: {  	[dreg:$0x1] =	wrdreg $0xFFFFFFFF  }
0xc1: {  	_ =	task.clear_ibuf [dreg:s6], $0x2FFFF;
	_ =	strace $0x9FFFFFFF  }
0xc2: {  	(tm) =	ssettm $0x7FFFFFFF  }
0xc3: {  	_ =	shalt  }
tec
execute0_lowered:
.L_overlay_start_1:
0x0: {  	(tag) =	ssettag $0x1  }
0x1: {  	s1 =	srdreg.scid;
	s6 =	rddreg [dreg:$0x0]  }
0x2: {  	s0 =	stileid.u32;
	s2 =	rddreg [dreg:$0x1];
	s3 =	simm.s32 $0x0  }
0x3: {  	s16 =	simm.s32 $0x16800;
	s17 =	simm.s32 $0x3;
	s18 =	simm.s32 $0x14000  }
0x4: {  	s19 =	simm.s32 $0x15400;
	s20 =	simm.s32 $0x80;
	s21 =	simm.s32 $0x1A800  }
0x5: {  	s22 =	simm.s32 $0x1;
	s23 =	simm.s32 $0x2;
	s24 =	simm.s32 $0x15380  }
0x6: {  	s25 =	simm.s32 $0x16700;
	s28 =	simm.s32 $0x0;
	s8 =	smul.u32 $0x14000, s0  }
0x7: {  	s5 =	sand.u32 $0x1, s1;
	s26 =	sshll.u32 s0, $0x1;
	s10 =	smul.u32 $0x50000, s0  }
0x8: {  	[smem:$0x7FF] =	sst s3;
	s1 =	sor.u32 s5, s26;
	s7 =	smul.u32 $0x140000, s5  }
0x9: {  	_ =	strace $0x8000004A;
	s29 =	ssub.s32 $0x2, s5;
	s26 =	simm.s32 $0x16780  }
0xa: {  	s4 =	smul.u32 $0x2800, s1;
	s30 =	sshrl.u32 s10, $0x2;
	s31 =	sshrl.u32 s29, $0x1  }
0xb: {  	s7 =	sadd.s32 s8, s7;
	s5 =	sadd.s32 s30, s2;
	s15 =	ssub.s32 s29, s31  }
0xc: {  	s9 =	sshrl.u32 s4, $0x3;
	s4 =	sadd.s32 $0x16600, s6;
	s7 =	sshrl.u32 s7, $0x3  }
0xd: {  	s8 =	sadd.s32 $0xC000, s5;
	s15 =	smax.u32 s15, $0x1;
	s13 =	sadd.s32 s9, s6  }
0xe: {  	s14 =	sadd.s32 s7, s6;
	s6 =	sadd.s32 $0x4000, s5;
	s7 =	sadd.s32 $0x8000, s5  }
0xf: {  	s9 =	sadd.s32 $0x10000, s5;
	s10 =	sadd.s32 $0x2600, s13;
	s11 =	sadd.s32 $0xC600, s13  }
0x10: {  	v0 =	vimm.f32 $0.0e+00;
	s12 =	sadd.s32 $0x2880, s13;
	s13 =	sadd.s32 $0xC880, s13;
	s14 =	sadd.s32 $0x3E600, s14  }
.LBB2_1:
0x11: {  	s29 =	sand.u32 $0xFE00, s3  }
0x12: {  	s30 =	sand.u32 $0x70, s3;
	s31 =	sshrl.u32 s29, $0x2  }
0x13: {  	s29 =	simm.s32 $0x40;
	s31 =	sor.u32 s30, s31;
	s30 =	simm.s32 $0x0  }
.LBB2_2:
0x14: {  	p0 =	sne.s32 s29, $0xFFC0  }
0x15: {  	[tilespmem:s31+$0x16800] =	vst v0;
	s30 =	sadd.s32 $0x10, s30;
	s31 =	smov.u32 s29;
	s29 =	sadd.s32 $0x40, s29  }
.Ltmp0:
0x16: {  	(pc) =	sbr.rel @p0 .LBB2_2-.Ltmp0, $4  }
0x17: {  	_ = 	snop  }
0x18: {  	s31 =	sand.u32 $0xFE00, s31  }
0x19: {  	s1 =	sand.u32 $0x70, s30;
	s31 =	sshrl.u32 s31, $0x2  }
0x1a: {  	s31 =	sor.u32 s1, s31  }
0x1b: {  	[tilespmem:s31+$0x16800] =	vst v0  }
0x1c: {  	[spmem:s5] =	stream.linear.scatter [tilespmem:s16], [sflag:$0x3], $0x4000, $0x38;
	[tilespmem:$0x1E800] =	vst v63  }
0x1d: {  	_ =	swait.ge [sflag:s17], $0x4000  }
0x1e: {  	[sflag:s17] =	ssyncset.done $0x0  }
0x1f: {  	[sflag:s17] =	ssyncadd.s32 $0xFFFFC000  }
0x20: {  	[spmem:s6] =	stream.linear.scatter [tilespmem:s16], [sflag:$0x3], $0x4000, $0x38;
	[tilespmem:$0x1E800] =	vst v63  }
0x21: {  	_ =	swait.ge [sflag:s17], $0x4000  }
0x22: {  	[sflag:s17] =	ssyncset.done $0x0  }
0x23: {  	[sflag:s17] =	ssyncadd.s32 $0xFFFFC000  }
0x24: {  	[spmem:s7] =	stream.linear.scatter [tilespmem:s16], [sflag:$0x3], $0x4000, $0x38;
	[tilespmem:$0x1E800] =	vst v63  }
0x25: {  	_ =	swait.ge [sflag:s17], $0x4000  }
0x26: {  	[sflag:s17] =	ssyncset.done $0x0  }
0x27: {  	[sflag:s17] =	ssyncadd.s32 $0xFFFFC000  }
0x28: {  	[spmem:s8] =	stream.linear.scatter [tilespmem:s16], [sflag:$0x3], $0x4000, $0x38;
	[tilespmem:$0x1E800] =	vst v63  }
0x29: {  	_ =	swait.ge [sflag:s17], $0x4000  }
0x2a: {  	[sflag:s17] =	ssyncset.done $0x0  }
0x2b: {  	[sflag:s17] =	ssyncadd.s32 $0xFFFFC000  }
0x2c: {  	[spmem:s9] =	stream.linear.scatter [tilespmem:s16], [sflag:$0x3], $0x4000, $0x38;
	[tilespmem:$0x1E800] =	vst v63  }
0x2d: {  	_ =	swait.ge [sflag:s17], $0x4000  }
0x2e: {  	[sflag:s17] =	ssyncset.done $0x0  }
0x2f: {  	[sflag:s17] =	ssyncadd.s32 $0xFFFFC000  }
0x30: {  	s1 =	simm.s32 $0x0;
	[bflag:$0x0] =	sbarrier.arrive $0xFFFF  }
0x31: {  	[tilespmem:s18], [sflag:$0x3] =	stream.linear.gather [hbm4b:s10+s1], $0x1400, $0x38;
	[tilespmem:$0x1E800] =	vst v63  }
0x32: {  	_ =	swait.ge [sflag:s17], $0x1400  }
0x33: {  	[sflag:s17] =	ssyncset.done $0x0  }
0x34: {  	[sflag:s17] =	ssyncadd.s32 $0xFFFFEC00  }
0x35: {  	[tilespmem:s19], [sflag:$0x3] =	stream.linear.gather [hbm4b:s11+s1], $0x1400, $0x38;
	[tilespmem:$0x1E800] =	vst v63  }
0x36: {  	_ =	swait.ge [sflag:s17], $0x1400  }
0x37: {  	[sflag:s17] =	ssyncset.done $0x0  }
0x38: {  	[sflag:s17] =	ssyncadd.s32 $0xFFFFEC00  }
0x39: {  	[tilespmem:s16], [sflag:$0x1] =	stream.indirect.gather [hbm4b:s4+s20], $0x80, s18, s20, $0xb8;
	[tilespmem:$0x1E800] =	vst v63  }
0x3a: {  	s0 =	simm.s32 $0x14080  }
0x3b: {  	[tilespmem:s21], [sflag:$0x2] =	stream.indirect.gather [hbm4b:s4+s20], $0x80, s0, s20, $0xb8;
	[tilespmem:$0x1E800] =	vst v63  }
0x3c: {  	_ =	swait.ge [sflag:s22], $0x4000  }
0x3d: {  	[sflag:s22] =	ssyncset.done $0x0  }
0x3e: {  	s31 =	simm.s32 $0x15400;
	[sflag:s22] =	ssyncadd.s32 $0xFFFFC000  }
0x3f: {  	[spmem:s2] =	stream.indirect.scatter.add.f32 [tilespmem:s16], [sflag:$0x3], $0x80, s31, s20, $0xb8;
	[tilespmem:$0x1E800] =	vst v63  }
0x40: {  	_ =	swait.ge [sflag:s17], $0x4000  }
0x41: {  	[sflag:s17] =	ssyncset.done $0x0  }
0x42: {  	s0 =	simm.s32 $0x14100;
	[sflag:s17] =	ssyncadd.s32 $0xFFFFC000  }
0x43: {  	[tilespmem:s16], [sflag:$0x1] =	stream.indirect.gather [hbm4b:s4+s20], $0x80, s0, s20, $0xb8;
	[tilespmem:$0x1E800] =	vst v63  }
0x44: {  	_ =	swait.ge [sflag:s23], $0x4000  }
0x45: {  	[sflag:s23] =	ssyncset.done $0x0  }
0x46: {  	s31 =	simm.s32 $0x15480;
	[sflag:s23] =	ssyncadd.s32 $0xFFFFC000  }
0x47: {  	[spmem:s2] =	stream.indirect.scatter.add.f32 [tilespmem:s21], [sflag:$0x3], $0x80, s31, s20, $0xb8;
	[tilespmem:$0x1E800] =	vst v63  }
0x48: {  	_ =	swait.ge [sflag:s17], $0x4000  }
0x49: {  	s30 =	simm.s32 $0x800;
	s29 =	simm.s32 $0x100;
	[sflag:s17] =	ssyncset.done $0x0  }
.LBB2_4:
0x4a: {  	s1 =	sadd.s32 $0x14080, s29  }
0x4b: {  	[sflag:s17] =	ssyncadd.s32 $0xFFFFC000;
	s31 =	smov.u32 s30;
	s0 =	sadd.s32 $0x400, s30  }
0x4c: {  	[tilespmem:s21], [sflag:$0x2] =	stream.indirect.gather [hbm4b:s4+s20], $0x80, s1, s20, $0xb8;
	[tilespmem:$0x1E800] =	vst v63  }
0x4d: {  	p0 =	sne.s32 s30, $0x4800;
	_ =	swait.ge [sflag:s22], $0x4000  }
0x4e: {  	[sflag:s22] =	ssyncset.done $0x0  }
0x4f: {  	s1 =	sadd.s32 $0x15400, s29;
	[sflag:s22] =	ssyncadd.s32 $0xFFFFC000  }
0x50: {  	[spmem:s2] =	stream.indirect.scatter.add.f32 [tilespmem:s16], [sflag:$0x3], $0x80, s1, s20, $0xb8;
	[tilespmem:$0x1E800] =	vst v63  }
0x51: {  	_ =	swait.ge [sflag:s17], $0x4000  }
0x52: {  	[sflag:s17] =	ssyncset.done $0x0  }
0x53: {  	s1 =	sadd.s32 $0x14100, s29;
	[sflag:s17] =	ssyncadd.s32 $0xFFFFC000  }
0x54: {  	[tilespmem:s16], [sflag:$0x1] =	stream.indirect.gather [hbm4b:s4+s20], $0x80, s1, s20, $0xb8;
	[tilespmem:$0x1E800] =	vst v63  }
0x55: {  	_ =	swait.ge [sflag:s23], $0x4000  }
.Ltmp1:
0x56: {  	[sflag:s23] =	ssyncset.done $0x0;
	(pc) =	sbr.rel @p0 .LBB2_4-.Ltmp1, $4  }
0x57: {  	s1 =	sadd.s32 $0x15480, s29;
	[sflag:s23] =	ssyncadd.s32 $0xFFFFC000  }
0x58: {  	[spmem:s2] =	stream.indirect.scatter.add.f32 [tilespmem:s21], [sflag:$0x3], $0x80, s1, s20, $0xb8;
	[tilespmem:$0x1E800] =	vst v63  }
0x59: {  	_ =	swait.ge [sflag:s17], $0x4000  }
0x5a: {  	s30 =	smov.u32 s0;
	s29 =	sshra.s32 s31, $0x2;
	[sflag:s17] =	ssyncset.done $0x0  }
0x5b: {  	s0 =	sadd.s32 $0x14080, s29;
	[sflag:s17] =	ssyncadd.s32 $0xFFFFC000  }
0x5c: {  	[tilespmem:s21], [sflag:$0x2] =	stream.indirect.gather [hbm4b:s4+s20], $0x80, s0, s20, $0xb8;
	[tilespmem:$0x1E800] =	vst v63  }
0x5d: {  	_ =	swait.ge [sflag:s22], $0x4000  }
0x5e: {  	[sflag:s22] =	ssyncset.done $0x0  }
0x5f: {  	s1 =	sadd.s32 $0x15400, s29;
	[sflag:s22] =	ssyncadd.s32 $0xFFFFC000  }
0x60: {  	[spmem:s2] =	stream.indirect.scatter.add.f32 [tilespmem:s16], [sflag:$0x3], $0x80, s1, s20, $0xb8;
	[tilespmem:$0x1E800] =	vst v63  }
0x61: {  	_ =	swait.ge [sflag:s17], $0x4000  }
0x62: {  	[sflag:s17] =	ssyncset.done $0x0  }
0x63: {  	s31 =	sadd.s32 $0x14100, s29;
	[sflag:s17] =	ssyncadd.s32 $0xFFFFC000  }
0x64: {  	[tilespmem:s16], [sflag:$0x1] =	stream.indirect.gather [hbm4b:s4+s20], $0x80, s31, s20, $0xb8;
	[tilespmem:$0x1E800] =	vst v63  }
0x65: {  	_ =	swait.ge [sflag:s23], $0x4000  }
0x66: {  	[sflag:s23] =	ssyncset.done $0x0  }
0x67: {  	s1 =	sadd.s32 $0x15480, s29;
	[sflag:s23] =	ssyncadd.s32 $0xFFFFC000  }
0x68: {  	[spmem:s2] =	stream.indirect.scatter.add.f32 [tilespmem:s21], [sflag:$0x3], $0x80, s1, s20, $0xb8;
	[tilespmem:$0x1E800] =	vst v63  }
0x69: {  	_ =	swait.ge [sflag:s17], $0x4000  }
0x6a: {  	[sflag:s17] =	ssyncset.done $0x0  }
0x6b: {  	[sflag:s17] =	ssyncadd.s32 $0xFFFFC000  }
0x6c: {  	[tilespmem:s21], [sflag:$0x2] =	stream.indirect.gather [hbm4b:s4+s20], $0x80, s24, s20, $0xb8;
	[tilespmem:$0x1E800] =	vst v63  }
0x6d: {  	_ =	swait.ge [sflag:s22], $0x4000  }
0x6e: {  	[sflag:s22] =	ssyncset.done $0x0  }
0x6f: {  	[sflag:s22] =	ssyncadd.s32 $0xFFFFC000  }
0x70: {  	[spmem:s2] =	stream.indirect.scatter.add.f32 [tilespmem:s16], [sflag:$0x3], $0x80, s25, s20, $0xb8;
	[tilespmem:$0x1E800] =	vst v63  }
0x71: {  	_ =	swait.ge [sflag:s17], $0x4000  }
0x72: {  	[sflag:s17] =	ssyncset.done $0x0  }
0x73: {  	[sflag:s17] =	ssyncadd.s32 $0xFFFFC000  }
0x74: {  	_ =	swait.ge [sflag:s23], $0x4000  }
0x75: {  	[sflag:s23] =	ssyncset.done $0x0  }
0x76: {  	[sflag:s23] =	ssyncadd.s32 $0xFFFFC000  }
0x77: {  	[spmem:s2] =	stream.indirect.scatter.add.f32 [tilespmem:s21], [sflag:$0x3], $0x80, s26, s20, $0xb8;
	[tilespmem:$0x1E800] =	vst v63  }
0x78: {  	_ =	swait.ge [sflag:s17], $0x4000  }
0x79: {  	[sflag:s17] =	ssyncset.done $0x0  }
0x7a: {  	s31 =	simm.s32 $0x0;
	[sflag:s17] =	ssyncadd.s32 $0xFFFFC000  }
0x7b: {  	[tilespmem:s18], [sflag:$0x3] =	stream.linear.gather [hbm4b:s12+s31], $0x1400, $0x38;
	[tilespmem:$0x1E800] =	vst v63  }
0x7c: {  	_ =	swait.ge [sflag:s17], $0x1400  }
0x7d: {  	[sflag:s17] =	ssyncset.done $0x0  }
0x7e: {  	[sflag:s17] =	ssyncadd.s32 $0xFFFFEC00  }
0x7f: {  	[tilespmem:s19], [sflag:$0x3] =	stream.linear.gather [hbm4b:s13+s31], $0x1400, $0x38;
	[tilespmem:$0x1E800] =	vst v63  }
0x80: {  	_ =	swait.ge [sflag:s17], $0x1400  }
0x81: {  	[sflag:s17] =	ssyncset.done $0x0  }
0x82: {  	[sflag:s17] =	ssyncadd.s32 $0xFFFFEC00  }
0x83: {  	[tilespmem:s16], [sflag:$0x1] =	stream.indirect.gather [hbm4b:s4+s20], $0x80, s18, s20, $0xb8;
	[tilespmem:$0x1E800] =	vst v63  }
0x84: {  	s1 =	simm.s32 $0x14080  }
0x85: {  	[tilespmem:s21], [sflag:$0x2] =	stream.indirect.gather [hbm4b:s4+s20], $0x80, s1, s20, $0xb8;
	[tilespmem:$0x1E800] =	vst v63  }
0x86: {  	_ =	swait.ge [sflag:s22], $0x4000  }
0x87: {  	[sflag:s22] =	ssyncset.done $0x0  }
0x88: {  	s31 =	simm.s32 $0x15400;
	[sflag:s22] =	ssyncadd.s32 $0xFFFFC000  }
0x89: {  	[spmem:s2] =	stream.indirect.scatter.add.f32 [tilespmem:s16], [sflag:$0x3], $0x80, s31, s20, $0xb8;
	[tilespmem:$0x1E800] =	vst v63  }
0x8a: {  	_ =	swait.ge [sflag:s17], $0x4000  }
0x8b: {  	[sflag:s17] =	ssyncset.done $0x0  }
0x8c: {  	s1 =	simm.s32 $0x14100;
	[sflag:s17] =	ssyncadd.s32 $0xFFFFC000  }
0x8d: {  	[tilespmem:s16], [sflag:$0x1] =	stream.indirect.gather [hbm4b:s4+s20], $0x80, s1, s20, $0xb8;
	[tilespmem:$0x1E800] =	vst v63  }
0x8e: {  	_ =	swait.ge [sflag:s23], $0x4000  }
0x8f: {  	[sflag:s23] =	ssyncset.done $0x0  }
0x90: {  	s31 =	simm.s32 $0x15480;
	[sflag:s23] =	ssyncadd.s32 $0xFFFFC000  }
0x91: {  	[spmem:s2] =	stream.indirect.scatter.add.f32 [tilespmem:s21], [sflag:$0x3], $0x80, s31, s20, $0xb8;
	[tilespmem:$0x1E800] =	vst v63  }
0x92: {  	_ =	swait.ge [sflag:s17], $0x4000  }
0x93: {  	s30 =	simm.s32 $0x800;
	s29 =	simm.s32 $0x100;
	[sflag:s17] =	ssyncset.done $0x0  }
.LBB2_6:
0x94: {  	s0 =	sadd.s32 $0x14080, s29  }
0x95: {  	[sflag:s17] =	ssyncadd.s32 $0xFFFFC000;
	s1 =	smov.u32 s30;
	s31 =	sadd.s32 $0x400, s30  }
0x96: {  	[tilespmem:s21], [sflag:$0x2] =	stream.indirect.gather [hbm4b:s4+s20], $0x80, s0, s20, $0xb8;
	[tilespmem:$0x1E800] =	vst v63  }
0x97: {  	p0 =	sne.s32 s30, $0x4800;
	_ =	swait.ge [sflag:s22], $0x4000  }
0x98: {  	[sflag:s22] =	ssyncset.done $0x0  }
0x99: {  	s0 =	sadd.s32 $0x15400, s29;
	[sflag:s22] =	ssyncadd.s32 $0xFFFFC000  }
0x9a: {  	[spmem:s2] =	stream.indirect.scatter.add.f32 [tilespmem:s16], [sflag:$0x3], $0x80, s0, s20, $0xb8;
	[tilespmem:$0x1E800] =	vst v63  }
0x9b: {  	_ =	swait.ge [sflag:s17], $0x4000  }
0x9c: {  	[sflag:s17] =	ssyncset.done $0x0  }
0x9d: {  	s0 =	sadd.s32 $0x14100, s29;
	[sflag:s17] =	ssyncadd.s32 $0xFFFFC000  }
0x9e: {  	[tilespmem:s16], [sflag:$0x1] =	stream.indirect.gather [hbm4b:s4+s20], $0x80, s0, s20, $0xb8;
	[tilespmem:$0x1E800] =	vst v63  }
0x9f: {  	_ =	swait.ge [sflag:s23], $0x4000  }
.Ltmp2:
0xa0: {  	[sflag:s23] =	ssyncset.done $0x0;
	(pc) =	sbr.rel @p0 .LBB2_6-.Ltmp2, $4  }
0xa1: {  	s0 =	sadd.s32 $0x15480, s29;
	[sflag:s23] =	ssyncadd.s32 $0xFFFFC000  }
0xa2: {  	[spmem:s2] =	stream.indirect.scatter.add.f32 [tilespmem:s21], [sflag:$0x3], $0x80, s0, s20, $0xb8;
	[tilespmem:$0x1E800] =	vst v63  }
0xa3: {  	_ =	swait.ge [sflag:s17], $0x4000  }
0xa4: {  	s30 =	smov.u32 s31;
	s29 =	sshra.s32 s1, $0x2;
	[sflag:s17] =	ssyncset.done $0x0  }
0xa5: {  	s0 =	sadd.s32 $0x14080, s29;
	[sflag:s17] =	ssyncadd.s32 $0xFFFFC000  }
0xa6: {  	[tilespmem:s21], [sflag:$0x2] =	stream.indirect.gather [hbm4b:s4+s20], $0x80, s0, s20, $0xb8;
	[tilespmem:$0x1E800] =	vst v63  }
0xa7: {  	_ =	swait.ge [sflag:s22], $0x4000  }
0xa8: {  	[sflag:s22] =	ssyncset.done $0x0  }
0xa9: {  	s31 =	sadd.s32 $0x15400, s29;
	[sflag:s22] =	ssyncadd.s32 $0xFFFFC000  }
0xaa: {  	[spmem:s2] =	stream.indirect.scatter.add.f32 [tilespmem:s16], [sflag:$0x3], $0x80, s31, s20, $0xb8;
	[tilespmem:$0x1E800] =	vst v63  }
0xab: {  	_ =	swait.ge [sflag:s17], $0x4000  }
0xac: {  	[sflag:s17] =	ssyncset.done $0x0  }
0xad: {  	s1 =	sadd.s32 $0x14100, s29;
	[sflag:s17] =	ssyncadd.s32 $0xFFFFC000  }
0xae: {  	[tilespmem:s16], [sflag:$0x1] =	stream.indirect.gather [hbm4b:s4+s20], $0x80, s1, s20, $0xb8;
	[tilespmem:$0x1E800] =	vst v63  }
0xaf: {  	_ =	swait.ge [sflag:s23], $0x4000  }
0xb0: {  	[sflag:s23] =	ssyncset.done $0x0  }
0xb1: {  	s30 =	sadd.s32 $0x15480, s29;
	[sflag:s23] =	ssyncadd.s32 $0xFFFFC000  }
0xb2: {  	[spmem:s2] =	stream.indirect.scatter.add.f32 [tilespmem:s21], [sflag:$0x3], $0x80, s30, s20, $0xb8;
	[tilespmem:$0x1E800] =	vst v63  }
0xb3: {  	_ =	swait.ge [sflag:s17], $0x4000  }
0xb4: {  	[sflag:s17] =	ssyncset.done $0x0  }
0xb5: {  	[sflag:s17] =	ssyncadd.s32 $0xFFFFC000  }
0xb6: {  	[tilespmem:s21], [sflag:$0x2] =	stream.indirect.gather [hbm4b:s4+s20], $0x80, s24, s20, $0xb8;
	[tilespmem:$0x1E800] =	vst v63  }
0xb7: {  	_ =	swait.ge [sflag:s22], $0x4000  }
0xb8: {  	[sflag:s22] =	ssyncset.done $0x0  }
0xb9: {  	[sflag:s22] =	ssyncadd.s32 $0xFFFFC000  }
0xba: {  	[spmem:s2] =	stream.indirect.scatter.add.f32 [tilespmem:s16], [sflag:$0x3], $0x80, s25, s20, $0xb8;
	[tilespmem:$0x1E800] =	vst v63  }
0xbb: {  	_ =	swait.ge [sflag:s17], $0x4000  }
0xbc: {  	[sflag:s17] =	ssyncset.done $0x0  }
0xbd: {  	[sflag:s17] =	ssyncadd.s32 $0xFFFFC000  }
0xbe: {  	_ =	swait.ge [sflag:s23], $0x4000  }
0xbf: {  	[sflag:s23] =	ssyncset.done $0x0  }
0xc0: {  	[sflag:s23] =	ssyncadd.s32 $0xFFFFC000  }
0xc1: {  	[spmem:s2] =	stream.indirect.scatter.add.f32 [tilespmem:s21], [sflag:$0x3], $0x80, s26, s20, $0xb8;
	[tilespmem:$0x1E800] =	vst v63  }
0xc2: {  	s31 =	stileid.u32;
	_ =	swait.ge [sflag:s17], $0x4000  }
0xc3: {  	s28 =	sadd.s32 $0x1, s28;
	s0 =	sshll.u32 s31, $0x6;
	[sflag:s17] =	ssyncset.done $0x0  }
0xc4: {  	p0 =	sne.s32 s28, s15;
	s0 =	sor.u32 $0x1C03, s0;
	[sflag:s17] =	ssyncadd.s32 $0xFFFFC000  }
.Ltmp3:
0xc5: {  	s1 =	sshrl.u32 s5, $0x3;
	[bflag:$0x0] =	sbarrier.arrive $0xFFFF;
	(pc) =	sbr.rel @p0 .LBB2_1-.Ltmp3, $4  }
0xc6: {  	[hbm:s14], [sflag:s0] =	dma.local [spmem:s1], $0x2800  }
0xc7: {  	_ =	swait.ge [sflag:s17], $0x2800  }
0xc8: {  	[sflag:s17] =	ssyncset.done $0x0  }
0xc9: {  	[sflag:s17] =	ssyncadd.s32 $0xFFFFD800  }
0xca: {  	_ =	sfence.sel $0x180000  }
0xcb: {  	[bflag:$0x0] =	sbarrier.arrive $0xFFFF  }
0xcc: {  	_ =	strace $0x9000004A  }
0xcd: {  	s0 =	stileid.u32;
	[bflag:$0x2] =	sbarrier.arrive $0xFFFF  }
0xce: {  	p0 =	sne.s32 s0, $0x0;
	s0 =	rddreg [dreg:$0x2]  }
0xcf: {  	s0 =	sadd.s32 @!p0 $0x100000, s0  }
0xd0: {  	[sflag:s0] =	ssyncadd.tile.s32 @!p0 $0x1;
	_ =	shalt  }
.Lfunc_end2:
_tile_overlayer_lowered:
.L_overlay_start_2:
0xd1: {  	(tag) =	ssettag $0x2  }
0xd2: {  	s0 =	rddreg [dreg:$0x0];
	s2 =	stileid.u32  }
0xd3: {  	s1 =	rddreg [dreg:$0x1];
	p0 =	sne.s32 s2, $0x0  }
0xd4: {  	s3 =	rddreg [dreg:$0x2];
	[bflag:$0x3] =	sbarrier.arrive $0xFFFF;
	s2 =	simm.s32 @!p0 $0x1C03  }
0xd5: {  	[timem:s3], [sflag:s2] =	dma.local @!p0 [hbm:s0], s1  }
0xd6: {  	s0 =	simm.s32 @!p0 $0x3  }
0xd7: {  	_ =	swait.ge @!p0 [sflag:s0], s1  }
0xd8: {  	s1 =	ssub.s32 @!p0 $0x0, s1;
	[sflag:s0] =	ssyncset.done @!p0 $0x0  }
0xd9: {  	[sflag:s0] =	ssyncadd.s32 @!p0 s1  }
0xda: {  	[bflag:$0x3] =	sbarrier.arrive $0xFFFF  }
0xdb: {  	_ =	shalt  }

// kernel: kernel.14.cloned.1.call-start
scs
__scs_entry_jumppad:
0x0: {  	(pc) =	sbr.rel $0x88, $3  }
0x1: {  	(tag) =	ssettag $0x0;
	lr =	simm.s32 $0x1  }
0x2: {  	[smem:$0x3F9B] =	sst lr;
	_ =	strace $0xD0000000  }
0x3: {  	_ = 	snop  }
0x4: {  	_ = 	snop  }
0x5: {  	_ = 	snop  }
0x6: {  	_ = 	snop  }
0x7: {  	_ = 	snop  }
__scs_overlays_trampoline_lowered:
0x8: {  	[smem:$0x3FAA] =	sst s0  }
0x9: {  	[smem:$0x3FAB] =	sst s1  }
0xa: {  	[smem:$0x3FAC] =	sst s2  }
0xb: {  	[smem:$0x3FAD] =	sst s3  }
0xc: {  	[smem:$0x3FAE] =	sst s4  }
0xd: {  	[smem:$0x3FAF] =	sst s5  }
0xe: {  	[smem:$0x3FB0] =	sst s6  }
0xf: {  	[smem:$0x3FB1] =	sst s7  }
0x10: {  	[smem:$0x3FB2] =	sst s8  }
0x11: {  	[smem:$0x3FB3] =	sst s9;
	s0 =	simm.s32 @!p0 $0x0  }
0x12: {  	s1 =	sld [smem:$0x3F99];
	s0 =	simm.s32 @p0 $0x1  }
0x13: {  	[smem:$0x3FB4] =	sst s0;
	s0 =	simm.s32 @!p1 $0x0  }
0x14: {  	s2 =	sld [smem:$0x3F98];
	s0 =	simm.s32 @p1 $0x1  }
0x15: {  	[smem:$0x3FB5] =	sst s0;
	s0 =	simm.s32 @!p2 $0x0  }
0x16: {  	s3 =	sld [smem:$0x3FDB];
	s0 =	simm.s32 @p2 $0x1  }
0x17: {  	s4 =	simm.s32 $0x1BF5;
	[smem:$0x3FB7] =	sst s0  }
0x18: {  	s0 =	sld [smem:$0x3F9A];
	_ =	swait.ge [sflag:s4], $0x0  }
0x19: {  	s7 =	sld [smem:$0x3F9B]  }
0x1a: {  	s8 =	sadd.s32 $0xFFFFE003, lr  }
0x1b: {  	s9 =	sadd.s32 $0xFFFFFEF7, lr;
	s5 =	simm.s32 $0xFFFFFFFF;
	p2 =	slt.u32 s8, $0xFFFFF086  }
0x1c: {  	p1 =	slt.u32 s9, $0xF7A;
	s5 =	simm.s32 @!p2 $0x0  }
0x1d: {  	s5 =	simm.s32 @p1 $0x1;
	p0 =	seq.s32 s7, s2  }
0x1e: {  	s7 =	smul.u32 @!p0 $0xF7A, s2;
	p2 =	seq.s32 @!p0 s5, $0x0  }
0x1f: {  	s9 =	smul.u32 $0xF7A, s1;
	s8 =	simm.s32 @!p0 $0x1BF5;
	p2 =	por !p2, p0  }
0x20: {  	[sflag:s8] =	ssyncset.s32 @!p0 $0xFFFFF086;
	s6 =	sadd.s32 @!p0 s3, s7;
	s7 =	simm.s32 @!p0 $0x108  }
0x21: {  	s3 =	sadd.s32 s3, s9;
	s6 =	sadd.s32 @!p0 $0x88, s6;
	s7 =	simm.s32 @p2 $0x1082  }
0x22: {  	[simem:s7], [sflag:s8] =	dma.local @!p0 [hbm:s6], $0xF7A  }
0x23: {  	s9 =	sor.u32 $0xD0000000, s2;
	s6 =	simm.s32 $0x108;
	_ =	swait.ge @!p0 [sflag:s8], $0x0  }
0x24: {  	s3 =	sadd.s32 $0x88, s3;
	s6 =	simm.s32 @!p1 $0x1082;
	[sflag:s4] =	ssyncset.s32 $0xFFFFF086  }
0x25: {  	[simem:s6], [sflag:s4] =	dma.local [hbm:s3], $0xF7A  }
0x26: {  	[smem:$0x3F9B] =	sst s1;
	(tag) =	ssettag s2;
	_ =	strace s9  }
0x27: {  	s1 =	sld [smem:$0x3FAB]  }
0x28: {  	s2 =	sld [smem:$0x3FAC]  }
0x29: {  	s4 =	sld [smem:$0x3FAE]  }
0x2a: {  	p0 =	seq.s32 s5, $0x0;
	s5 =	sld [smem:$0x3FAF]  }
0x2b: {  	s6 =	sld [smem:$0x3FB0]  }
0x2c: {  	s7 =	sld [smem:$0x3FB1]  }
0x2d: {  	s3 =	simm.s32 $0x108;
	s8 =	sld [smem:$0x3FB2]  }
0x2e: {  	s3 =	simm.s32 @!p0 $0x1082;
	s9 =	sld [smem:$0x3FB3]  }
0x2f: {  	lr =	sadd.s32 s0, s3;
	s0 =	sld [smem:$0x3FAA]  }
0x30: {  	s3 =	sld [smem:$0x3FAD]  }
0x31: {  	[smem:$0x3FB6] =	sst s10  }
0x32: {  	s10 =	sld [smem:$0x3FB4];
	_ =	sdelay $0x3  }
0x33: {  	p0 =	seq.s32 s10, $0x1;
	s10 =	sld [smem:$0x3FB6];
	_ =	sdelay $0x3  }
0x34: {  	[smem:$0x3FB6] =	sst s10  }
0x35: {  	s10 =	sld [smem:$0x3FB5];
	_ =	sdelay $0x3  }
0x36: {  	p1 =	seq.s32 s10, $0x1;
	s10 =	sld [smem:$0x3FB6];
	_ =	sdelay $0x3  }
0x37: {  	[smem:$0x3FB6] =	sst s10  }
0x38: {  	s10 =	sld [smem:$0x3FB7]  }
0x39: {  	_ = 	snop;
	(pc) =	sbr.ind lr, $3  }
0x3a: {  	_ = 	snop  }
0x3b: {  	_ = 	snop  }
0x3c: {  	p2 =	seq.s32 s10, $0x1;
	s10 =	sld [smem:$0x3FB6]  }
0x3d: {  	_ =	shalt  }
0x3e: {  	_ =	shalt  }
0x3f: {  	_ =	shalt  }
0x40: {  	_ =	shalt  }
0x41: {  	_ =	shalt  }
0x42: {  	_ =	shalt  }
0x43: {  	_ =	shalt  }
0x44: {  	_ =	shalt  }
0x45: {  	_ =	shalt  }
0x46: {  	_ =	shalt  }
0x47: {  	_ =	shalt  }
0x48: {  	_ =	shalt  }
0x49: {  	_ =	shalt  }
0x4a: {  	_ =	shalt  }
0x4b: {  	_ =	shalt  }
0x4c: {  	_ =	shalt  }
0x4d: {  	_ =	shalt  }
0x4e: {  	_ =	shalt  }
0x4f: {  	_ =	shalt  }
0x50: {  	_ =	shalt  }
0x51: {  	_ =	shalt  }
0x52: {  	_ =	shalt  }
0x53: {  	_ =	shalt  }
0x54: {  	_ =	shalt  }
0x55: {  	_ =	shalt  }
0x56: {  	_ =	shalt  }
0x57: {  	_ =	shalt  }
0x58: {  	_ =	shalt  }
0x59: {  	_ =	shalt  }
0x5a: {  	_ =	shalt  }
0x5b: {  	_ =	shalt  }
0x5c: {  	_ =	shalt  }
0x5d: {  	_ =	shalt  }
0x5e: {  	_ =	shalt  }
0x5f: {  	_ =	shalt  }
0x60: {  	_ =	shalt  }
0x61: {  	_ =	shalt  }
0x62: {  	_ =	shalt  }
0x63: {  	_ =	shalt  }
0x64: {  	_ =	shalt  }
0x65: {  	_ =	shalt  }
0x66: {  	_ =	shalt  }
0x67: {  	_ =	shalt  }
0x68: {  	_ =	shalt  }
0x69: {  	_ =	shalt  }
0x6a: {  	_ =	shalt  }
0x6b: {  	_ =	shalt  }
0x6c: {  	_ =	shalt  }
0x6d: {  	_ =	shalt  }
0x6e: {  	_ =	shalt  }
0x6f: {  	_ =	shalt  }
0x70: {  	_ =	shalt  }
0x71: {  	_ =	shalt  }
0x72: {  	_ =	shalt  }
0x73: {  	_ =	shalt  }
0x74: {  	_ =	shalt  }
0x75: {  	_ =	shalt  }
0x76: {  	_ =	shalt  }
0x77: {  	_ =	shalt  }
0x78: {  	_ =	shalt  }
0x79: {  	_ =	shalt  }
0x7a: {  	_ =	shalt  }
0x7b: {  	_ =	shalt  }
0x7c: {  	_ =	shalt  }
0x7d: {  	_ =	shalt  }
0x7e: {  	_ =	shalt  }
0x7f: {  	_ =	shalt  }
0x80: {  	_ =	shalt  }
0x81: {  	_ =	shalt  }
0x82: {  	_ =	shalt  }
0x83: {  	_ =	shalt  }
0x84: {  	_ =	shalt  }
0x85: {  	_ =	shalt  }
0x86: {  	_ =	shalt  }
0x87: {  	_ =	shalt  }
.Lfunc_end0:
.L_simem_size_0:
called_computation.2_lowered:
.L_overlay_start_0:
0x88: {  	s2 =	sld [smem:$0x3FD9]  }
0x89: {  	s3 =	sld [smem:$0x3FFE];
	_ =	sdelay $0x1  }
0x8a: {  	s1 =	srdreg.scid  }
0x8b: {  	s0 =	sand.u32 $0x1, s1  }
0x8c: {  	s16 =	sshll.u32 s0, $0xA;
	s2 =	sadd.s32 s3, s2  }
0x8d: {  	s2 =	sadd.s32 s2, s16  }
0x8e: {  	[smem:$0x3FC2] =	sst s2  }
0x8f: {  	_ = 	snop  }
0x90: {  	(tm) =	ssettm $0x1  }
0x91: {  	s17 =	sld [smem:$0x3FFB];
	_ =	sdelay $0x3  }
0x92: {  	_ =	strace s17  }
0x93: {  	s2 =	sld [smem:$0x3FFC];
	_ =	sdelay $0x3  }
0x94: {  	_ =	strace s2  }
0x95: {  	s2 =	sld [smem:$0x3FFD];
	_ =	sdelay $0x3  }
0x96: {  	_ =	strace s2  }
0x97: {  	_ =	strace $0x8FFFFFFF  }
0x98: {  	s18 =	sld [smem:$0x3FDB];
	_ =	sdelay $0x1  }
0x99: {  	s19 =	simm.s32 $_scs_section_size  }
0x9a: {  	s4 =	simm.s32 $_size__tile_overlayer_lowered;
	s5 =	simm.s32 $_tile_overlayer_lowered  }
0x9b: {  	s22 =	simm.s32 $0x1BFF;
	s21 =	sshll.u32 s5, $0x1;
	s2 =	sadd.s32 s19, s18  }
0x9c: {  	s6 =	simm.s32 $0x0;
	s20 =	sshll.u32 s4, $0x1;
	s4 =	sadd.s32 s21, s2  }
0x9d: {  	[timem:s6], [sflag:s22] =	dma.local [hbm:s4], s20  }
0x9e: {  	_ =	swait.ge [sflag:s22], s20  }
0x9f: {  	s3 =	ssub.s32 $0x0, s20;
	[sflag:s22] =	ssyncset.done $0x0  }
0xa0: {  	[sflag:s22] =	ssyncadd.s32 s3;
	_ =	sdelay $0x1  }
0xa1: {  	s23 =	simm.s32 $0x1B8B  }
0xa2: {  	_ =	swait.ge [sflag:s23], $0x1  }
0xa3: {  	[sflag:s23] =	ssyncset.done $0x0  }
0xa4: {  	s25 =	simm.s32 $0x1B8E;
	s24 =	sld [smem:$0x3FFE];
	[sflag:s23] =	ssyncadd.s32 $0xFFFFFFFF  }
0xa5: {  	s26 =	simm.s32 $execute0_lowered;
	[smem:$0x3FD2] =	sst s25  }
0xa6: {  	s4 =	sshll.u32 s26, $0x1;
	_ =	strace $0x8000004C;
	[dreg:$0x1] =	wrdreg $0xFFFFFFFF  }
0xa7: {  	s28 =	simm.s32 $_size_execute0_lowered;
	s2 =	sadd.s32 s2, s4;
	[dreg:$0x0] =	wrdreg $0x0  }
0xa8: {  	s4 =	sshll.u32 s28, $0x1;
	[dreg:$0x2] =	wrdreg s2  }
0xa9: {  	[dreg:$0x3] =	wrdreg s4  }
0xaa: {  	[dreg:$0x4] =	wrdreg $0xC0  }
0xab: {  	_ =	task [dreg:s6], $0x5FFFF  }
0xac: {  	[dreg:$0x1] =	wrdreg $0xFFFFFFFF  }
0xad: {  	[dreg:$0x0] =	wrdreg $0x60  }
0xae: {  	[dreg:$0x2] =	wrdreg s24  }
0xaf: {  	[dreg:$0x3] =	wrdreg $0x0  }
0xb0: {  	[dreg:$0x4] =	wrdreg $0x9  }
0xb1: {  	_ =	task.clear_ibuf [dreg:s6], $0x5FFFF;
	_ =	strace $0x9000004C  }
0xb2: {  	s29 =	simm.s32 $0x9;
	_ =	strace $0x8000004E  }
0xb3: {  	_ =	swait.ge [sflag:s29], $0x1  }
0xb4: {  	[sflag:s29] =	ssyncadd.s32 $0xFFFFFFFF  }
0xb5: {  	_ =	strace $0x9000004E  }
0xb6: {  	_ =	sfence  }
0xb7: {  	s30 =	sld [smem:$0x0];
	_ =	sdelay $0x2  }
0xb8: {  	s31 =	sshll.u32 s1, $0xD;
	s1 =	sshrl.u32 s1, $0x2  }
0xb9: {  	s3 =	sand.u32 $0x4000, s31;
	s1 =	sadd.s32 s1, s30  }
0xba: {  	s0 =	sor.u32 s3, s0;
	s1 =	sshll.u32 s1, $0x11  }
0xbb: {  	s0 =	sor.u32 s1, s0  }
0xbc: {  	s0 =	sadd.s32 $0x8F2B, s0  }
0xbd: {  	[sflag:s0] =	ssyncadd.remote.s32 $0x1  }
0xbe: {  	_ =	sfence.sel $0xFFFF  }
0xbf: {  	[dreg:$0x0] =	wrdreg $0xFFFFFFFF;
	(pc) =	sbr.abs _section_cstart, $3  }
0xc0: {  	[dreg:$0x1] =	wrdreg $0xFFFFFFFF  }
0xc1: {  	_ =	task.clear_ibuf [dreg:s6], $0x2FFFF;
	_ =	strace $0x9FFFFFFF  }
0xc2: {  	(tm) =	ssettm $0x7FFFFFFF  }
0xc3: {  	_ =	shalt  }
tec
execute0_lowered:
.L_overlay_start_1:
0x0: {  	(tag) =	ssettag $0x1  }
0x1: {  	s1 =	srdreg.scid;
	s6 =	rddreg [dreg:$0x0]  }
0x2: {  	s0 =	stileid.u32;
	s2 =	rddreg [dreg:$0x1];
	s3 =	simm.s32 $0x0  }
0x3: {  	s16 =	simm.s32 $0x16800;
	s17 =	simm.s32 $0x3;
	s18 =	simm.s32 $0x14000  }
0x4: {  	s19 =	simm.s32 $0x15400;
	s20 =	simm.s32 $0x80;
	s21 =	simm.s32 $0x1A800  }
0x5: {  	s22 =	simm.s32 $0x1;
	s23 =	simm.s32 $0x2;
	s24 =	simm.s32 $0x15380  }
0x6: {  	s25 =	simm.s32 $0x16700;
	s28 =	simm.s32 $0x0;
	s8 =	smul.u32 $0x14000, s0  }
0x7: {  	s5 =	sand.u32 $0x1, s1;
	s26 =	sshll.u32 s0, $0x1;
	s10 =	smul.u32 $0x50000, s0  }
0x8: {  	[smem:$0x7FF] =	sst s3;
	s1 =	sor.u32 s5, s26;
	s7 =	smul.u32 $0x140000, s5  }
0x9: {  	_ =	strace $0x8000004D;
	s29 =	ssub.s32 $0x2, s5;
	s26 =	simm.s32 $0x16780  }
0xa: {  	s4 =	smul.u32 $0x2800, s1;
	s30 =	sshrl.u32 s10, $0x2;
	s31 =	sshrl.u32 s29, $0x1  }
0xb: {  	s7 =	sadd.s32 s8, s7;
	s5 =	sadd.s32 s30, s2;
	s15 =	ssub.s32 s29, s31  }
0xc: {  	s9 =	sshrl.u32 s4, $0x3;
	s4 =	sadd.s32 $0x16600, s6;
	s7 =	sshrl.u32 s7, $0x3  }
0xd: {  	s8 =	sadd.s32 $0xC000, s5;
	s15 =	smax.u32 s15, $0x1;
	s13 =	sadd.s32 s9, s6  }
0xe: {  	s14 =	sadd.s32 s7, s6;
	s6 =	sadd.s32 $0x4000, s5;
	s7 =	sadd.s32 $0x8000, s5  }
0xf: {  	s9 =	sadd.s32 $0x10000, s5;
	s10 =	sadd.s32 $0x2600, s13;
	s11 =	sadd.s32 $0xC600, s13  }
0x10: {  	v0 =	vimm.f32 $0.0e+00;
	s12 =	sadd.s32 $0x2880, s13;
	s13 =	sadd.s32 $0xC880, s13;
	s14 =	sadd.s32 $0x3E600, s14  }
.LBB2_1:
0x11: {  	s29 =	sand.u32 $0xFE00, s3  }
0x12: {  	s30 =	sand.u32 $0x70, s3;
	s31 =	sshrl.u32 s29, $0x2  }
0x13: {  	s29 =	simm.s32 $0x40;
	s31 =	sor.u32 s30, s31;
	s30 =	simm.s32 $0x0  }
.LBB2_2:
0x14: {  	p0 =	sne.s32 s29, $0xFFC0  }
0x15: {  	[tilespmem:s31+$0x16800] =	vst v0;
	s30 =	sadd.s32 $0x10, s30;
	s31 =	smov.u32 s29;
	s29 =	sadd.s32 $0x40, s29  }
.Ltmp0:
0x16: {  	(pc) =	sbr.rel @p0 .LBB2_2-.Ltmp0, $4  }
0x17: {  	_ = 	snop  }
0x18: {  	s31 =	sand.u32 $0xFE00, s31  }
0x19: {  	s1 =	sand.u32 $0x70, s30;
	s31 =	sshrl.u32 s31, $0x2  }
0x1a: {  	s31 =	sor.u32 s1, s31  }
0x1b: {  	[tilespmem:s31+$0x16800] =	vst v0  }
0x1c: {  	[spmem:s5] =	stream.linear.scatter [tilespmem:s16], [sflag:$0x3], $0x4000, $0x38;
	[tilespmem:$0x1E800] =	vst v63  }
0x1d: {  	_ =	swait.ge [sflag:s17], $0x4000  }
0x1e: {  	[sflag:s17] =	ssyncset.done $0x0  }
0x1f: {  	[sflag:s17] =	ssyncadd.s32 $0xFFFFC000  }
0x20: {  	[spmem:s6] =	stream.linear.scatter [tilespmem:s16], [sflag:$0x3], $0x4000, $0x38;
	[tilespmem:$0x1E800] =	vst v63  }
0x21: {  	_ =	swait.ge [sflag:s17], $0x4000  }
0x22: {  	[sflag:s17] =	ssyncset.done $0x0  }
0x23: {  	[sflag:s17] =	ssyncadd.s32 $0xFFFFC000  }
0x24: {  	[spmem:s7] =	stream.linear.scatter [tilespmem:s16], [sflag:$0x3], $0x4000, $0x38;
	[tilespmem:$0x1E800] =	vst v63  }
0x25: {  	_ =	swait.ge [sflag:s17], $0x4000  }
0x26: {  	[sflag:s17] =	ssyncset.done $0x0  }
0x27: {  	[sflag:s17] =	ssyncadd.s32 $0xFFFFC000  }
0x28: {  	[spmem:s8] =	stream.linear.scatter [tilespmem:s16], [sflag:$0x3], $0x4000, $0x38;
	[tilespmem:$0x1E800] =	vst v63  }
0x29: {  	_ =	swait.ge [sflag:s17], $0x4000  }
0x2a: {  	[sflag:s17] =	ssyncset.done $0x0  }
0x2b: {  	[sflag:s17] =	ssyncadd.s32 $0xFFFFC000  }
0x2c: {  	[spmem:s9] =	stream.linear.scatter [tilespmem:s16], [sflag:$0x3], $0x4000, $0x38;
	[tilespmem:$0x1E800] =	vst v63  }
0x2d: {  	_ =	swait.ge [sflag:s17], $0x4000  }
0x2e: {  	[sflag:s17] =	ssyncset.done $0x0  }
0x2f: {  	[sflag:s17] =	ssyncadd.s32 $0xFFFFC000  }
0x30: {  	s1 =	simm.s32 $0x0;
	[bflag:$0x0] =	sbarrier.arrive $0xFFFF  }
0x31: {  	[tilespmem:s18], [sflag:$0x3] =	stream.linear.gather [hbm4b:s10+s1], $0x1400, $0x38;
	[tilespmem:$0x1E800] =	vst v63  }
0x32: {  	_ =	swait.ge [sflag:s17], $0x1400  }
0x33: {  	[sflag:s17] =	ssyncset.done $0x0  }
0x34: {  	[sflag:s17] =	ssyncadd.s32 $0xFFFFEC00  }
0x35: {  	[tilespmem:s19], [sflag:$0x3] =	stream.linear.gather [hbm4b:s11+s1], $0x1400, $0x38;
	[tilespmem:$0x1E800] =	vst v63  }
0x36: {  	_ =	swait.ge [sflag:s17], $0x1400  }
0x37: {  	[sflag:s17] =	ssyncset.done $0x0  }
0x38: {  	[sflag:s17] =	ssyncadd.s32 $0xFFFFEC00  }
0x39: {  	[tilespmem:s16], [sflag:$0x1] =	stream.indirect.gather [hbm4b:s4+s20], $0x80, s18, s20, $0xb8;
	[tilespmem:$0x1E800] =	vst v63  }
0x3a: {  	s0 =	simm.s32 $0x14080  }
0x3b: {  	[tilespmem:s21], [sflag:$0x2] =	stream.indirect.gather [hbm4b:s4+s20], $0x80, s0, s20, $0xb8;
	[tilespmem:$0x1E800] =	vst v63  }
0x3c: {  	_ =	swait.ge [sflag:s22], $0x4000  }
0x3d: {  	[sflag:s22] =	ssyncset.done $0x0  }
0x3e: {  	s31 =	simm.s32 $0x15400;
	[sflag:s22] =	ssyncadd.s32 $0xFFFFC000  }
0x3f: {  	[spmem:s2] =	stream.indirect.scatter.add.f32 [tilespmem:s16], [sflag:$0x3], $0x80, s31, s20, $0xb8;
	[tilespmem:$0x1E800] =	vst v63  }
0x40: {  	_ =	swait.ge [sflag:s17], $0x4000  }
0x41: {  	[sflag:s17] =	ssyncset.done $0x0  }
0x42: {  	s0 =	simm.s32 $0x14100;
	[sflag:s17] =	ssyncadd.s32 $0xFFFFC000  }
0x43: {  	[tilespmem:s16], [sflag:$0x1] =	stream.indirect.gather [hbm4b:s4+s20], $0x80, s0, s20, $0xb8;
	[tilespmem:$0x1E800] =	vst v63  }
0x44: {  	_ =	swait.ge [sflag:s23], $0x4000  }
0x45: {  	[sflag:s23] =	ssyncset.done $0x0  }
0x46: {  	s31 =	simm.s32 $0x15480;
	[sflag:s23] =	ssyncadd.s32 $0xFFFFC000  }
0x47: {  	[spmem:s2] =	stream.indirect.scatter.add.f32 [tilespmem:s21], [sflag:$0x3], $0x80, s31, s20, $0xb8;
	[tilespmem:$0x1E800] =	vst v63  }
0x48: {  	_ =	swait.ge [sflag:s17], $0x4000  }
0x49: {  	s30 =	simm.s32 $0x800;
	s29 =	simm.s32 $0x100;
	[sflag:s17] =	ssyncset.done $0x0  }
.LBB2_4:
0x4a: {  	s1 =	sadd.s32 $0x14080, s29  }
0x4b: {  	[sflag:s17] =	ssyncadd.s32 $0xFFFFC000;
	s31 =	smov.u32 s30;
	s0 =	sadd.s32 $0x400, s30  }
0x4c: {  	[tilespmem:s21], [sflag:$0x2] =	stream.indirect.gather [hbm4b:s4+s20], $0x80, s1, s20, $0xb8;
	[tilespmem:$0x1E800] =	vst v63  }
0x4d: {  	p0 =	sne.s32 s30, $0x4800;
	_ =	swait.ge [sflag:s22], $0x4000  }
0x4e: {  	[sflag:s22] =	ssyncset.done $0x0  }
0x4f: {  	s1 =	sadd.s32 $0x15400, s29;
	[sflag:s22] =	ssyncadd.s32 $0xFFFFC000  }
0x50: {  	[spmem:s2] =	stream.indirect.scatter.add.f32 [tilespmem:s16], [sflag:$0x3], $0x80, s1, s20, $0xb8;
	[tilespmem:$0x1E800] =	vst v63  }
0x51: {  	_ =	swait.ge [sflag:s17], $0x4000  }
0x52: {  	[sflag:s17] =	ssyncset.done $0x0  }
0x53: {  	s1 =	sadd.s32 $0x14100, s29;
	[sflag:s17] =	ssyncadd.s32 $0xFFFFC000  }
0x54: {  	[tilespmem:s16], [sflag:$0x1] =	stream.indirect.gather [hbm4b:s4+s20], $0x80, s1, s20, $0xb8;
	[tilespmem:$0x1E800] =	vst v63  }
0x55: {  	_ =	swait.ge [sflag:s23], $0x4000  }
.Ltmp1:
0x56: {  	[sflag:s23] =	ssyncset.done $0x0;
	(pc) =	sbr.rel @p0 .LBB2_4-.Ltmp1, $4  }
0x57: {  	s1 =	sadd.s32 $0x15480, s29;
	[sflag:s23] =	ssyncadd.s32 $0xFFFFC000  }
0x58: {  	[spmem:s2] =	stream.indirect.scatter.add.f32 [tilespmem:s21], [sflag:$0x3], $0x80, s1, s20, $0xb8;
	[tilespmem:$0x1E800] =	vst v63  }
0x59: {  	_ =	swait.ge [sflag:s17], $0x4000  }
0x5a: {  	s30 =	smov.u32 s0;
	s29 =	sshra.s32 s31, $0x2;
	[sflag:s17] =	ssyncset.done $0x0  }
0x5b: {  	s0 =	sadd.s32 $0x14080, s29;
	[sflag:s17] =	ssyncadd.s32 $0xFFFFC000  }
0x5c: {  	[tilespmem:s21], [sflag:$0x2] =	stream.indirect.gather [hbm4b:s4+s20], $0x80, s0, s20, $0xb8;
	[tilespmem:$0x1E800] =	vst v63  }
0x5d: {  	_ =	swait.ge [sflag:s22], $0x4000  }
0x5e: {  	[sflag:s22] =	ssyncset.done $0x0  }
0x5f: {  	s1 =	sadd.s32 $0x15400, s29;
	[sflag:s22] =	ssyncadd.s32 $0xFFFFC000  }
0x60: {  	[spmem:s2] =	stream.indirect.scatter.add.f32 [tilespmem:s16], [sflag:$0x3], $0x80, s1, s20, $0xb8;
	[tilespmem:$0x1E800] =	vst v63  }
0x61: {  	_ =	swait.ge [sflag:s17], $0x4000  }
0x62: {  	[sflag:s17] =	ssyncset.done $0x0  }
0x63: {  	s31 =	sadd.s32 $0x14100, s29;
	[sflag:s17] =	ssyncadd.s32 $0xFFFFC000  }
0x64: {  	[tilespmem:s16], [sflag:$0x1] =	stream.indirect.gather [hbm4b:s4+s20], $0x80, s31, s20, $0xb8;
	[tilespmem:$0x1E800] =	vst v63  }
0x65: {  	_ =	swait.ge [sflag:s23], $0x4000  }
0x66: {  	[sflag:s23] =	ssyncset.done $0x0  }
0x67: {  	s1 =	sadd.s32 $0x15480, s29;
	[sflag:s23] =	ssyncadd.s32 $0xFFFFC000  }
0x68: {  	[spmem:s2] =	stream.indirect.scatter.add.f32 [tilespmem:s21], [sflag:$0x3], $0x80, s1, s20, $0xb8;
	[tilespmem:$0x1E800] =	vst v63  }
0x69: {  	_ =	swait.ge [sflag:s17], $0x4000  }
0x6a: {  	[sflag:s17] =	ssyncset.done $0x0  }
0x6b: {  	[sflag:s17] =	ssyncadd.s32 $0xFFFFC000  }
0x6c: {  	[tilespmem:s21], [sflag:$0x2] =	stream.indirect.gather [hbm4b:s4+s20], $0x80, s24, s20, $0xb8;
	[tilespmem:$0x1E800] =	vst v63  }
0x6d: {  	_ =	swait.ge [sflag:s22], $0x4000  }
0x6e: {  	[sflag:s22] =	ssyncset.done $0x0  }
0x6f: {  	[sflag:s22] =	ssyncadd.s32 $0xFFFFC000  }
0x70: {  	[spmem:s2] =	stream.indirect.scatter.add.f32 [tilespmem:s16], [sflag:$0x3], $0x80, s25, s20, $0xb8;
	[tilespmem:$0x1E800] =	vst v63  }
0x71: {  	_ =	swait.ge [sflag:s17], $0x4000  }
0x72: {  	[sflag:s17] =	ssyncset.done $0x0  }
0x73: {  	[sflag:s17] =	ssyncadd.s32 $0xFFFFC000  }
0x74: {  	_ =	swait.ge [sflag:s23], $0x4000  }
0x75: {  	[sflag:s23] =	ssyncset.done $0x0  }
0x76: {  	[sflag:s23] =	ssyncadd.s32 $0xFFFFC000  }
0x77: {  	[spmem:s2] =	stream.indirect.scatter.add.f32 [tilespmem:s21], [sflag:$0x3], $0x80, s26, s20, $0xb8;
	[tilespmem:$0x1E800] =	vst v63  }
0x78: {  	_ =	swait.ge [sflag:s17], $0x4000  }
0x79: {  	[sflag:s17] =	ssyncset.done $0x0  }
0x7a: {  	s31 =	simm.s32 $0x0;
	[sflag:s17] =	ssyncadd.s32 $0xFFFFC000  }
0x7b: {  	[tilespmem:s18], [sflag:$0x3] =	stream.linear.gather [hbm4b:s12+s31], $0x1400, $0x38;
	[tilespmem:$0x1E800] =	vst v63  }
0x7c: {  	_ =	swait.ge [sflag:s17], $0x1400  }
0x7d: {  	[sflag:s17] =	ssyncset.done $0x0  }
0x7e: {  	[sflag:s17] =	ssyncadd.s32 $0xFFFFEC00  }
0x7f: {  	[tilespmem:s19], [sflag:$0x3] =	stream.linear.gather [hbm4b:s13+s31], $0x1400, $0x38;
	[tilespmem:$0x1E800] =	vst v63  }
0x80: {  	_ =	swait.ge [sflag:s17], $0x1400  }
0x81: {  	[sflag:s17] =	ssyncset.done $0x0  }
0x82: {  	[sflag:s17] =	ssyncadd.s32 $0xFFFFEC00  }
0x83: {  	[tilespmem:s16], [sflag:$0x1] =	stream.indirect.gather [hbm4b:s4+s20], $0x80, s18, s20, $0xb8;
	[tilespmem:$0x1E800] =	vst v63  }
0x84: {  	s1 =	simm.s32 $0x14080  }
0x85: {  	[tilespmem:s21], [sflag:$0x2] =	stream.indirect.gather [hbm4b:s4+s20], $0x80, s1, s20, $0xb8;
	[tilespmem:$0x1E800] =	vst v63  }
0x86: {  	_ =	swait.ge [sflag:s22], $0x4000  }
0x87: {  	[sflag:s22] =	ssyncset.done $0x0  }
0x88: {  	s31 =	simm.s32 $0x15400;
	[sflag:s22] =	ssyncadd.s32 $0xFFFFC000  }
0x89: {  	[spmem:s2] =	stream.indirect.scatter.add.f32 [tilespmem:s16], [sflag:$0x3], $0x80, s31, s20, $0xb8;
	[tilespmem:$0x1E800] =	vst v63  }
0x8a: {  	_ =	swait.ge [sflag:s17], $0x4000  }
0x8b: {  	[sflag:s17] =	ssyncset.done $0x0  }
0x8c: {  	s1 =	simm.s32 $0x14100;
	[sflag:s17] =	ssyncadd.s32 $0xFFFFC000  }
0x8d: {  	[tilespmem:s16], [sflag:$0x1] =	stream.indirect.gather [hbm4b:s4+s20], $0x80, s1, s20, $0xb8;
	[tilespmem:$0x1E800] =	vst v63  }
0x8e: {  	_ =	swait.ge [sflag:s23], $0x4000  }
0x8f: {  	[sflag:s23] =	ssyncset.done $0x0  }
0x90: {  	s31 =	simm.s32 $0x15480;
	[sflag:s23] =	ssyncadd.s32 $0xFFFFC000  }
0x91: {  	[spmem:s2] =	stream.indirect.scatter.add.f32 [tilespmem:s21], [sflag:$0x3], $0x80, s31, s20, $0xb8;
	[tilespmem:$0x1E800] =	vst v63  }
0x92: {  	_ =	swait.ge [sflag:s17], $0x4000  }
0x93: {  	s30 =	simm.s32 $0x800;
	s29 =	simm.s32 $0x100;
	[sflag:s17] =	ssyncset.done $0x0  }
.LBB2_6:
0x94: {  	s0 =	sadd.s32 $0x14080, s29  }
0x95: {  	[sflag:s17] =	ssyncadd.s32 $0xFFFFC000;
	s1 =	smov.u32 s30;
	s31 =	sadd.s32 $0x400, s30  }
0x96: {  	[tilespmem:s21], [sflag:$0x2] =	stream.indirect.gather [hbm4b:s4+s20], $0x80, s0, s20, $0xb8;
	[tilespmem:$0x1E800] =	vst v63  }
0x97: {  	p0 =	sne.s32 s30, $0x4800;
	_ =	swait.ge [sflag:s22], $0x4000  }
0x98: {  	[sflag:s22] =	ssyncset.done $0x0  }
0x99: {  	s0 =	sadd.s32 $0x15400, s29;
	[sflag:s22] =	ssyncadd.s32 $0xFFFFC000  }
0x9a: {  	[spmem:s2] =	stream.indirect.scatter.add.f32 [tilespmem:s16], [sflag:$0x3], $0x80, s0, s20, $0xb8;
	[tilespmem:$0x1E800] =	vst v63  }
0x9b: {  	_ =	swait.ge [sflag:s17], $0x4000  }
0x9c: {  	[sflag:s17] =	ssyncset.done $0x0  }
0x9d: {  	s0 =	sadd.s32 $0x14100, s29;
	[sflag:s17] =	ssyncadd.s32 $0xFFFFC000  }
0x9e: {  	[tilespmem:s16], [sflag:$0x1] =	stream.indirect.gather [hbm4b:s4+s20], $0x80, s0, s20, $0xb8;
	[tilespmem:$0x1E800] =	vst v63  }
0x9f: {  	_ =	swait.ge [sflag:s23], $0x4000  }
.Ltmp2:
0xa0: {  	[sflag:s23] =	ssyncset.done $0x0;
	(pc) =	sbr.rel @p0 .LBB2_6-.Ltmp2, $4  }
0xa1: {  	s0 =	sadd.s32 $0x15480, s29;
	[sflag:s23] =	ssyncadd.s32 $0xFFFFC000  }
0xa2: {  	[spmem:s2] =	stream.indirect.scatter.add.f32 [tilespmem:s21], [sflag:$0x3], $0x80, s0, s20, $0xb8;
	[tilespmem:$0x1E800] =	vst v63  }
0xa3: {  	_ =	swait.ge [sflag:s17], $0x4000  }
0xa4: {  	s30 =	smov.u32 s31;
	s29 =	sshra.s32 s1, $0x2;
	[sflag:s17] =	ssyncset.done $0x0  }
0xa5: {  	s0 =	sadd.s32 $0x14080, s29;
	[sflag:s17] =	ssyncadd.s32 $0xFFFFC000  }
0xa6: {  	[tilespmem:s21], [sflag:$0x2] =	stream.indirect.gather [hbm4b:s4+s20], $0x80, s0, s20, $0xb8;
	[tilespmem:$0x1E800] =	vst v63  }
0xa7: {  	_ =	swait.ge [sflag:s22], $0x4000  }
0xa8: {  	[sflag:s22] =	ssyncset.done $0x0  }
0xa9: {  	s31 =	sadd.s32 $0x15400, s29;
	[sflag:s22] =	ssyncadd.s32 $0xFFFFC000  }
0xaa: {  	[spmem:s2] =	stream.indirect.scatter.add.f32 [tilespmem:s16], [sflag:$0x3], $0x80, s31, s20, $0xb8;
	[tilespmem:$0x1E800] =	vst v63  }
0xab: {  	_ =	swait.ge [sflag:s17], $0x4000  }
0xac: {  	[sflag:s17] =	ssyncset.done $0x0  }
0xad: {  	s1 =	sadd.s32 $0x14100, s29;
	[sflag:s17] =	ssyncadd.s32 $0xFFFFC000  }
0xae: {  	[tilespmem:s16], [sflag:$0x1] =	stream.indirect.gather [hbm4b:s4+s20], $0x80, s1, s20, $0xb8;
	[tilespmem:$0x1E800] =	vst v63  }
0xaf: {  	_ =	swait.ge [sflag:s23], $0x4000  }
0xb0: {  	[sflag:s23] =	ssyncset.done $0x0  }
0xb1: {  	s30 =	sadd.s32 $0x15480, s29;
	[sflag:s23] =	ssyncadd.s32 $0xFFFFC000  }
0xb2: {  	[spmem:s2] =	stream.indirect.scatter.add.f32 [tilespmem:s21], [sflag:$0x3], $0x80, s30, s20, $0xb8;
	[tilespmem:$0x1E800] =	vst v63  }
0xb3: {  	_ =	swait.ge [sflag:s17], $0x4000  }
0xb4: {  	[sflag:s17] =	ssyncset.done $0x0  }
0xb5: {  	[sflag:s17] =	ssyncadd.s32 $0xFFFFC000  }
0xb6: {  	[tilespmem:s21], [sflag:$0x2] =	stream.indirect.gather [hbm4b:s4+s20], $0x80, s24, s20, $0xb8;
	[tilespmem:$0x1E800] =	vst v63  }
0xb7: {  	_ =	swait.ge [sflag:s22], $0x4000  }
0xb8: {  	[sflag:s22] =	ssyncset.done $0x0  }
0xb9: {  	[sflag:s22] =	ssyncadd.s32 $0xFFFFC000  }
0xba: {  	[spmem:s2] =	stream.indirect.scatter.add.f32 [tilespmem:s16], [sflag:$0x3], $0x80, s25, s20, $0xb8;
	[tilespmem:$0x1E800] =	vst v63  }
0xbb: {  	_ =	swait.ge [sflag:s17], $0x4000  }
0xbc: {  	[sflag:s17] =	ssyncset.done $0x0  }
0xbd: {  	[sflag:s17] =	ssyncadd.s32 $0xFFFFC000  }
0xbe: {  	_ =	swait.ge [sflag:s23], $0x4000  }
0xbf: {  	[sflag:s23] =	ssyncset.done $0x0  }
0xc0: {  	[sflag:s23] =	ssyncadd.s32 $0xFFFFC000  }
0xc1: {  	[spmem:s2] =	stream.indirect.scatter.add.f32 [tilespmem:s21], [sflag:$0x3], $0x80, s26, s20, $0xb8;
	[tilespmem:$0x1E800] =	vst v63  }
0xc2: {  	s31 =	stileid.u32;
	_ =	swait.ge [sflag:s17], $0x4000  }
0xc3: {  	s28 =	sadd.s32 $0x1, s28;
	s0 =	sshll.u32 s31, $0x6;
	[sflag:s17] =	ssyncset.done $0x0  }
0xc4: {  	p0 =	sne.s32 s28, s15;
	s0 =	sor.u32 $0x1C03, s0;
	[sflag:s17] =	ssyncadd.s32 $0xFFFFC000  }
.Ltmp3:
0xc5: {  	s1 =	sshrl.u32 s5, $0x3;
	[bflag:$0x0] =	sbarrier.arrive $0xFFFF;
	(pc) =	sbr.rel @p0 .LBB2_1-.Ltmp3, $4  }
0xc6: {  	[hbm:s14], [sflag:s0] =	dma.local [spmem:s1], $0x2800  }
0xc7: {  	_ =	swait.ge [sflag:s17], $0x2800  }
0xc8: {  	[sflag:s17] =	ssyncset.done $0x0  }
0xc9: {  	[sflag:s17] =	ssyncadd.s32 $0xFFFFD800  }
0xca: {  	_ =	sfence.sel $0x180000  }
0xcb: {  	[bflag:$0x0] =	sbarrier.arrive $0xFFFF  }
0xcc: {  	_ =	strace $0x9000004D  }
0xcd: {  	s0 =	stileid.u32;
	[bflag:$0x2] =	sbarrier.arrive $0xFFFF  }
0xce: {  	p0 =	sne.s32 s0, $0x0;
	s0 =	rddreg [dreg:$0x2]  }
0xcf: {  	s0 =	sadd.s32 @!p0 $0x100000, s0  }
0xd0: {  	[sflag:s0] =	ssyncadd.tile.s32 @!p0 $0x1;
	_ =	shalt  }
.Lfunc_end2:
_tile_overlayer_lowered:
.L_overlay_start_2:
0xd1: {  	(tag) =	ssettag $0x2  }
0xd2: {  	s0 =	rddreg [dreg:$0x0];
	s2 =	stileid.u32  }
0xd3: {  	s1 =	rddreg [dreg:$0x1];
	p0 =	sne.s32 s2, $0x0  }
0xd4: {  	s3 =	rddreg [dreg:$0x2];
	[bflag:$0x3] =	sbarrier.arrive $0xFFFF;
	s2 =	simm.s32 @!p0 $0x1C03  }
0xd5: {  	[timem:s3], [sflag:s2] =	dma.local @!p0 [hbm:s0], s1  }
0xd6: {  	s0 =	simm.s32 @!p0 $0x3  }
0xd7: {  	_ =	swait.ge @!p0 [sflag:s0], s1  }
0xd8: {  	s1 =	ssub.s32 @!p0 $0x0, s1;
	[sflag:s0] =	ssyncset.done @!p0 $0x0  }
0xd9: {  	[sflag:s0] =	ssyncadd.s32 @!p0 s1  }
0xda: {  	[bflag:$0x3] =	sbarrier.arrive $0xFFFF  }
0xdb: {  	_ =	shalt  }

// kernel: kernel.8.cloned.1.call-start
scs
__scs_entry_jumppad:
0x0: {  	(pc) =	sbr.rel $0x88, $3  }
0x1: {  	(tag) =	ssettag $0x0;
	lr =	simm.s32 $0x1  }
0x2: {  	[smem:$0x3F9B] =	sst lr;
	_ =	strace $0xD0000000  }
0x3: {  	_ = 	snop  }
0x4: {  	_ = 	snop  }
0x5: {  	_ = 	snop  }
0x6: {  	_ = 	snop  }
0x7: {  	_ = 	snop  }
__scs_overlays_trampoline_lowered:
0x8: {  	[smem:$0x3FAA] =	sst s0  }
0x9: {  	[smem:$0x3FAB] =	sst s1  }
0xa: {  	[smem:$0x3FAC] =	sst s2  }
0xb: {  	[smem:$0x3FAD] =	sst s3  }
0xc: {  	[smem:$0x3FAE] =	sst s4  }
0xd: {  	[smem:$0x3FAF] =	sst s5  }
0xe: {  	[smem:$0x3FB0] =	sst s6  }
0xf: {  	[smem:$0x3FB1] =	sst s7  }
0x10: {  	[smem:$0x3FB2] =	sst s8  }
0x11: {  	[smem:$0x3FB3] =	sst s9;
	s0 =	simm.s32 @!p0 $0x0  }
0x12: {  	s1 =	sld [smem:$0x3F99];
	s0 =	simm.s32 @p0 $0x1  }
0x13: {  	[smem:$0x3FB4] =	sst s0;
	s0 =	simm.s32 @!p1 $0x0  }
0x14: {  	s2 =	sld [smem:$0x3F98];
	s0 =	simm.s32 @p1 $0x1  }
0x15: {  	[smem:$0x3FB5] =	sst s0;
	s0 =	simm.s32 @!p2 $0x0  }
0x16: {  	s3 =	sld [smem:$0x3FDB];
	s0 =	simm.s32 @p2 $0x1  }
0x17: {  	s4 =	simm.s32 $0x1BF5;
	[smem:$0x3FB7] =	sst s0  }
0x18: {  	s0 =	sld [smem:$0x3F9A];
	_ =	swait.ge [sflag:s4], $0x0  }
0x19: {  	s7 =	sld [smem:$0x3F9B]  }
0x1a: {  	s8 =	sadd.s32 $0xFFFFE003, lr  }
0x1b: {  	s9 =	sadd.s32 $0xFFFFFEF7, lr;
	s5 =	simm.s32 $0xFFFFFFFF;
	p2 =	slt.u32 s8, $0xFFFFF086  }
0x1c: {  	p1 =	slt.u32 s9, $0xF7A;
	s5 =	simm.s32 @!p2 $0x0  }
0x1d: {  	s5 =	simm.s32 @p1 $0x1;
	p0 =	seq.s32 s7, s2  }
0x1e: {  	s7 =	smul.u32 @!p0 $0xF7A, s2;
	p2 =	seq.s32 @!p0 s5, $0x0  }
0x1f: {  	s9 =	smul.u32 $0xF7A, s1;
	s8 =	simm.s32 @!p0 $0x1BF5;
	p2 =	por !p2, p0  }
0x20: {  	[sflag:s8] =	ssyncset.s32 @!p0 $0xFFFFF086;
	s6 =	sadd.s32 @!p0 s3, s7;
	s7 =	simm.s32 @!p0 $0x108  }
0x21: {  	s3 =	sadd.s32 s3, s9;
	s6 =	sadd.s32 @!p0 $0x88, s6;
	s7 =	simm.s32 @p2 $0x1082  }
0x22: {  	[simem:s7], [sflag:s8] =	dma.local @!p0 [hbm:s6], $0xF7A  }
0x23: {  	s9 =	sor.u32 $0xD0000000, s2;
	s6 =	simm.s32 $0x108;
	_ =	swait.ge @!p0 [sflag:s8], $0x0  }
0x24: {  	s3 =	sadd.s32 $0x88, s3;
	s6 =	simm.s32 @!p1 $0x1082;
	[sflag:s4] =	ssyncset.s32 $0xFFFFF086  }
0x25: {  	[simem:s6], [sflag:s4] =	dma.local [hbm:s3], $0xF7A  }
0x26: {  	[smem:$0x3F9B] =	sst s1;
	(tag) =	ssettag s2;
	_ =	strace s9  }
0x27: {  	s1 =	sld [smem:$0x3FAB]  }
0x28: {  	s2 =	sld [smem:$0x3FAC]  }
0x29: {  	s4 =	sld [smem:$0x3FAE]  }
0x2a: {  	p0 =	seq.s32 s5, $0x0;
	s5 =	sld [smem:$0x3FAF]  }
0x2b: {  	s6 =	sld [smem:$0x3FB0]  }
0x2c: {  	s7 =	sld [smem:$0x3FB1]  }
0x2d: {  	s3 =	simm.s32 $0x108;
	s8 =	sld [smem:$0x3FB2]  }
0x2e: {  	s3 =	simm.s32 @!p0 $0x1082;
	s9 =	sld [smem:$0x3FB3]  }
0x2f: {  	lr =	sadd.s32 s0, s3;
	s0 =	sld [smem:$0x3FAA]  }
0x30: {  	s3 =	sld [smem:$0x3FAD]  }
0x31: {  	[smem:$0x3FB6] =	sst s10  }
0x32: {  	s10 =	sld [smem:$0x3FB4];
	_ =	sdelay $0x3  }
0x33: {  	p0 =	seq.s32 s10, $0x1;
	s10 =	sld [smem:$0x3FB6];
	_ =	sdelay $0x3  }
0x34: {  	[smem:$0x3FB6] =	sst s10  }
0x35: {  	s10 =	sld [smem:$0x3FB5];
	_ =	sdelay $0x3  }
0x36: {  	p1 =	seq.s32 s10, $0x1;
	s10 =	sld [smem:$0x3FB6];
	_ =	sdelay $0x3  }
0x37: {  	[smem:$0x3FB6] =	sst s10  }
0x38: {  	s10 =	sld [smem:$0x3FB7]  }
0x39: {  	_ = 	snop;
	(pc) =	sbr.ind lr, $3  }
0x3a: {  	_ = 	snop  }
0x3b: {  	_ = 	snop  }
0x3c: {  	p2 =	seq.s32 s10, $0x1;
	s10 =	sld [smem:$0x3FB6]  }
0x3d: {  	_ =	shalt  }
0x3e: {  	_ =	shalt  }
0x3f: {  	_ =	shalt  }
0x40: {  	_ =	shalt  }
0x41: {  	_ =	shalt  }
0x42: {  	_ =	shalt  }
0x43: {  	_ =	shalt  }
0x44: {  	_ =	shalt  }
0x45: {  	_ =	shalt  }
0x46: {  	_ =	shalt  }
0x47: {  	_ =	shalt  }
0x48: {  	_ =	shalt  }
0x49: {  	_ =	shalt  }
0x4a: {  	_ =	shalt  }
0x4b: {  	_ =	shalt  }
0x4c: {  	_ =	shalt  }
0x4d: {  	_ =	shalt  }
0x4e: {  	_ =	shalt  }
0x4f: {  	_ =	shalt  }
0x50: {  	_ =	shalt  }
0x51: {  	_ =	shalt  }
0x52: {  	_ =	shalt  }
0x53: {  	_ =	shalt  }
0x54: {  	_ =	shalt  }
0x55: {  	_ =	shalt  }
0x56: {  	_ =	shalt  }
0x57: {  	_ =	shalt  }
0x58: {  	_ =	shalt  }
0x59: {  	_ =	shalt  }
0x5a: {  	_ =	shalt  }
0x5b: {  	_ =	shalt  }
0x5c: {  	_ =	shalt  }
0x5d: {  	_ =	shalt  }
0x5e: {  	_ =	shalt  }
0x5f: {  	_ =	shalt  }
0x60: {  	_ =	shalt  }
0x61: {  	_ =	shalt  }
0x62: {  	_ =	shalt  }
0x63: {  	_ =	shalt  }
0x64: {  	_ =	shalt  }
0x65: {  	_ =	shalt  }
0x66: {  	_ =	shalt  }
0x67: {  	_ =	shalt  }
0x68: {  	_ =	shalt  }
0x69: {  	_ =	shalt  }
0x6a: {  	_ =	shalt  }
0x6b: {  	_ =	shalt  }
0x6c: {  	_ =	shalt  }
0x6d: {  	_ =	shalt  }
0x6e: {  	_ =	shalt  }
0x6f: {  	_ =	shalt  }
0x70: {  	_ =	shalt  }
0x71: {  	_ =	shalt  }
0x72: {  	_ =	shalt  }
0x73: {  	_ =	shalt  }
0x74: {  	_ =	shalt  }
0x75: {  	_ =	shalt  }
0x76: {  	_ =	shalt  }
0x77: {  	_ =	shalt  }
0x78: {  	_ =	shalt  }
0x79: {  	_ =	shalt  }
0x7a: {  	_ =	shalt  }
0x7b: {  	_ =	shalt  }
0x7c: {  	_ =	shalt  }
0x7d: {  	_ =	shalt  }
0x7e: {  	_ =	shalt  }
0x7f: {  	_ =	shalt  }
0x80: {  	_ =	shalt  }
0x81: {  	_ =	shalt  }
0x82: {  	_ =	shalt  }
0x83: {  	_ =	shalt  }
0x84: {  	_ =	shalt  }
0x85: {  	_ =	shalt  }
0x86: {  	_ =	shalt  }
0x87: {  	_ =	shalt  }
.Lfunc_end0:
.L_simem_size_0:
called_computation_lowered:
.L_overlay_start_0:
0x88: {  	s2 =	sld [smem:$0x3FD9]  }
0x89: {  	s3 =	sld [smem:$0x3FFE];
	_ =	sdelay $0x1  }
0x8a: {  	s1 =	srdreg.scid  }
0x8b: {  	s0 =	sand.u32 $0x1, s1  }
0x8c: {  	s17 =	sshll.u32 s0, $0xA;
	s2 =	sadd.s32 s3, s2  }
0x8d: {  	s2 =	sadd.s32 s2, s17  }
0x8e: {  	[smem:$0x3FC2] =	sst s2  }
0x8f: {  	_ = 	snop  }
0x90: {  	s2 =	sld [smem:$0x3FD0];
	(tm) =	ssettm $0x1  }
0x91: {  	s18 =	sld [smem:$0x3FFB];
	_ =	sdelay $0x3  }
0x92: {  	_ =	strace s18  }
0x93: {  	s3 =	sld [smem:$0x3FFC];
	_ =	sdelay $0x3  }
0x94: {  	_ =	strace s3  }
0x95: {  	s3 =	sld [smem:$0x3FFD];
	_ =	sdelay $0x3  }
0x96: {  	_ =	strace s3  }
0x97: {  	_ =	strace $0x8FFFFFFF  }
0x98: {  	s19 =	sld [smem:$0x3FDB];
	_ =	sdelay $0x1  }
0x99: {  	s4 =	simm.s32 $_scs_section_size  }
0x9a: {  	s5 =	simm.s32 $_size__tile_overlayer_lowered;
	s6 =	simm.s32 $_tile_overlayer_lowered  }
0x9b: {  	s22 =	simm.s32 $0x1BFF;
	s21 =	sshll.u32 s6, $0x1;
	s3 =	sadd.s32 s4, s19  }
0x9c: {  	s7 =	simm.s32 $0x0;
	s20 =	sshll.u32 s5, $0x1;
	s5 =	sadd.s32 s21, s3  }
0x9d: {  	[timem:s7], [sflag:s22] =	dma.local [hbm:s5], s20  }
0x9e: {  	_ =	swait.ge [sflag:s22], s20  }
0x9f: {  	s4 =	ssub.s32 $0x0, s20;
	[sflag:s22] =	ssyncset.done $0x0  }
0xa0: {  	[sflag:s22] =	ssyncadd.s32 s4;
	_ =	sdelay $0x1  }
0xa1: {  	s23 =	simm.s32 $0x1B8B  }
0xa2: {  	_ =	swait.ge [sflag:s23], $0x1  }
0xa3: {  	[sflag:s23] =	ssyncset.done $0x0  }
0xa4: {  	s25 =	simm.s32 $0x1B8E;
	s24 =	sld [smem:$0x3FFE];
	[sflag:s23] =	ssyncadd.s32 $0xFFFFFFFF  }
0xa5: {  	s26 =	simm.s32 $execute0_lowered;
	[smem:$0x3FD2] =	sst s25  }
0xa6: {  	s5 =	sshll.u32 s26, $0x1;
	_ =	strace $0x80000046;
	[dreg:$0x1] =	wrdreg $0xFFFFFFFF  }
0xa7: {  	s28 =	simm.s32 $_size_execute0_lowered;
	s3 =	sadd.s32 s3, s5;
	[dreg:$0x0] =	wrdreg $0x0  }
0xa8: {  	s5 =	sshll.u32 s28, $0x1;
	[dreg:$0x2] =	wrdreg s3  }
0xa9: {  	[dreg:$0x3] =	wrdreg s5  }
0xaa: {  	[dreg:$0x4] =	wrdreg $0xC0  }
0xab: {  	_ =	task [dreg:s7], $0x5FFFF  }
0xac: {  	[dreg:$0x1] =	wrdreg $0xFFFFFFFF  }
0xad: {  	[dreg:$0x0] =	wrdreg $0x60  }
0xae: {  	[dreg:$0x2] =	wrdreg s24  }
0xaf: {  	[dreg:$0x3] =	wrdreg s2  }
0xb0: {  	[dreg:$0x4] =	wrdreg $0x0  }
0xb1: {  	[dreg:$0x5] =	wrdreg $0x9  }
0xb2: {  	_ =	task.clear_ibuf [dreg:s7], $0x6FFFF;
	_ =	strace $0x90000046  }
0xb3: {  	s29 =	simm.s32 $0x9;
	_ =	strace $0x80000048  }
0xb4: {  	_ =	swait.ge [sflag:s29], $0x1  }
0xb5: {  	[sflag:s29] =	ssyncadd.s32 $0xFFFFFFFF  }
0xb6: {  	_ =	strace $0x90000048  }
0xb7: {  	_ =	sfence  }
0xb8: {  	s30 =	sld [smem:$0x0];
	_ =	sdelay $0x2  }
0xb9: {  	s31 =	sshll.u32 s1, $0xD;
	s1 =	sshrl.u32 s1, $0x2  }
0xba: {  	s3 =	sand.u32 $0x4000, s31;
	s1 =	sadd.s32 s1, s30  }
0xbb: {  	s0 =	sor.u32 s3, s0;
	s1 =	sshll.u32 s1, $0x11  }
0xbc: {  	s0 =	sor.u32 s1, s0  }
0xbd: {  	s0 =	sadd.s32 $0x8F2B, s0  }
0xbe: {  	[sflag:s0] =	ssyncadd.remote.s32 $0x1  }
0xbf: {  	_ =	sfence.sel $0xFFFF  }
0xc0: {  	[dreg:$0x0] =	wrdreg $0xFFFFFFFF;
	(pc) =	sbr.abs _section_cstart, $3  }
0xc1: {  	[dreg:$0x1] =	wrdreg $0xFFFFFFFF  }
0xc2: {  	_ =	task.clear_ibuf [dreg:s7], $0x2FFFF;
	_ =	strace $0x9FFFFFFF  }
0xc3: {  	(tm) =	ssettm $0x7FFFFFFF  }
tec
execute0_lowered:
.L_overlay_start_1:
0x0: {  	(tag) =	ssettag $0x1  }
0x1: {  	s0 =	rddreg [dreg:$0x0]  }
0x2: {  	s1 =	srdreg.scid;
	s21 =	rddreg [dreg:$0x1]  }
0x3: {  	s13 =	stileid.u32;
	s4 =	rddreg [dreg:$0x2];
	s2 =	simm.s32 $0x0  }
0x4: {  	s28 =	simm.s32 $0x400;
	s29 =	simm.s32 $0xA280;
	s5 =	smul.u32 $0x5000, s13  }
0x5: {  	s31 =	simm.s32 $0xA000;
	s1 =	sand.u32 $0x1, s1;
	s30 =	smul.u32 $0x500, s13  }
0x6: {  	[smem:$0x7FF] =	sst s2;
	s7 =	sshrl.u32 s13, $0x3;
	s3 =	smul.u32 $0x50000, s1  }
0x7: {  	s25 =	sshll.u32 s13, $0x7;
	s6 =	ssub.s32 $0x2, s1;
	s7 =	smul.u32 $0x50000, s7  }
0x8: {  	_ =	strace $0x80000047;
	s1 =	sshll.u32 s1, $0x7;
	s24 =	sshrl.u32 s6, $0x1  }
0x9: {  	s3 =	sadd.s32 s5, s3;
	s22 =	ssub.s32 s6, s24;
	s26 =	sshrl.u32 s7, $0x2  }
0xa: {  	s5 =	sshrl.u32 s5, $0x2;
	s24 =	simm.s32 $0x1;
	s3 =	sshrl.u32 s3, $0x3  }
0xb: {  	s6 =	sadd.s32 s26, s4;
	s4 =	sadd.s32 s5, s4;
	s22 =	smax.u32 s22, $0x1  }
0xc: {  	s26 =	simm.s32 $0x80;
	s0 =	sadd.s32 s3, s0;
	s7 =	sadd.s32 $0x100, s4  }
0xd: {  	s8 =	sadd.s32 $0x180, s4;
	s9 =	sadd.s32 $0x200, s4;
	s10 =	sadd.s32 $0x280, s4  }
0xe: {  	s11 =	sadd.s32 $0x300, s4;
	s12 =	sadd.s32 $0x380, s4;
	s13 =	sadd.s32 $0x14000, s4  }
0xf: {  	s14 =	sadd.s32 $0x14080, s4;
	s15 =	sadd.s32 $0x14100, s4;
	s16 =	sadd.s32 $0x14180, s4  }
0x10: {  	s17 =	sadd.s32 $0x14200, s4;
	s3 =	sadd.s32 $0x2600, s0;
	s0 =	sand.u32 $0x380, s25  }
0x11: {  	s18 =	sadd.s32 $0x14280, s4;
	s5 =	sadd.s32 s0, s6;
	s0 =	sor.u32 s1, s30  }
0x12: {  	s19 =	sadd.s32 $0x14300, s4;
	s20 =	sadd.s32 $0x14380, s4;
	s0 =	sshrl.u32 s0, $0x3  }
0x13: {  	v0 =	vimm.f32 $0.0e+00;
	v1 =	vimm.f32 $1.000000000e+00;
	s25 =	simm.s32 $0x7800;
	s6 =	sadd.s32 $0x80, s4;
	s21 =	sadd.s32 s21, s0  }
.LBB2_1:
0x14: {  	s0 =	simm.s32 $0x40;
	s1 =	simm.s32 $0x0  }
.LBB2_2:
0x15: {  	p0 =	sne.s32 s0, $0x9FC0;
	[tilespmem:s1+$0x7800] =	vst v0;
	s1 =	smov.u32 s0;
	s0 =	sadd.s32 $0x40, s0  }
.Ltmp0:
0x16: {  	(pc) =	sbr.rel @p0 .LBB2_2-.Ltmp0, $2  }
0x17: {  	_ =	sdelay $0x2  }
0x18: {  	s1 =	sshra.s32 s1, $0x2  }
0x19: {  	[tilespmem:s1+$0x7800] =	vst v0;
	s0 =	simm.s32 $0x0;
	s23 =	simm.s32 $0x2800  }
0x1a: {  	[tilespmem:s23], [sflag:$0x1] =	stream.linear.gather [hbm4b:s3+s0], $0x5000, $0x38;
	[tilespmem:$0xA500] =	vst v63  }
0x1b: {  	s30 =	sand.u32 $0x1FE00, s0;
	_ =	swait.ge [sflag:s24], $0x5000  }
0x1c: {  	s0 =	sand.u32 $0x70, s0;
	s1 =	sshrl.u32 s30, $0x2;
	[sflag:s24] =	ssyncset.done $0x0  }
0x1d: {  	s0 =	sor.u32 s0, s1;
	[sflag:s24] =	ssyncadd.s32 $0xFFFFB000  }
0x1e: {  	v2 =	vld [tilespmem:s0+$0x2800];
	_ =	sdelay $0x4  }
0x1f: {  	s23 =	simm.s32 $0x40  }
0x20: {  	s23 =	sand.u32 $0x1FE00, s23;
	s1 =	simm.s32 $0x10;
	s0 =	simm.s32 $0x80  }
.LBB2_4:
0x21: {  	p0 =	sne.s32 s0, $0x13FC0;
	s30 =	sand.u32 $0x70, s1;
	s23 =	sshrl.u32 s23, $0x2  }
0x22: {  	s23 =	sor.u32 s30, s23;
	[tilespmem:v2+s25+$0x0] =	vst.idx.add.f32.msk $0xffff, v1  }
0x23: {  	v2 =	vld [tilespmem:s23+$0x2800];
	_ =	sdelay $0x1  }
.Ltmp1:
0x24: {  	(pc) =	sbr.rel @p0 .LBB2_4-.Ltmp1, $2  }
0x25: {  	_ =	sdelay $0x2  }
0x26: {  	s1 =	sadd.s32 $0x10, s1;
	s23 =	sand.u32 $0x1FE00, s0;
	s0 =	sadd.s32 $0x40, s0  }
0x27: {  	_ =	sdelay $0x2  }
0x28: {  	s0 =	sand.u32 $0x70, s1;
	s30 =	sshrl.u32 s23, $0x2  }
0x29: {  	[tilespmem:v2+s25+$0x0] =	vst.idx.add.f32.msk $0xffff, v1;
	s0 =	sor.u32 s0, s30  }
0x2a: {  	v2 =	vld [tilespmem:s0+$0x2800];
	_ =	sdelay $0x7  }
0x2b: {  	[tilespmem:v2+s25+$0x0] =	vst.idx.add.f32.msk $0xffff, v1  }
0x2c: {  	[spmem:s5] =	stream.strided.scatter [tilespmem:s25], [sflag:$0x1], $0x2800, s28, s26, $0x38;
	[tilespmem:$0xA500] =	vst v63  }
0x2d: {  	_ =	swait.ge [sflag:s24], $0x2800  }
0x2e: {  	[sflag:s24] =	ssyncset.done $0x0  }
0x2f: {  	[sflag:s24] =	ssyncadd.s32 $0xFFFFD800  }
0x30: {  	[bflag:$0x0] =	sbarrier.arrive $0xFFFF  }
0x31: {  	[tilespmem:$0xA000] =	vst v0  }
0x32: {  	[tilespmem:$0xA010] =	vst v0  }
0x33: {  	[tilespmem:$0xA020] =	vst v0  }
0x34: {  	[tilespmem:$0xA030] =	vst v0  }
0x35: {  	[tilespmem:$0xA040] =	vst v0  }
0x36: {  	[tilespmem:$0xA050] =	vst v0  }
0x37: {  	[tilespmem:$0xA060] =	vst v0  }
0x38: {  	[tilespmem:$0xA070] =	vst v0  }
0x39: {  	[tilespmem:$0xA080] =	vst v0  }
0x3a: {  	[tilespmem:$0xA090] =	vst v0  }
0x3b: {  	[tilespmem:$0xA0A0] =	vst v0  }
0x3c: {  	[tilespmem:$0xA0B0] =	vst v0  }
0x3d: {  	[tilespmem:$0xA0C0] =	vst v0  }
0x3e: {  	[tilespmem:$0xA0D0] =	vst v0  }
0x3f: {  	[tilespmem:$0xA0E0] =	vst v0  }
0x40: {  	[tilespmem:$0xA0F0] =	vst v0  }
0x41: {  	[tilespmem:$0xA100] =	vst v0  }
0x42: {  	[tilespmem:$0xA110] =	vst v0  }
0x43: {  	[tilespmem:$0xA120] =	vst v0  }
0x44: {  	[tilespmem:$0xA130] =	vst v0  }
0x45: {  	[tilespmem:$0xA140] =	vst v0  }
0x46: {  	[tilespmem:$0xA150] =	vst v0  }
0x47: {  	[tilespmem:$0xA160] =	vst v0  }
0x48: {  	[tilespmem:$0xA170] =	vst v0  }
0x49: {  	[tilespmem:$0xA180] =	vst v0  }
0x4a: {  	[tilespmem:$0xA190] =	vst v0  }
0x4b: {  	[tilespmem:$0xA1A0] =	vst v0  }
0x4c: {  	[tilespmem:$0xA1B0] =	vst v0  }
0x4d: {  	[tilespmem:$0xA1C0] =	vst v0  }
0x4e: {  	[tilespmem:$0xA1D0] =	vst v0  }
0x4f: {  	[tilespmem:$0xA1E0] =	vst v0  }
0x50: {  	[tilespmem:$0xA1F0] =	vst v0  }
0x51: {  	[tilespmem:$0xA200] =	vst v0  }
0x52: {  	[tilespmem:$0xA210] =	vst v0  }
0x53: {  	[tilespmem:$0xA220] =	vst v0  }
0x54: {  	[tilespmem:$0xA230] =	vst v0  }
0x55: {  	[tilespmem:$0xA240] =	vst v0  }
0x56: {  	[tilespmem:$0xA250] =	vst v0  }
0x57: {  	[tilespmem:$0xA260] =	vst v0  }
0x58: {  	[tilespmem:$0xA270] =	vst v0  }
0x59: {  	[tilespmem:s29], [sflag:$0x1] =	stream.strided.gather [spmem:s4], $0x280, s28, s26, $0x38;
	[tilespmem:$0xA500] =	vst v63  }
0x5a: {  	_ =	swait.ge [sflag:s24], $0x280  }
0x5b: {  	[sflag:s24] =	ssyncset.done $0x0  }
0x5c: {  	s1 =	simm.s32 $0x0;
	[sflag:s24] =	ssyncadd.s32 $0xFFFFFD80  }
0x5d: {  	s0 =	simm.s32 $0x40;
	v2 =	vld [tilespmem:s1+$0xA280]  }
.LBB2_6:
0x5e: {  	p0 =	sne.s32 s0, $0x9C0;
	v3 =	vld [tilespmem:s1+$0xA000];
	_ =	sdelay $0x2  }
.Ltmp2:
0x5f: {  	(pc) =	sbr.rel @p0 .LBB2_6-.Ltmp2, $4  }
0x60: {  	_ = 	snop  }
0x61: {  	v3 =	vadd.f32 v2, v3  }
0x62: {  	s23 =	sshra.s32 s0, $0x2  }
0x63: {  	s0 =	sadd.s32 $0x40, s0;
	v2 =	vld [tilespmem:s23+$0xA280];
	[tilespmem:s1+$0xA000] =	vst v3;
	s1 =	smov.u32 s23  }
0x64: {  	v3 =	vld [tilespmem:s1+$0xA000];
	_ =	sdelay $0x4  }
0x65: {  	v2 =	vadd.f32 v2, v3;
	_ =	sdelay $0x1  }
0x66: {  	[tilespmem:s1+$0xA000] =	vst v2  }
0x67: {  	[tilespmem:s29], [sflag:$0x1] =	stream.strided.gather [spmem:s6], $0x280, s28, s26, $0x38;
	[tilespmem:$0xA500] =	vst v63  }
0x68: {  	_ =	swait.ge [sflag:s24], $0x280  }
0x69: {  	[sflag:s24] =	ssyncset.done $0x0  }
0x6a: {  	s1 =	simm.s32 $0x0;
	[sflag:s24] =	ssyncadd.s32 $0xFFFFFD80  }
0x6b: {  	s0 =	simm.s32 $0x40;
	v2 =	vld [tilespmem:s1+$0xA280]  }
.LBB2_8:
0x6c: {  	p0 =	sne.s32 s0, $0x9C0;
	v3 =	vld [tilespmem:s1+$0xA000];
	_ =	sdelay $0x2  }
.Ltmp3:
0x6d: {  	(pc) =	sbr.rel @p0 .LBB2_8-.Ltmp3, $4  }
0x6e: {  	_ = 	snop  }
0x6f: {  	v3 =	vadd.f32 v2, v3  }
0x70: {  	s23 =	sshra.s32 s0, $0x2  }
0x71: {  	s0 =	sadd.s32 $0x40, s0;
	v2 =	vld [tilespmem:s23+$0xA280];
	[tilespmem:s1+$0xA000] =	vst v3;
	s1 =	smov.u32 s23  }
0x72: {  	v3 =	vld [tilespmem:s1+$0xA000];
	_ =	sdelay $0x4  }
0x73: {  	v2 =	vadd.f32 v2, v3;
	_ =	sdelay $0x1  }
0x74: {  	[tilespmem:s1+$0xA000] =	vst v2  }
0x75: {  	[tilespmem:s29], [sflag:$0x1] =	stream.strided.gather [spmem:s7], $0x280, s28, s26, $0x38;
	[tilespmem:$0xA500] =	vst v63  }
0x76: {  	_ =	swait.ge [sflag:s24], $0x280  }
0x77: {  	[sflag:s24] =	ssyncset.done $0x0  }
0x78: {  	s1 =	simm.s32 $0x0;
	[sflag:s24] =	ssyncadd.s32 $0xFFFFFD80  }
0x79: {  	s0 =	simm.s32 $0x40;
	v2 =	vld [tilespmem:s1+$0xA280]  }
.LBB2_10:
0x7a: {  	p0 =	sne.s32 s0, $0x9C0;
	v3 =	vld [tilespmem:s1+$0xA000];
	_ =	sdelay $0x2  }
.Ltmp4:
0x7b: {  	(pc) =	sbr.rel @p0 .LBB2_10-.Ltmp4, $4  }
0x7c: {  	_ = 	snop  }
0x7d: {  	v3 =	vadd.f32 v2, v3  }
0x7e: {  	s23 =	sshra.s32 s0, $0x2  }
0x7f: {  	s0 =	sadd.s32 $0x40, s0;
	v2 =	vld [tilespmem:s23+$0xA280];
	[tilespmem:s1+$0xA000] =	vst v3;
	s1 =	smov.u32 s23  }
0x80: {  	v3 =	vld [tilespmem:s1+$0xA000];
	_ =	sdelay $0x4  }
0x81: {  	v2 =	vadd.f32 v2, v3;
	_ =	sdelay $0x1  }
0x82: {  	[tilespmem:s1+$0xA000] =	vst v2  }
0x83: {  	[tilespmem:s29], [sflag:$0x1] =	stream.strided.gather [spmem:s8], $0x280, s28, s26, $0x38;
	[tilespmem:$0xA500] =	vst v63  }
0x84: {  	_ =	swait.ge [sflag:s24], $0x280  }
0x85: {  	[sflag:s24] =	ssyncset.done $0x0  }
0x86: {  	s1 =	simm.s32 $0x0;
	[sflag:s24] =	ssyncadd.s32 $0xFFFFFD80  }
0x87: {  	s0 =	simm.s32 $0x40;
	v2 =	vld [tilespmem:s1+$0xA280]  }
.LBB2_12:
0x88: {  	p0 =	sne.s32 s0, $0x9C0;
	v3 =	vld [tilespmem:s1+$0xA000];
	_ =	sdelay $0x2  }
.Ltmp5:
0x89: {  	(pc) =	sbr.rel @p0 .LBB2_12-.Ltmp5, $4  }
0x8a: {  	_ = 	snop  }
0x8b: {  	v3 =	vadd.f32 v2, v3  }
0x8c: {  	s23 =	sshra.s32 s0, $0x2  }
0x8d: {  	s0 =	sadd.s32 $0x40, s0;
	v2 =	vld [tilespmem:s23+$0xA280];
	[tilespmem:s1+$0xA000] =	vst v3;
	s1 =	smov.u32 s23  }
0x8e: {  	v3 =	vld [tilespmem:s1+$0xA000];
	_ =	sdelay $0x4  }
0x8f: {  	v2 =	vadd.f32 v2, v3;
	_ =	sdelay $0x1  }
0x90: {  	[tilespmem:s1+$0xA000] =	vst v2  }
0x91: {  	[tilespmem:s29], [sflag:$0x1] =	stream.strided.gather [spmem:s9], $0x280, s28, s26, $0x38;
	[tilespmem:$0xA500] =	vst v63  }
0x92: {  	_ =	swait.ge [sflag:s24], $0x280  }
0x93: {  	[sflag:s24] =	ssyncset.done $0x0  }
0x94: {  	s1 =	simm.s32 $0x0;
	[sflag:s24] =	ssyncadd.s32 $0xFFFFFD80  }
0x95: {  	s0 =	simm.s32 $0x40;
	v2 =	vld [tilespmem:s1+$0xA280]  }
.LBB2_14:
0x96: {  	p0 =	sne.s32 s0, $0x9C0;
	v3 =	vld [tilespmem:s1+$0xA000];
	_ =	sdelay $0x2  }
.Ltmp6:
0x97: {  	(pc) =	sbr.rel @p0 .LBB2_14-.Ltmp6, $4  }
0x98: {  	_ = 	snop  }
0x99: {  	v3 =	vadd.f32 v2, v3  }
0x9a: {  	s23 =	sshra.s32 s0, $0x2  }
0x9b: {  	s0 =	sadd.s32 $0x40, s0;
	v2 =	vld [tilespmem:s23+$0xA280];
	[tilespmem:s1+$0xA000] =	vst v3;
	s1 =	smov.u32 s23  }
0x9c: {  	v3 =	vld [tilespmem:s1+$0xA000];
	_ =	sdelay $0x4  }
0x9d: {  	v2 =	vadd.f32 v2, v3;
	_ =	sdelay $0x1  }
0x9e: {  	[tilespmem:s1+$0xA000] =	vst v2  }
0x9f: {  	[tilespmem:s29], [sflag:$0x1] =	stream.strided.gather [spmem:s10], $0x280, s28, s26, $0x38;
	[tilespmem:$0xA500] =	vst v63  }
0xa0: {  	_ =	swait.ge [sflag:s24], $0x280  }
0xa1: {  	[sflag:s24] =	ssyncset.done $0x0  }
0xa2: {  	s1 =	simm.s32 $0x0;
	[sflag:s24] =	ssyncadd.s32 $0xFFFFFD80  }
0xa3: {  	s0 =	simm.s32 $0x40;
	v2 =	vld [tilespmem:s1+$0xA280]  }
.LBB2_16:
0xa4: {  	p0 =	sne.s32 s0, $0x9C0;
	v3 =	vld [tilespmem:s1+$0xA000];
	_ =	sdelay $0x2  }
.Ltmp7:
0xa5: {  	(pc) =	sbr.rel @p0 .LBB2_16-.Ltmp7, $4  }
0xa6: {  	_ = 	snop  }
0xa7: {  	v3 =	vadd.f32 v2, v3  }
0xa8: {  	s23 =	sshra.s32 s0, $0x2  }
0xa9: {  	s0 =	sadd.s32 $0x40, s0;
	v2 =	vld [tilespmem:s23+$0xA280];
	[tilespmem:s1+$0xA000] =	vst v3;
	s1 =	smov.u32 s23  }
0xaa: {  	v3 =	vld [tilespmem:s1+$0xA000];
	_ =	sdelay $0x4  }
0xab: {  	v2 =	vadd.f32 v2, v3;
	_ =	sdelay $0x1  }
0xac: {  	[tilespmem:s1+$0xA000] =	vst v2  }
0xad: {  	[tilespmem:s29], [sflag:$0x1] =	stream.strided.gather [spmem:s11], $0x280, s28, s26, $0x38;
	[tilespmem:$0xA500] =	vst v63  }
0xae: {  	_ =	swait.ge [sflag:s24], $0x280  }
0xaf: {  	[sflag:s24] =	ssyncset.done $0x0  }
0xb0: {  	s1 =	simm.s32 $0x0;
	[sflag:s24] =	ssyncadd.s32 $0xFFFFFD80  }
0xb1: {  	s0 =	simm.s32 $0x40;
	v2 =	vld [tilespmem:s1+$0xA280]  }
.LBB2_18:
0xb2: {  	p0 =	sne.s32 s0, $0x9C0;
	v3 =	vld [tilespmem:s1+$0xA000];
	_ =	sdelay $0x2  }
.Ltmp8:
0xb3: {  	(pc) =	sbr.rel @p0 .LBB2_18-.Ltmp8, $4  }
0xb4: {  	_ = 	snop  }
0xb5: {  	v3 =	vadd.f32 v2, v3  }
0xb6: {  	s23 =	sshra.s32 s0, $0x2  }
0xb7: {  	s0 =	sadd.s32 $0x40, s0;
	v2 =	vld [tilespmem:s23+$0xA280];
	[tilespmem:s1+$0xA000] =	vst v3;
	s1 =	smov.u32 s23  }
0xb8: {  	v3 =	vld [tilespmem:s1+$0xA000];
	_ =	sdelay $0x4  }
0xb9: {  	v2 =	vadd.f32 v2, v3;
	_ =	sdelay $0x1  }
0xba: {  	[tilespmem:s1+$0xA000] =	vst v2  }
0xbb: {  	[tilespmem:s29], [sflag:$0x1] =	stream.strided.gather [spmem:s12], $0x280, s28, s26, $0x38;
	[tilespmem:$0xA500] =	vst v63  }
0xbc: {  	_ =	swait.ge [sflag:s24], $0x280  }
0xbd: {  	[sflag:s24] =	ssyncset.done $0x0  }
0xbe: {  	s1 =	simm.s32 $0x0;
	[sflag:s24] =	ssyncadd.s32 $0xFFFFFD80  }
0xbf: {  	s0 =	simm.s32 $0x40;
	v2 =	vld [tilespmem:s1+$0xA280]  }
.LBB2_20:
0xc0: {  	p0 =	sne.s32 s0, $0x9C0;
	v3 =	vld [tilespmem:s1+$0xA000];
	_ =	sdelay $0x2  }
.Ltmp9:
0xc1: {  	(pc) =	sbr.rel @p0 .LBB2_20-.Ltmp9, $4  }
0xc2: {  	_ = 	snop  }
0xc3: {  	v3 =	vadd.f32 v2, v3  }
0xc4: {  	s23 =	sshra.s32 s0, $0x2  }
0xc5: {  	s0 =	sadd.s32 $0x40, s0;
	v2 =	vld [tilespmem:s23+$0xA280];
	[tilespmem:s1+$0xA000] =	vst v3;
	s1 =	smov.u32 s23  }
0xc6: {  	v3 =	vld [tilespmem:s1+$0xA000];
	_ =	sdelay $0x4  }
0xc7: {  	v2 =	vadd.f32 v2, v3;
	_ =	sdelay $0x1  }
0xc8: {  	[tilespmem:s1+$0xA000] =	vst v2  }
0xc9: {  	[tilespmem:s29], [sflag:$0x1] =	stream.strided.gather [spmem:s13], $0x280, s28, s26, $0x38;
	[tilespmem:$0xA500] =	vst v63  }
0xca: {  	_ =	swait.ge [sflag:s24], $0x280  }
0xcb: {  	[sflag:s24] =	ssyncset.done $0x0  }
0xcc: {  	s1 =	simm.s32 $0x0;
	[sflag:s24] =	ssyncadd.s32 $0xFFFFFD80  }
0xcd: {  	s0 =	simm.s32 $0x40;
	v2 =	vld [tilespmem:s1+$0xA280]  }
.LBB2_22:
0xce: {  	p0 =	sne.s32 s0, $0x9C0;
	v3 =	vld [tilespmem:s1+$0xA000];
	_ =	sdelay $0x2  }
.Ltmp10:
0xcf: {  	(pc) =	sbr.rel @p0 .LBB2_22-.Ltmp10, $4  }
0xd0: {  	_ = 	snop  }
0xd1: {  	v3 =	vadd.f32 v2, v3  }
0xd2: {  	s23 =	sshra.s32 s0, $0x2  }
0xd3: {  	s0 =	sadd.s32 $0x40, s0;
	v2 =	vld [tilespmem:s23+$0xA280];
	[tilespmem:s1+$0xA000] =	vst v3;
	s1 =	smov.u32 s23  }
0xd4: {  	v3 =	vld [tilespmem:s1+$0xA000];
	_ =	sdelay $0x4  }
0xd5: {  	v2 =	vadd.f32 v2, v3;
	_ =	sdelay $0x1  }
0xd6: {  	[tilespmem:s1+$0xA000] =	vst v2  }
0xd7: {  	[tilespmem:s29], [sflag:$0x1] =	stream.strided.gather [spmem:s14], $0x280, s28, s26, $0x38;
	[tilespmem:$0xA500] =	vst v63  }
0xd8: {  	_ =	swait.ge [sflag:s24], $0x280  }
0xd9: {  	[sflag:s24] =	ssyncset.done $0x0  }
0xda: {  	s1 =	simm.s32 $0x0;
	[sflag:s24] =	ssyncadd.s32 $0xFFFFFD80  }
0xdb: {  	s0 =	simm.s32 $0x40;
	v2 =	vld [tilespmem:s1+$0xA280]  }
.LBB2_24:
0xdc: {  	p0 =	sne.s32 s0, $0x9C0;
	v3 =	vld [tilespmem:s1+$0xA000];
	_ =	sdelay $0x2  }
.Ltmp11:
0xdd: {  	(pc) =	sbr.rel @p0 .LBB2_24-.Ltmp11, $4  }
0xde: {  	_ = 	snop  }
0xdf: {  	v3 =	vadd.f32 v2, v3  }
0xe0: {  	s23 =	sshra.s32 s0, $0x2  }
0xe1: {  	s0 =	sadd.s32 $0x40, s0;
	v2 =	vld [tilespmem:s23+$0xA280];
	[tilespmem:s1+$0xA000] =	vst v3;
	s1 =	smov.u32 s23  }
0xe2: {  	v3 =	vld [tilespmem:s1+$0xA000];
	_ =	sdelay $0x4  }
0xe3: {  	v2 =	vadd.f32 v2, v3;
	_ =	sdelay $0x1  }
0xe4: {  	[tilespmem:s1+$0xA000] =	vst v2  }
0xe5: {  	[tilespmem:s29], [sflag:$0x1] =	stream.strided.gather [spmem:s15], $0x280, s28, s26, $0x38;
	[tilespmem:$0xA500] =	vst v63  }
0xe6: {  	_ =	swait.ge [sflag:s24], $0x280  }
0xe7: {  	[sflag:s24] =	ssyncset.done $0x0  }
0xe8: {  	s1 =	simm.s32 $0x0;
	[sflag:s24] =	ssyncadd.s32 $0xFFFFFD80  }
0xe9: {  	s0 =	simm.s32 $0x40;
	v2 =	vld [tilespmem:s1+$0xA280]  }
.LBB2_26:
0xea: {  	p0 =	sne.s32 s0, $0x9C0;
	v3 =	vld [tilespmem:s1+$0xA000];
	_ =	sdelay $0x2  }
.Ltmp12:
0xeb: {  	(pc) =	sbr.rel @p0 .LBB2_26-.Ltmp12, $4  }
0xec: {  	_ = 	snop  }
0xed: {  	v3 =	vadd.f32 v2, v3  }
0xee: {  	s23 =	sshra.s32 s0, $0x2  }
0xef: {  	s0 =	sadd.s32 $0x40, s0;
	v2 =	vld [tilespmem:s23+$0xA280];
	[tilespmem:s1+$0xA000] =	vst v3;
	s1 =	smov.u32 s23  }
0xf0: {  	v3 =	vld [tilespmem:s1+$0xA000];
	_ =	sdelay $0x4  }
0xf1: {  	v2 =	vadd.f32 v2, v3;
	_ =	sdelay $0x1  }
0xf2: {  	[tilespmem:s1+$0xA000] =	vst v2  }
0xf3: {  	[tilespmem:s29], [sflag:$0x1] =	stream.strided.gather [spmem:s16], $0x280, s28, s26, $0x38;
	[tilespmem:$0xA500] =	vst v63  }
0xf4: {  	_ =	swait.ge [sflag:s24], $0x280  }
0xf5: {  	[sflag:s24] =	ssyncset.done $0x0  }
0xf6: {  	s1 =	simm.s32 $0x0;
	[sflag:s24] =	ssyncadd.s32 $0xFFFFFD80  }
0xf7: {  	s0 =	simm.s32 $0x40;
	v2 =	vld [tilespmem:s1+$0xA280]  }
.LBB2_28:
0xf8: {  	p0 =	sne.s32 s0, $0x9C0;
	v3 =	vld [tilespmem:s1+$0xA000];
	_ =	sdelay $0x2  }
.Ltmp13:
0xf9: {  	(pc) =	sbr.rel @p0 .LBB2_28-.Ltmp13, $4  }
0xfa: {  	_ = 	snop  }
0xfb: {  	v3 =	vadd.f32 v2, v3  }
0xfc: {  	s23 =	sshra.s32 s0, $0x2  }
0xfd: {  	s0 =	sadd.s32 $0x40, s0;
	v2 =	vld [tilespmem:s23+$0xA280];
	[tilespmem:s1+$0xA000] =	vst v3;
	s1 =	smov.u32 s23  }
0xfe: {  	v3 =	vld [tilespmem:s1+$0xA000];
	_ =	sdelay $0x4  }
0xff: {  	v2 =	vadd.f32 v2, v3;
	_ =	sdelay $0x1  }
0x100: {  	[tilespmem:s1+$0xA000] =	vst v2  }
0x101: {  	[tilespmem:s29], [sflag:$0x1] =	stream.strided.gather [spmem:s17], $0x280, s28, s26, $0x38;
	[tilespmem:$0xA500] =	vst v63  }
0x102: {  	_ =	swait.ge [sflag:s24], $0x280  }
0x103: {  	[sflag:s24] =	ssyncset.done $0x0  }
0x104: {  	s1 =	simm.s32 $0x0;
	[sflag:s24] =	ssyncadd.s32 $0xFFFFFD80  }
0x105: {  	s0 =	simm.s32 $0x40;
	v2 =	vld [tilespmem:s1+$0xA280]  }
.LBB2_30:
0x106: {  	p0 =	sne.s32 s0, $0x9C0;
	v3 =	vld [tilespmem:s1+$0xA000];
	_ =	sdelay $0x2  }
.Ltmp14:
0x107: {  	(pc) =	sbr.rel @p0 .LBB2_30-.Ltmp14, $4  }
0x108: {  	_ = 	snop  }
0x109: {  	v3 =	vadd.f32 v2, v3  }
0x10a: {  	s23 =	sshra.s32 s0, $0x2  }
0x10b: {  	s0 =	sadd.s32 $0x40, s0;
	v2 =	vld [tilespmem:s23+$0xA280];
	[tilespmem:s1+$0xA000] =	vst v3;
	s1 =	smov.u32 s23  }
0x10c: {  	v3 =	vld [tilespmem:s1+$0xA000];
	_ =	sdelay $0x4  }
0x10d: {  	v2 =	vadd.f32 v2, v3;
	_ =	sdelay $0x1  }
0x10e: {  	[tilespmem:s1+$0xA000] =	vst v2  }
0x10f: {  	[tilespmem:s29], [sflag:$0x1] =	stream.strided.gather [spmem:s18], $0x280, s28, s26, $0x38;
	[tilespmem:$0xA500] =	vst v63  }
0x110: {  	_ =	swait.ge [sflag:s24], $0x280  }
0x111: {  	[sflag:s24] =	ssyncset.done $0x0  }
0x112: {  	s1 =	simm.s32 $0x0;
	[sflag:s24] =	ssyncadd.s32 $0xFFFFFD80  }
0x113: {  	s0 =	simm.s32 $0x40;
	v2 =	vld [tilespmem:s1+$0xA280]  }
.LBB2_32:
0x114: {  	p0 =	sne.s32 s0, $0x9C0;
	v3 =	vld [tilespmem:s1+$0xA000];
	_ =	sdelay $0x2  }
.Ltmp15:
0x115: {  	(pc) =	sbr.rel @p0 .LBB2_32-.Ltmp15, $4  }
0x116: {  	_ = 	snop  }
0x117: {  	v3 =	vadd.f32 v2, v3  }
0x118: {  	s23 =	sshra.s32 s0, $0x2  }
0x119: {  	s0 =	sadd.s32 $0x40, s0;
	v2 =	vld [tilespmem:s23+$0xA280];
	[tilespmem:s1+$0xA000] =	vst v3;
	s1 =	smov.u32 s23  }
0x11a: {  	v3 =	vld [tilespmem:s1+$0xA000];
	_ =	sdelay $0x4  }
0x11b: {  	v2 =	vadd.f32 v2, v3;
	_ =	sdelay $0x1  }
0x11c: {  	[tilespmem:s1+$0xA000] =	vst v2  }
0x11d: {  	[tilespmem:s29], [sflag:$0x1] =	stream.strided.gather [spmem:s19], $0x280, s28, s26, $0x38;
	[tilespmem:$0xA500] =	vst v63  }
0x11e: {  	_ =	swait.ge [sflag:s24], $0x280  }
0x11f: {  	[sflag:s24] =	ssyncset.done $0x0  }
0x120: {  	s1 =	simm.s32 $0x0;
	[sflag:s24] =	ssyncadd.s32 $0xFFFFFD80  }
0x121: {  	s0 =	simm.s32 $0x40;
	v2 =	vld [tilespmem:s1+$0xA280]  }
.LBB2_34:
0x122: {  	p0 =	sne.s32 s0, $0x9C0;
	v3 =	vld [tilespmem:s1+$0xA000];
	_ =	sdelay $0x2  }
.Ltmp16:
0x123: {  	(pc) =	sbr.rel @p0 .LBB2_34-.Ltmp16, $4  }
0x124: {  	_ = 	snop  }
0x125: {  	v3 =	vadd.f32 v2, v3  }
0x126: {  	s23 =	sshra.s32 s0, $0x2  }
0x127: {  	s0 =	sadd.s32 $0x40, s0;
	v2 =	vld [tilespmem:s23+$0xA280];
	[tilespmem:s1+$0xA000] =	vst v3;
	s1 =	smov.u32 s23  }
0x128: {  	v3 =	vld [tilespmem:s1+$0xA000];
	_ =	sdelay $0x4  }
0x129: {  	v2 =	vadd.f32 v2, v3;
	_ =	sdelay $0x1  }
0x12a: {  	[tilespmem:s1+$0xA000] =	vst v2  }
0x12b: {  	[tilespmem:s29], [sflag:$0x1] =	stream.strided.gather [spmem:s20], $0x280, s28, s26, $0x38;
	[tilespmem:$0xA500] =	vst v63  }
0x12c: {  	_ =	swait.ge [sflag:s24], $0x280  }
0x12d: {  	[sflag:s24] =	ssyncset.done $0x0  }
0x12e: {  	s1 =	simm.s32 $0x0;
	[sflag:s24] =	ssyncadd.s32 $0xFFFFFD80  }
0x12f: {  	s0 =	simm.s32 $0x40;
	v2 =	vld [tilespmem:s1+$0xA280]  }
.LBB2_36:
0x130: {  	p0 =	sne.s32 s0, $0x9C0;
	v3 =	vld [tilespmem:s1+$0xA000];
	_ =	sdelay $0x2  }
.Ltmp17:
0x131: {  	(pc) =	sbr.rel @p0 .LBB2_36-.Ltmp17, $4  }
0x132: {  	_ = 	snop  }
0x133: {  	v3 =	vadd.f32 v2, v3  }
0x134: {  	s23 =	sshra.s32 s0, $0x2  }
0x135: {  	s0 =	sadd.s32 $0x40, s0;
	v2 =	vld [tilespmem:s23+$0xA280];
	[tilespmem:s1+$0xA000] =	vst v3;
	s1 =	smov.u32 s23  }
0x136: {  	v3 =	vld [tilespmem:s1+$0xA000];
	_ =	sdelay $0x4  }
0x137: {  	s2 =	sadd.s32 $0x1, s2;
	v2 =	vadd.f32 v2, v3  }
0x138: {  	p0 =	sne.s32 s2, s22  }
.Ltmp18:
0x139: {  	s0 =	simm.s32 $0x100;
	[tilespmem:s1+$0xA000] =	vst v2;
	(pc) =	sbr.rel @p0 .LBB2_1-.Ltmp18, $4  }
0x13a: {  	[hbm4b:s21+s26] =	stream.strided.scatter [tilespmem:s31], [sflag:$0x1], $0x280, s0, s26, $0x38;
	[tilespmem:$0xA500] =	vst v63  }
0x13b: {  	_ =	swait.ge [sflag:s24], $0x280  }
0x13c: {  	[sflag:s24] =	ssyncset.done $0x0  }
0x13d: {  	[sflag:s24] =	ssyncadd.s32 $0xFFFFFD80  }
0x13e: {  	_ =	sfence.sel $0x180000  }
0x13f: {  	[bflag:$0x0] =	sbarrier.arrive $0xFFFF  }
0x140: {  	_ =	strace $0x90000047  }
0x141: {  	s0 =	stileid.u32;
	[bflag:$0x2] =	sbarrier.arrive $0xFFFF  }
0x142: {  	p0 =	sne.s32 s0, $0x0;
	s0 =	rddreg [dreg:$0x3]  }
0x143: {  	s0 =	sadd.s32 @!p0 $0x100000, s0  }
0x144: {  	[sflag:s0] =	ssyncadd.tile.s32 @!p0 $0x1;
	_ =	shalt  }
.Lfunc_end2:
_tile_overlayer_lowered:
.L_overlay_start_2:
0x145: {  	(tag) =	ssettag $0x2  }
0x146: {  	s0 =	rddreg [dreg:$0x0];
	s2 =	stileid.u32  }
0x147: {  	s1 =	rddreg [dreg:$0x1];
	p0 =	sne.s32 s2, $0x0  }
0x148: {  	s3 =	rddreg [dreg:$0x2];
	[bflag:$0x3] =	sbarrier.arrive $0xFFFF;
	s2 =	simm.s32 @!p0 $0x1C01  }
0x149: {  	[timem:s3], [sflag:s2] =	dma.local @!p0 [hbm:s0], s1  }
0x14a: {  	s0 =	simm.s32 @!p0 $0x1  }
0x14b: {  	_ =	swait.ge @!p0 [sflag:s0], s1  }
0x14c: {  	s1 =	ssub.s32 @!p0 $0x0, s1;
	[sflag:s0] =	ssyncset.done @!p0 $0x0  }
0x14d: {  	[sflag:s0] =	ssyncadd.s32 @!p0 s1  }
0x14e: {  	[bflag:$0x3] =	sbarrier.arrive $0xFFFF  }
0x14f: {  	_ =	shalt  }

</sc_bundles>
